<compile_context>
chip_gen: v7x
topology: tpu7x:2x2x1
jax: 0.10.2.dev20260603
libtpu: 0.0.44.dev20260713+nightly
codegen_flags: <defaults>
</compile_context>

<pallas_src>
import functools

import jax
import jax.numpy as jnp
from jax import lax
from jax.experimental import pallas as pl
from jax.experimental.pallas import tpu as pltpu
from jax.experimental.pallas import tpu_sc as plsc

EPS = 1e-15
N = 10000
E = 160000
F = 128
H = 4
HF = H * F
KVJ_W = 2 * HF + 3 * F
N_RBF = 20
CUTOFF = 5.0


_BN = 1000


def _k1_body(s_ref, vjc_ref, g_ref, b_ref, wq_ref, wk_ref, wv_ref,
             q_ref, kvj_ref):
    x = s_ref[...]
    m = jnp.mean(x, axis=1, keepdims=True)
    var = jnp.mean((x - m) ** 2, axis=1, keepdims=True)
    ln = (x - m) * lax.rsqrt(var + 1e-5) * g_ref[...] + b_ref[...]
    q_ref[...] = jnp.dot(ln, wq_ref[...], preferred_element_type=jnp.float32)
    kvj_ref[:, 0:HF] = jnp.dot(ln, wk_ref[...], preferred_element_type=jnp.float32)
    kvj_ref[:, HF:2 * HF] = jnp.dot(ln, wv_ref[...], preferred_element_type=jnp.float32)
    kvj_ref[:, 2 * HF:KVJ_W] = vjc_ref[...]


def _k1(s_j, vjc, ln_gamma, ln_beta, Wq, Wk, Wv):
    grid = (N // _BN,)
    return pl.pallas_call(
        _k1_body,
        grid=grid,
        in_specs=[
            pl.BlockSpec((_BN, F), lambda n: (n, 0)),
            pl.BlockSpec((_BN, 3 * F), lambda n: (n, 0)),
            pl.BlockSpec((1, F), lambda n: (0, 0)),
            pl.BlockSpec((1, F), lambda n: (0, 0)),
            pl.BlockSpec((F, HF), lambda n: (0, 0)),
            pl.BlockSpec((F, HF), lambda n: (0, 0)),
            pl.BlockSpec((F, HF), lambda n: (0, 0)),
        ],
        out_specs=[
            pl.BlockSpec((_BN, HF), lambda n: (n, 0)),
            pl.BlockSpec((_BN, KVJ_W), lambda n: (n, 0)),
        ],
        out_shape=[
            jax.ShapeDtypeStruct((N, HF), jnp.float32),
            jax.ShapeDtypeStruct((N, KVJ_W), jnp.float32),
        ],
    )(s_j, vjc, ln_gamma.reshape(1, F), ln_beta.reshape(1, F), Wq, Wk, Wv)



_NW = 32
_CHUNK = E // _NW
_BT2 = 40
_NB2 = _CHUNK // _BT2


def _mk_gather_body(width):
    def body_fn(tbl_hbm, idx_hbm, out_hbm, idx_v, b0, b1, s0, s1):
        wid = lax.axis_index("s") * 2 + lax.axis_index("c")
        base = wid * _CHUNK
        pltpu.sync_copy(idx_hbm.at[pl.ds(base, _CHUNK)], idx_v)

        def start(blk, buf, sem):
            pltpu.async_copy(tbl_hbm.at[idx_v.at[pl.ds(blk * _BT2, _BT2)]],
                             buf, sem)

        def finish(blk, buf, sem):
            pltpu.make_async_copy(
                tbl_hbm.at[idx_v.at[pl.ds(blk * _BT2, _BT2)]], buf, sem).wait()
            pltpu.sync_copy(buf, out_hbm.at[pl.ds(base + blk * _BT2, _BT2)])

        start(0, b0, s0)

        def body(k2, _):
            ka = 2 * k2
            start(ka + 1, b1, s1)
            finish(ka, b0, s0)
            start(ka + 2, b0, s0)
            finish(ka + 1, b1, s1)
            return 0

        lax.fori_loop(0, _NB2 // 2, body, 0)
        finish(_NB2 - 1, b0, s0)
    return body_fn


def _gather(tbl, idx, width):
    mesh = plsc.VectorSubcoreMesh(core_axis_name="c", subcore_axis_name="s",
                                  num_cores=2, num_subcores=16)
    f = pl.kernel(
        _mk_gather_body(width), mesh=mesh,
        out_type=jax.ShapeDtypeStruct((E, width), jnp.float32),
        scratch_types=[
            pltpu.VMEM((_CHUNK,), jnp.int32),
            pltpu.VMEM((_BT2, width), jnp.float32),
            pltpu.VMEM((_BT2, width), jnp.float32),
            pltpu.SemaphoreType.DMA,
            pltpu.SemaphoreType.DMA,
        ],
    )
    return f(tbl, idx)


def _k2(Q, KVJ, idx_i, idx_j):
    Gq = _gather(Q, idx_i, HF)
    Gkvj = _gather(KVJ, idx_j, KVJ_W)
    return Gq, Gkvj



_BT3 = 640


def _k3_body(r_ref, gq_ref, gkvj_ref, wdk_ref, bdk_ref, wdv_ref, bdv_ref,
             wd_ref, bd_ref, p_ref):
    r = r_ref[...]
    dist = jnp.sqrt(jnp.sum(r * r + EPS, axis=1, keepdims=True))
    unit = r / dist
    mu = lax.broadcasted_iota(jnp.int32, (1, N_RBF), 1).astype(jnp.float32) * (
        CUTOFF / (N_RBF - 1))
    sigma = CUTOFF / (N_RBF - 1)
    rbf = jnp.exp(-((dist - mu) ** 2) / (2.0 * sigma * sigma))

    def silu(x):
        return x / (1.0 + jnp.exp(-x))

    dk = silu(jnp.dot(rbf, wdk_ref[...], preferred_element_type=jnp.float32)
              + bdk_ref[...])
    dv = silu(jnp.dot(rbf, wdv_ref[...], preferred_element_type=jnp.float32)
              + bdv_ref[...])
    q = gq_ref[...]
    k = gkvj_ref[:, 0:HF]
    v = gkvj_ref[:, HF:2 * HF]
    t = q * k * dk
    chunks = []
    for h in range(H):
        sl = slice(h * F, (h + 1) * F)
        logit = jnp.sum(t[:, sl], axis=1, keepdims=True)
        attn = silu(logit)
        chunks.append(v[:, sl] * dv[:, sl] * attn)
    msg = jnp.concatenate(chunks, axis=1)
    inv = jnp.dot(msg, wd_ref[...], preferred_element_type=jnp.float32) \
        + bd_ref[...]
    s0 = inv[:, 0:F]
    s1 = inv[:, F:2 * F]
    s2 = inv[:, 2 * F:3 * F]
    p_ref[0] = s1
    for c in range(3):
        vjc = gkvj_ref[:, 2 * HF + c * F:2 * HF + (c + 1) * F]
        p_ref[1 + c] = s0 * vjc + s2 * unit[:, c:c + 1]


def _k3(r_ij, Gq, Gkvj, Wdk, bdk, Wdv, bdv, Wd, bd):
    grid = (E // _BT3,)
    return pl.pallas_call(
        _k3_body,
        grid=grid,
        in_specs=[
            pl.BlockSpec((_BT3, 3), lambda e: (e, 0)),
            pl.BlockSpec((_BT3, HF), lambda e: (e, 0)),
            pl.BlockSpec((_BT3, KVJ_W), lambda e: (e, 0)),
            pl.BlockSpec((N_RBF, HF), lambda e: (0, 0)),
            pl.BlockSpec((1, HF), lambda e: (0, 0)),
            pl.BlockSpec((N_RBF, HF), lambda e: (0, 0)),
            pl.BlockSpec((1, HF), lambda e: (0, 0)),
            pl.BlockSpec((HF, 3 * F), lambda e: (0, 0)),
            pl.BlockSpec((1, 3 * F), lambda e: (0, 0)),
        ],
        out_specs=pl.BlockSpec((4, _BT3, F), lambda e: (0, e, 0)),
        out_shape=jax.ShapeDtypeStruct((4, E, F), jnp.float32),
    )(r_ij, Gq, Gkvj, Wdk, bdk.reshape(1, HF), Wdv, bdv.reshape(1, HF),
      Wd, bd.reshape(1, 3 * F))



_NT = 16
_EPT = E // _NT
_BT4 = 80
_NB4 = _EPT // _BT4
_NPAD = 10240
_RPT = _NPAD // _NT


def _k4_body(p_hbm, ii_hbm, z_hbm, o_hbm, acc, ib0, ib1, rb0, rb1, s0, s1):
    cid = lax.axis_index("c")
    sid = lax.axis_index("s")
    row0 = sid * _RPT

    for rnd in range(2):
        comp = 2 * cid + rnd

        def zbody(t, _):
            rs = row0 + t * 80
            pltpu.sync_copy(z_hbm.at[pl.ds(rs, 80)], rb0)
            pltpu.sync_copy(rb0, acc.at[pl.ds(rs, 80)])
            return 0

        lax.fori_loop(0, _RPT // 80, zbody, 0)
        plsc.subcore_barrier()

        def start(blk, ib, rb, sem):
            off = sid * _EPT + blk * _BT4
            pltpu.sync_copy(ii_hbm.at[pl.ds(off, _BT4)], ib)
            pltpu.async_copy(p_hbm.at[comp, pl.ds(off, _BT4)], rb, sem)

        def finish(blk, ib, rb, sem):
            off = sid * _EPT + blk * _BT4
            pltpu.make_async_copy(p_hbm.at[comp, pl.ds(off, _BT4)], rb,
                                  sem).wait()
            pltpu.sync_copy(rb, acc.at[ib], add=True)

        start(0, ib0, rb0, s0)

        def body(k2, _):
            ka = 2 * k2
            start(ka + 1, ib1, rb1, s1)
            finish(ka, ib0, rb0, s0)
            start(ka + 2, ib0, rb0, s0)
            finish(ka + 1, ib1, rb1, s1)
            return 0

        lax.fori_loop(0, _NB4 // 2, body, 0)
        finish(_NB4 - 1, ib0, rb0, s0)
        plsc.subcore_barrier()

        def obody(t, _):
            rs = row0 + t * 80
            pltpu.sync_copy(acc.at[pl.ds(rs, 80)], rb0)
            pltpu.sync_copy(rb0, o_hbm.at[comp, pl.ds(rs, 80)])
            return 0

        lax.fori_loop(0, _RPT // 80, obody, 0)
        plsc.subcore_barrier()


def _k4(P, idx_i, zeros_n):
    mesh = plsc.VectorSubcoreMesh(core_axis_name="c", subcore_axis_name="s",
                                  num_cores=2, num_subcores=16)
    f = pl.kernel(
        _k4_body, mesh=mesh,
        out_type=jax.ShapeDtypeStruct((4, _NPAD, F), jnp.float32),
        scratch_types=[
            pltpu.VMEM_SHARED((_NPAD, F), jnp.float32),
            pltpu.VMEM((_BT4,), jnp.int32),
            pltpu.VMEM((_BT4,), jnp.int32),
            pltpu.VMEM((_BT4, F), jnp.float32),
            pltpu.VMEM((_BT4, F), jnp.float32),
            pltpu.SemaphoreType.DMA,
            pltpu.SemaphoreType.DMA,
        ],
    )
    return f(P, idx_i, zeros_n)



def kernel(s_j, v_j, r_ij, nbrs, ln_gamma, ln_beta, Wq, Wk, Wv, Wdk, bdk,
           Wdv, bdv, Wd, bd):
    idx_i = nbrs[:, 0].astype(jnp.int32)
    idx_j = nbrs[:, 1].astype(jnp.int32)
    vjc = jnp.transpose(v_j, (0, 2, 1)).reshape(N, 3 * F)
    Q, KVJ = _k1(s_j, vjc, ln_gamma, ln_beta, Wq, Wk, Wv)
    Gq, Gkvj = _k2(Q, KVJ, idx_i, idx_j)
    P = _k3(r_ij, Gq, Gkvj, Wdk, bdk, Wdv, bdv, Wd, bd)
    zeros_n = jnp.zeros((_NPAD, F), jnp.float32)
    O = _k4(P, idx_i, zeros_n)
    delta_s = O[0, :N]
    delta_v = jnp.stack([O[1, :N], O[2, :N], O[3, :N]], axis=-1)
    return delta_s, delta_v

# --- scband reference (transcript-rebuilt; emitter-appended) ---
"""Pipeline reference for scband-transformer-message-block-13005160972670 (READ-ONLY COPY).

The authoritative reference and input builder live on the scoring server;
editing this copy changes nothing except your own understanding.
"""

import jax, jax.numpy as jnp
import numpy as np

EPS = 1e-15
N = 10000
E = 160000
F = 128
H = 4
N_RBF = 20
CUTOFF = 5.0


def gaussian_rbf(dist):
    mu = jnp.linspace(0.0, CUTOFF, N_RBF)
    sigma = CUTOFF / (N_RBF - 1)
    return jnp.exp(-((dist[:, None] - mu[None, :]) ** 2) / (2.0 * sigma ** 2))


def layer_norm(x, g, b):
    m = x.mean(-1, keepdims=True)
    v = x.var(-1, keepdims=True)
    return (x - m) / jnp.sqrt(v + 1e-5) * g + b


def setup_inputs(seed: int = 0):
    key = jax.random.key(seed)
    ks = jax.random.split(key, 16)
    s_j = jax.random.normal(ks[0], (N, F), jnp.float32)
    v_j = jax.random.normal(ks[1], (N, F, 3), jnp.float32)
    r_ij = jax.random.normal(ks[2], (E, 3), jnp.float32)
    nbrs = jax.random.randint(ks[3], (E, 2), 0, N)
    sq = 1.0 / np.sqrt(F)
    Wq = jax.random.normal(ks[4], (F, H * F), jnp.float32) * sq
    Wk = jax.random.normal(ks[5], (F, H * F), jnp.float32) * sq
    Wv = jax.random.normal(ks[6], (F, H * F), jnp.float32) * sq
    Wdk = jax.random.normal(ks[7], (N_RBF, H * F), jnp.float32) / np.sqrt(N_RBF)
    bdk = jnp.zeros((H * F,), jnp.float32)
    Wdv = jax.random.normal(ks[8], (N_RBF, H * F), jnp.float32) / np.sqrt(N_RBF)
    bdv = jnp.zeros((H * F,), jnp.float32)
    Wd = jax.random.normal(ks[9], (H * F, 3 * F), jnp.float32) / np.sqrt(H * F)
    bd = jnp.zeros((3 * F,), jnp.float32)
    ln_gamma = jnp.ones((F,), jnp.float32)
    ln_beta = jnp.zeros((F,), jnp.float32)
    return {"s_j": s_j, "v_j": v_j, "r_ij": r_ij, "nbrs": nbrs,
            "ln_gamma": ln_gamma, "ln_beta": ln_beta,
            "Wq": Wq, "Wk": Wk, "Wv": Wv,
            "Wdk": Wdk, "bdk": bdk, "Wdv": Wdv, "bdv": bdv,
            "Wd": Wd, "bd": bd}


def reference(s_j, v_j, r_ij, nbrs, ln_gamma, ln_beta, Wq, Wk, Wv, Wdk, bdk, Wdv, bdv, Wd, bd):
    # preprocess_r
    dist = jnp.sqrt((r_ij ** 2 + EPS).sum(-1))
    unit = r_ij / dist[:, None]
    i = nbrs[:, 0]
    j = nbrs[:, 1]
    # InvariantTransformerMessage: layer_norm -> MDMessage (distance-modulated MHA over edges) -> Dense
    inp = layer_norm(s_j, ln_gamma, ln_beta)
    rbf = gaussian_rbf(dist)
    dk = jax.nn.silu(rbf @ Wdk + bdk).reshape(E, H, F)
    dv = jax.nn.silu(rbf @ Wdv + bdv).reshape(E, H, F)
    q = (inp @ Wq).reshape(N, H, F)
    k = (inp @ Wk).reshape(N, H, F)
    v = (inp @ Wv).reshape(N, H, F)
    attn = jax.nn.silu((q[i] * k[j] * dk).sum(-1))  # [E, H]
    msg = (v[j] * dv * attn[:, :, None]).reshape(E, H * F)
    inv_out = (msg @ Wd + bd).reshape(E, 3, F)
    # MessageBase combine
    split_0 = inv_out[:, 0, :][:, :, None]
    split_1 = inv_out[:, 1, :]
    split_2 = inv_out[:, 2, :][:, :, None]
    unit_add = split_2 * unit[:, None, :]
    delta_v_ij = unit_add + split_0 * v_j[j]
    delta_s_i = jax.ops.segment_sum(split_1, i, num_segments=N)
    delta_v_i = jax.ops.segment_sum(delta_v_ij, i, num_segments=N)
    return delta_s_i, delta_v_i

if __name__ == "__main__":
    import jax
    _d = setup_inputs()
    print(jax.jit(kernel)(*tuple(_d.values())))

</pallas_src>

<mosaic_0001>
#map = affine_map<(d0, d1) -> (0, 0)>
#map1 = affine_map<(d0, d1) -> (0)>
module attributes {stable_mosaic.version = 14 : i64} {
  func.func @body_fn(%arg0: i32, %arg1: i32, %arg2: memref<10000x512xf32, #tpu.memory_space<hbm>>, %arg3: memref<160000xi32, #tpu.memory_space<hbm>>, %arg4: memref<160000x512xf32, #tpu.memory_space<hbm>>, %arg5: memref<5000xi32, #tpu.memory_space<vmem>>, %arg6: memref<40x512xf32, #tpu.memory_space<vmem>>, %arg7: memref<40x512xf32, #tpu.memory_space<vmem>>, %arg8: memref<!tpu.dma_semaphore, #tpu.memory_space<semaphore_mem>>, %arg9: memref<!tpu.dma_semaphore, #tpu.memory_space<semaphore_mem>>) attributes {dimension_semantics = [#tpu.dimension_semantics<core_parallel>, #tpu.dimension_semantics<subcore_parallel>], iteration_bounds = array<i64: 2, 16>, scalar_prefetch = 0 : i64, scratch_operands = 5 : i64, tpu.core_type = #tpu.core_type<sc_vector_subcore>, window_params = [{transform_indices = #map}, {transform_indices = #map1}, {transform_indices = #map}]} {
    %mul3A = arith.constant 2 : i32
    %mul3A_0 = arith.muli %arg1, %mul3A : i32
    %add3A = arith.addi %mul3A_0, %arg0 : i32
    %mul3A_1 = arith.constant 5000 : i32
    %mul3A_2 = arith.muli %add3A, %mul3A_1 : i32
    "tpu.region"() ({
      %run_scoped3A = tpu.sem_alloc : memref<!tpu.dma_semaphore, #tpu.memory_space<semaphore_mem>>
      %dma_start3A_19 = tpu.memref_slice %arg3[%mul3A_2] : memref<160000xi32, #tpu.memory_space<hbm>> -> memref<5000xi32, #tpu.memory_space<hbm>>
      %dma_start3A_20 = tpu.memref_slice %arg3[%mul3A_2] : memref<160000xi32, #tpu.memory_space<hbm>> -> memref<5000xi32, #tpu.memory_space<hbm>>
      tpu.enqueue_dma source(%dma_start3A_20 : memref<5000xi32, #tpu.memory_space<hbm>>) target(%arg5 : memref<5000xi32, #tpu.memory_space<vmem>>) target_semaphore(%run_scoped3A : memref<!tpu.dma_semaphore, #tpu.memory_space<semaphore_mem>>)
      %dma_wait3A_21 = tpu.memref_slice %arg3[%mul3A_2] : memref<160000xi32, #tpu.memory_space<hbm>> -> memref<5000xi32, #tpu.memory_space<hbm>>
      %dma_wait3A_22 = tpu.memref_slice %arg3[%mul3A_2] : memref<160000xi32, #tpu.memory_space<hbm>> -> memref<5000xi32, #tpu.memory_space<hbm>>
      tpu.wait_dma2 semaphore(%run_scoped3A : memref<!tpu.dma_semaphore, #tpu.memory_space<semaphore_mem>>) src(%dma_wait3A_22 : memref<5000xi32, #tpu.memory_space<hbm>>) dst(%arg5 : memref<5000xi32, #tpu.memory_space<vmem>>)
      tpu.yield
    }) : () -> ()
    %dma_start3A = arith.constant 0 : i32
    %dma_start3A_3 = tpu.memref_slice %arg5[%dma_start3A] : memref<5000xi32, #tpu.memory_space<vmem>> -> memref<40xi32, #tpu.memory_space<vmem>>
    %dma_start3A_4 = arith.constant 0 : i32
    %dma_start3A_5 = arith.constant 0 : i32
    %dma_start3A_6 = tpu.memref_slice %arg2[%dma_start3A_4, %dma_start3A_5] : memref<10000x512xf32, #tpu.memory_space<hbm>> -> memref<10000x512xf32, #tpu.memory_space<hbm>>
    tpu.enqueue_indirect_dma source(%dma_start3A_6 : memref<10000x512xf32, #tpu.memory_space<hbm>>) target(%arg6 : memref<40x512xf32, #tpu.memory_space<vmem>>) offsets(%dma_start3A_3 : memref<40xi32, #tpu.memory_space<vmem>>) semaphore(%arg8 : memref<!tpu.dma_semaphore, #tpu.memory_space<semaphore_mem>>)
    %scan3A = arith.constant 0 : i32
    %scan3A_7 = arith.constant 0 : i32
    %scan3A_8 = arith.constant 62 : i32
    %scan3A_9 = arith.addi %scan3A_7, %scan3A_8 : i32
    %scan3A_10 = arith.constant 1 : i32
    %scan3A_11 = scf.for %scan3A_19 = %scan3A_7 to %scan3A_9 step %scan3A_10 iter_args(%scan3A_20 = %scan3A) -> (i32)  : i32 {
      %mul3A_21 = arith.constant 2 : i32
      %mul3A_22 = arith.muli %mul3A_21, %scan3A_19 : i32
      %add3A_23 = arith.constant 1 : i32
      %add3A_24 = arith.addi %mul3A_22, %add3A_23 : i32
      %mul3A_25 = arith.constant 40 : i32
      %mul3A_26 = arith.muli %add3A_24, %mul3A_25 : i32
      %dma_start3A_27 = tpu.memref_slice %arg5[%mul3A_26] : memref<5000xi32, #tpu.memory_space<vmem>> -> memref<40xi32, #tpu.memory_space<vmem>>
      %dma_start3A_28 = arith.constant 0 : i32
      %dma_start3A_29 = arith.constant 0 : i32
      %dma_start3A_30 = tpu.memref_slice %arg2[%dma_start3A_28, %dma_start3A_29] : memref<10000x512xf32, #tpu.memory_space<hbm>> -> memref<10000x512xf32, #tpu.memory_space<hbm>>
      tpu.enqueue_indirect_dma source(%dma_start3A_30 : memref<10000x512xf32, #tpu.memory_space<hbm>>) target(%arg7 : memref<40x512xf32, #tpu.memory_space<vmem>>) offsets(%dma_start3A_27 : memref<40xi32, #tpu.memory_space<vmem>>) semaphore(%arg9 : memref<!tpu.dma_semaphore, #tpu.memory_space<semaphore_mem>>)
      %mul3A_31 = arith.constant 40 : i32
      %mul3A_32 = arith.muli %mul3A_22, %mul3A_31 : i32
      %dma_wait3A_33 = tpu.memref_slice %arg5[%mul3A_32] : memref<5000xi32, #tpu.memory_space<vmem>> -> memref<40xi32, #tpu.memory_space<vmem>>
      %dma_wait3A_34 = arith.constant 0 : i32
      %dma_wait3A_35 = arith.constant 0 : i32
      %dma_wait3A_36 = tpu.memref_slice %arg2[%dma_wait3A_34, %dma_wait3A_35] : memref<10000x512xf32, #tpu.memory_space<hbm>> -> memref<10000x512xf32, #tpu.memory_space<hbm>>
      tpu.wait_indirect_dma semaphore(%arg8 : memref<!tpu.dma_semaphore, #tpu.memory_space<semaphore_mem>>) src(%dma_wait3A_36 : memref<10000x512xf32, #tpu.memory_space<hbm>>) dst(%arg6 : memref<40x512xf32, #tpu.memory_space<vmem>>)
      %mul3A_37 = arith.constant 40 : i32
      %mul3A_38 = arith.muli %mul3A_22, %mul3A_37 : i32
      %add3A_39 = arith.addi %mul3A_2, %mul3A_38 : i32
      "tpu.region"() ({
        %run_scoped3A = tpu.sem_alloc : memref<!tpu.dma_semaphore, #tpu.memory_space<semaphore_mem>>
        %dma_start3A_60 = arith.constant 0 : i32
        %dma_start3A_61 = tpu.memref_slice %arg4[%add3A_39, %dma_start3A_60] : memref<160000x512xf32, #tpu.memory_space<hbm>> -> memref<40x512xf32, #tpu.memory_space<hbm>>
        %dma_start3A_62 = arith.constant 0 : i32
        %dma_start3A_63 = tpu.memref_slice %arg4[%add3A_39, %dma_start3A_62] : memref<160000x512xf32, #tpu.memory_space<hbm>> -> memref<40x512xf32, #tpu.memory_space<hbm>>
        tpu.enqueue_dma source(%arg6 : memref<40x512xf32, #tpu.memory_space<vmem>>) target(%dma_start3A_63 : memref<40x512xf32, #tpu.memory_space<hbm>>) target_semaphore(%run_scoped3A : memref<!tpu.dma_semaphore, #tpu.memory_space<semaphore_mem>>)
        %dma_wait3A_64 = arith.constant 0 : i32
        %dma_wait3A_65 = tpu.memref_slice %arg4[%add3A_39, %dma_wait3A_64] : memref<160000x512xf32, #tpu.memory_space<hbm>> -> memref<40x512xf32, #tpu.memory_space<hbm>>
        %dma_wait3A_66 = arith.constant 0 : i32
        %dma_wait3A_67 = tpu.memref_slice %arg4[%add3A_39, %dma_wait3A_66] : memref<160000x512xf32, #tpu.memory_space<hbm>> -> memref<40x512xf32, #tpu.memory_space<hbm>>
        tpu.wait_dma2 semaphore(%run_scoped3A : memref<!tpu.dma_semaphore, #tpu.memory_space<semaphore_mem>>) src(%arg6 : memref<40x512xf32, #tpu.memory_space<vmem>>) dst(%dma_wait3A_67 : memref<40x512xf32, #tpu.memory_space<hbm>>)
        tpu.yield
      }) : () -> ()
      %add3A_40 = arith.constant 2 : i32
      %add3A_41 = arith.addi %mul3A_22, %add3A_40 : i32
      %mul3A_42 = arith.constant 40 : i32
      %mul3A_43 = arith.muli %add3A_41, %mul3A_42 : i32
      %dma_start3A_44 = tpu.memref_slice %arg5[%mul3A_43] : memref<5000xi32, #tpu.memory_space<vmem>> -> memref<40xi32, #tpu.memory_space<vmem>>
      %dma_start3A_45 = arith.constant 0 : i32
      %dma_start3A_46 = arith.constant 0 : i32
      %dma_start3A_47 = tpu.memref_slice %arg2[%dma_start3A_45, %dma_start3A_46] : memref<10000x512xf32, #tpu.memory_space<hbm>> -> memref<10000x512xf32, #tpu.memory_space<hbm>>
      tpu.enqueue_indirect_dma source(%dma_start3A_47 : memref<10000x512xf32, #tpu.memory_space<hbm>>) target(%arg6 : memref<40x512xf32, #tpu.memory_space<vmem>>) offsets(%dma_start3A_44 : memref<40xi32, #tpu.memory_space<vmem>>) semaphore(%arg8 : memref<!tpu.dma_semaphore, #tpu.memory_space<semaphore_mem>>)
      %add3A_48 = arith.constant 1 : i32
      %add3A_49 = arith.addi %mul3A_22, %add3A_48 : i32
      %mul3A_50 = arith.constant 40 : i32
      %mul3A_51 = arith.muli %add3A_49, %mul3A_50 : i32
      %dma_wait3A_52 = tpu.memref_slice %arg5[%mul3A_51] : memref<5000xi32, #tpu.memory_space<vmem>> -> memref<40xi32, #tpu.memory_space<vmem>>
      %dma_wait3A_53 = arith.constant 0 : i32
      %dma_wait3A_54 = arith.constant 0 : i32
      %dma_wait3A_55 = tpu.memref_slice %arg2[%dma_wait3A_53, %dma_wait3A_54] : memref<10000x512xf32, #tpu.memory_space<hbm>> -> memref<10000x512xf32, #tpu.memory_space<hbm>>
      tpu.wait_indirect_dma semaphore(%arg9 : memref<!tpu.dma_semaphore, #tpu.memory_space<semaphore_mem>>) src(%dma_wait3A_55 : memref<10000x512xf32, #tpu.memory_space<hbm>>) dst(%arg7 : memref<40x512xf32, #tpu.memory_space<vmem>>)
      %mul3A_56 = arith.constant 40 : i32
      %mul3A_57 = arith.muli %add3A_49, %mul3A_56 : i32
      %add3A_58 = arith.addi %mul3A_2, %mul3A_57 : i32
      "tpu.region"() ({
        %run_scoped3A = tpu.sem_alloc : memref<!tpu.dma_semaphore, #tpu.memory_space<semaphore_mem>>
        %dma_start3A_60 = arith.constant 0 : i32
        %dma_start3A_61 = tpu.memref_slice %arg4[%add3A_58, %dma_start3A_60] : memref<160000x512xf32, #tpu.memory_space<hbm>> -> memref<40x512xf32, #tpu.memory_space<hbm>>
        %dma_start3A_62 = arith.constant 0 : i32
        %dma_start3A_63 = tpu.memref_slice %arg4[%add3A_58, %dma_start3A_62] : memref<160000x512xf32, #tpu.memory_space<hbm>> -> memref<40x512xf32, #tpu.memory_space<hbm>>
        tpu.enqueue_dma source(%arg7 : memref<40x512xf32, #tpu.memory_space<vmem>>) target(%dma_start3A_63 : memref<40x512xf32, #tpu.memory_space<hbm>>) target_semaphore(%run_scoped3A : memref<!tpu.dma_semaphore, #tpu.memory_space<semaphore_mem>>)
        %dma_wait3A_64 = arith.constant 0 : i32
        %dma_wait3A_65 = tpu.memref_slice %arg4[%add3A_58, %dma_wait3A_64] : memref<160000x512xf32, #tpu.memory_space<hbm>> -> memref<40x512xf32, #tpu.memory_space<hbm>>
        %dma_wait3A_66 = arith.constant 0 : i32
        %dma_wait3A_67 = tpu.memref_slice %arg4[%add3A_58, %dma_wait3A_66] : memref<160000x512xf32, #tpu.memory_space<hbm>> -> memref<40x512xf32, #tpu.memory_space<hbm>>
        tpu.wait_dma2 semaphore(%run_scoped3A : memref<!tpu.dma_semaphore, #tpu.memory_space<semaphore_mem>>) src(%arg7 : memref<40x512xf32, #tpu.memory_space<vmem>>) dst(%dma_wait3A_67 : memref<40x512xf32, #tpu.memory_space<hbm>>)
        tpu.yield
      }) : () -> ()
      %scan3A_59 = arith.constant 0 : i32
      scf.yield %scan3A_59 : i32
    }
    %scan3A_12 = arith.constant 62 : i32
    %dma_wait3A = arith.constant 4960 : i32
    %dma_wait3A_13 = tpu.memref_slice %arg5[%dma_wait3A] : memref<5000xi32, #tpu.memory_space<vmem>> -> memref<40xi32, #tpu.memory_space<vmem>>
    %dma_wait3A_14 = arith.constant 0 : i32
    %dma_wait3A_15 = arith.constant 0 : i32
    %dma_wait3A_16 = tpu.memref_slice %arg2[%dma_wait3A_14, %dma_wait3A_15] : memref<10000x512xf32, #tpu.memory_space<hbm>> -> memref<10000x512xf32, #tpu.memory_space<hbm>>
    tpu.wait_indirect_dma semaphore(%arg8 : memref<!tpu.dma_semaphore, #tpu.memory_space<semaphore_mem>>) src(%dma_wait3A_16 : memref<10000x512xf32, #tpu.memory_space<hbm>>) dst(%arg6 : memref<40x512xf32, #tpu.memory_space<vmem>>)
    %add3A_17 = arith.constant 4960 : i32
    %add3A_18 = arith.addi %mul3A_2, %add3A_17 : i32
    "tpu.region"() ({
      %run_scoped3A = tpu.sem_alloc : memref<!tpu.dma_semaphore, #tpu.memory_space<semaphore_mem>>
      %dma_start3A_19 = arith.constant 0 : i32
      %dma_start3A_20 = tpu.memref_slice %arg4[%add3A_18, %dma_start3A_19] : memref<160000x512xf32, #tpu.memory_space<hbm>> -> memref<40x512xf32, #tpu.memory_space<hbm>>
      %dma_start3A_21 = arith.constant 0 : i32
      %dma_start3A_22 = tpu.memref_slice %arg4[%add3A_18, %dma_start3A_21] : memref<160000x512xf32, #tpu.memory_space<hbm>> -> memref<40x512xf32, #tpu.memory_space<hbm>>
      tpu.enqueue_dma source(%arg6 : memref<40x512xf32, #tpu.memory_space<vmem>>) target(%dma_start3A_22 : memref<40x512xf32, #tpu.memory_space<hbm>>) target_semaphore(%run_scoped3A : memref<!tpu.dma_semaphore, #tpu.memory_space<semaphore_mem>>)
      %dma_wait3A_23 = arith.constant 0 : i32
      %dma_wait3A_24 = tpu.memref_slice %arg4[%add3A_18, %dma_wait3A_23] : memref<160000x512xf32, #tpu.memory_space<hbm>> -> memref<40x512xf32, #tpu.memory_space<hbm>>
      %dma_wait3A_25 = arith.constant 0 : i32
      %dma_wait3A_26 = tpu.memref_slice %arg4[%add3A_18, %dma_wait3A_25] : memref<160000x512xf32, #tpu.memory_space<hbm>> -> memref<40x512xf32, #tpu.memory_space<hbm>>
      tpu.wait_dma2 semaphore(%run_scoped3A : memref<!tpu.dma_semaphore, #tpu.memory_space<semaphore_mem>>) src(%arg6 : memref<40x512xf32, #tpu.memory_space<vmem>>) dst(%dma_wait3A_26 : memref<40x512xf32, #tpu.memory_space<hbm>>)
      tpu.yield
    }) : () -> ()
    return
  }
}

#map = affine_map<(d0, d1) -> (0, 0, 0)>
#map1 = affine_map<(d0, d1) -> (0)>
#map2 = affine_map<(d0, d1) -> (0, 0)>
module attributes {stable_mosaic.version = 14 : i64} {
  func.func @_k4_body(%arg0: i32, %arg1: i32, %arg2: memref<4x160000x128xf32, #tpu.memory_space<hbm>>, %arg3: memref<160000xi32, #tpu.memory_space<hbm>>, %arg4: memref<10240x128xf32, #tpu.memory_space<hbm>>, %arg5: memref<4x10240x128xf32, #tpu.memory_space<hbm>>, %arg6: memref<10240x128xf32, #tpu.memory_space<vmem_shared>>, %arg7: memref<80xi32, #tpu.memory_space<vmem>>, %arg8: memref<80xi32, #tpu.memory_space<vmem>>, %arg9: memref<80x128xf32, #tpu.memory_space<vmem>>, %arg10: memref<80x128xf32, #tpu.memory_space<vmem>>, %arg11: memref<!tpu.dma_semaphore, #tpu.memory_space<semaphore_mem>>, %arg12: memref<!tpu.dma_semaphore, #tpu.memory_space<semaphore_mem>>) attributes {dimension_semantics = [#tpu.dimension_semantics<core_parallel>, #tpu.dimension_semantics<subcore_parallel>], iteration_bounds = array<i64: 2, 16>, scalar_prefetch = 0 : i64, scratch_operands = 7 : i64, tpu.core_type = #tpu.core_type<sc_vector_subcore>, window_params = [{transform_indices = #map}, {transform_indices = #map1}, {transform_indices = #map2}, {transform_indices = #map}]} {
    %mul3A = arith.constant 640 : i32
    %mul3A_0 = arith.muli %arg1, %mul3A : i32
    %mul3A_1 = arith.constant 2 : i32
    %mul3A_2 = arith.muli %mul3A_1, %arg0 : i32
    %add3A = arith.constant 0 : i32
    %add3A_3 = arith.addi %mul3A_2, %add3A : i32
    %scan3A = arith.constant 0 : i32
    %scan3A_4 = arith.constant 0 : i32
    %scan3A_5 = arith.constant 8 : i32
    %scan3A_6 = arith.addi %scan3A_4, %scan3A_5 : i32
    %scan3A_7 = arith.constant 1 : i32
    %scan3A_8 = scf.for %scan3A_92 = %scan3A_4 to %scan3A_6 step %scan3A_7 iter_args(%scan3A_93 = %scan3A) -> (i32)  : i32 {
      %mul3A_94 = arith.constant 80 : i32
      %mul3A_95 = arith.muli %scan3A_92, %mul3A_94 : i32
      %add3A_96 = arith.addi %mul3A_0, %mul3A_95 : i32
      "tpu.region"() ({
        %run_scoped3A = tpu.sem_alloc : memref<!tpu.dma_semaphore, #tpu.memory_space<semaphore_mem>>
        %dma_start3A_98 = arith.constant 0 : i32
        %dma_start3A_99 = tpu.memref_slice %arg4[%add3A_96, %dma_start3A_98] : memref<10240x128xf32, #tpu.memory_space<hbm>> -> memref<80x128xf32, #tpu.memory_space<hbm>>
        %dma_start3A_100 = arith.constant 0 : i32
        %dma_start3A_101 = tpu.memref_slice %arg4[%add3A_96, %dma_start3A_100] : memref<10240x128xf32, #tpu.memory_space<hbm>> -> memref<80x128xf32, #tpu.memory_space<hbm>>
        tpu.enqueue_dma source(%dma_start3A_101 : memref<80x128xf32, #tpu.memory_space<hbm>>) target(%arg9 : memref<80x128xf32, #tpu.memory_space<vmem>>) target_semaphore(%run_scoped3A : memref<!tpu.dma_semaphore, #tpu.memory_space<semaphore_mem>>)
        %dma_wait3A_102 = arith.constant 0 : i32
        %dma_wait3A_103 = tpu.memref_slice %arg4[%add3A_96, %dma_wait3A_102] : memref<10240x128xf32, #tpu.memory_space<hbm>> -> memref<80x128xf32, #tpu.memory_space<hbm>>
        %dma_wait3A_104 = arith.constant 0 : i32
        %dma_wait3A_105 = tpu.memref_slice %arg4[%add3A_96, %dma_wait3A_104] : memref<10240x128xf32, #tpu.memory_space<hbm>> -> memref<80x128xf32, #tpu.memory_space<hbm>>
        tpu.wait_dma2 semaphore(%run_scoped3A : memref<!tpu.dma_semaphore, #tpu.memory_space<semaphore_mem>>) src(%dma_wait3A_105 : memref<80x128xf32, #tpu.memory_space<hbm>>) dst(%arg9 : memref<80x128xf32, #tpu.memory_space<vmem>>)
        tpu.yield
      }) : () -> ()
      "tpu.region"() ({
        %run_scoped3A = tpu.sem_alloc : memref<!tpu.dma_semaphore, #tpu.memory_space<semaphore_mem>>
        %dma_start3A_98 = arith.constant 0 : i32
        %dma_start3A_99 = tpu.memref_slice %arg6[%add3A_96, %dma_start3A_98] : memref<10240x128xf32, #tpu.memory_space<vmem_shared>> -> memref<80x128xf32, #tpu.memory_space<vmem_shared>>
        %dma_start3A_100 = arith.constant 0 : i32
        %dma_start3A_101 = tpu.memref_slice %arg6[%add3A_96, %dma_start3A_100] : memref<10240x128xf32, #tpu.memory_space<vmem_shared>> -> memref<80x128xf32, #tpu.memory_space<vmem_shared>>
        tpu.enqueue_dma source(%arg9 : memref<80x128xf32, #tpu.memory_space<vmem>>) target(%dma_start3A_101 : memref<80x128xf32, #tpu.memory_space<vmem_shared>>) target_semaphore(%run_scoped3A : memref<!tpu.dma_semaphore, #tpu.memory_space<semaphore_mem>>)
        %dma_wait3A_102 = arith.constant 0 : i32
        %dma_wait3A_103 = tpu.memref_slice %arg6[%add3A_96, %dma_wait3A_102] : memref<10240x128xf32, #tpu.memory_space<vmem_shared>> -> memref<80x128xf32, #tpu.memory_space<vmem_shared>>
        %dma_wait3A_104 = arith.constant 0 : i32
        %dma_wait3A_105 = tpu.memref_slice %arg6[%add3A_96, %dma_wait3A_104] : memref<10240x128xf32, #tpu.memory_space<vmem_shared>> -> memref<80x128xf32, #tpu.memory_space<vmem_shared>>
        tpu.wait_dma2 semaphore(%run_scoped3A : memref<!tpu.dma_semaphore, #tpu.memory_space<semaphore_mem>>) src(%arg9 : memref<80x128xf32, #tpu.memory_space<vmem>>) dst(%dma_wait3A_105 : memref<80x128xf32, #tpu.memory_space<vmem_shared>>)
        tpu.yield
      }) : () -> ()
      %scan3A_97 = arith.constant 0 : i32
      scf.yield %scan3A_97 : i32
    }
    %scan3A_9 = arith.constant 8 : i32
    %barrier3A = arith.constant 0 : index
    tpu.barrier barrier_id(%barrier3A)
    %mul3A_10 = arith.constant 10000 : i32
    %mul3A_11 = arith.muli %arg1, %mul3A_10 : i32
    %add3A_12 = arith.constant 0 : i32
    %add3A_13 = arith.addi %mul3A_11, %add3A_12 : i32
    "tpu.region"() ({
      %run_scoped3A = tpu.sem_alloc : memref<!tpu.dma_semaphore, #tpu.memory_space<semaphore_mem>>
      %dma_start3A_92 = tpu.memref_slice %arg3[%add3A_13] : memref<160000xi32, #tpu.memory_space<hbm>> -> memref<80xi32, #tpu.memory_space<hbm>>
      %dma_start3A_93 = tpu.memref_slice %arg3[%add3A_13] : memref<160000xi32, #tpu.memory_space<hbm>> -> memref<80xi32, #tpu.memory_space<hbm>>
      tpu.enqueue_dma source(%dma_start3A_93 : memref<80xi32, #tpu.memory_space<hbm>>) target(%arg7 : memref<80xi32, #tpu.memory_space<vmem>>) target_semaphore(%run_scoped3A : memref<!tpu.dma_semaphore, #tpu.memory_space<semaphore_mem>>)
      %dma_wait3A_94 = tpu.memref_slice %arg3[%add3A_13] : memref<160000xi32, #tpu.memory_space<hbm>> -> memref<80xi32, #tpu.memory_space<hbm>>
      %dma_wait3A_95 = tpu.memref_slice %arg3[%add3A_13] : memref<160000xi32, #tpu.memory_space<hbm>> -> memref<80xi32, #tpu.memory_space<hbm>>
      tpu.wait_dma2 semaphore(%run_scoped3A : memref<!tpu.dma_semaphore, #tpu.memory_space<semaphore_mem>>) src(%dma_wait3A_95 : memref<80xi32, #tpu.memory_space<hbm>>) dst(%arg7 : memref<80xi32, #tpu.memory_space<vmem>>)
      tpu.yield
    }) : () -> ()
    %dma_start3A = arith.constant 0 : i32
    %dma_start3A_14 = tpu.memref_slice %arg2[%add3A_3, %add3A_13, %dma_start3A] : memref<4x160000x128xf32, #tpu.memory_space<hbm>> -> memref<1x80x128xf32, #tpu.memory_space<hbm>>
    %dma_start3A_15 = tpu.memref_squeeze %dma_start3A_14 : memref<1x80x128xf32, #tpu.memory_space<hbm>> -> memref<80x128xf32, #tpu.memory_space<hbm>>
    %dma_start3A_16 = arith.constant 0 : i32
    %dma_start3A_17 = tpu.memref_slice %arg2[%add3A_3, %add3A_13, %dma_start3A_16] : memref<4x160000x128xf32, #tpu.memory_space<hbm>> -> memref<1x80x128xf32, #tpu.memory_space<hbm>>
    %dma_start3A_18 = tpu.memref_squeeze %dma_start3A_17 : memref<1x80x128xf32, #tpu.memory_space<hbm>> -> memref<80x128xf32, #tpu.memory_space<hbm>>
    tpu.enqueue_dma source(%dma_start3A_18 : memref<80x128xf32, #tpu.memory_space<hbm>>) target(%arg9 : memref<80x128xf32, #tpu.memory_space<vmem>>) target_semaphore(%arg11 : memref<!tpu.dma_semaphore, #tpu.memory_space<semaphore_mem>>)
    %scan3A_19 = arith.constant 0 : i32
    %scan3A_20 = arith.constant 0 : i32
    %scan3A_21 = arith.constant 62 : i32
    %scan3A_22 = arith.addi %scan3A_20, %scan3A_21 : i32
    %scan3A_23 = arith.constant 1 : i32
    %scan3A_24 = scf.for %scan3A_92 = %scan3A_20 to %scan3A_22 step %scan3A_23 iter_args(%scan3A_93 = %scan3A_19) -> (i32)  : i32 {
      %mul3A_94 = arith.constant 2 : i32
      %mul3A_95 = arith.muli %mul3A_94, %scan3A_92 : i32
      %add3A_96 = arith.constant 1 : i32
      %add3A_97 = arith.addi %mul3A_95, %add3A_96 : i32
      %mul3A_98 = arith.constant 10000 : i32
      %mul3A_99 = arith.muli %arg1, %mul3A_98 : i32
      %mul3A_100 = arith.constant 80 : i32
      %mul3A_101 = arith.muli %add3A_97, %mul3A_100 : i32
      %add3A_102 = arith.addi %mul3A_99, %mul3A_101 : i32
      "tpu.region"() ({
        %run_scoped3A = tpu.sem_alloc : memref<!tpu.dma_semaphore, #tpu.memory_space<semaphore_mem>>
        %dma_start3A_147 = tpu.memref_slice %arg3[%add3A_102] : memref<160000xi32, #tpu.memory_space<hbm>> -> memref<80xi32, #tpu.memory_space<hbm>>
        %dma_start3A_148 = tpu.memref_slice %arg3[%add3A_102] : memref<160000xi32, #tpu.memory_space<hbm>> -> memref<80xi32, #tpu.memory_space<hbm>>
        tpu.enqueue_dma source(%dma_start3A_148 : memref<80xi32, #tpu.memory_space<hbm>>) target(%arg8 : memref<80xi32, #tpu.memory_space<vmem>>) target_semaphore(%run_scoped3A : memref<!tpu.dma_semaphore, #tpu.memory_space<semaphore_mem>>)
        %dma_wait3A_149 = tpu.memref_slice %arg3[%add3A_102] : memref<160000xi32, #tpu.memory_space<hbm>> -> memref<80xi32, #tpu.memory_space<hbm>>
        %dma_wait3A_150 = tpu.memref_slice %arg3[%add3A_102] : memref<160000xi32, #tpu.memory_space<hbm>> -> memref<80xi32, #tpu.memory_space<hbm>>
        tpu.wait_dma2 semaphore(%run_scoped3A : memref<!tpu.dma_semaphore, #tpu.memory_space<semaphore_mem>>) src(%dma_wait3A_150 : memref<80xi32, #tpu.memory_space<hbm>>) dst(%arg8 : memref<80xi32, #tpu.memory_space<vmem>>)
        tpu.yield
      }) : () -> ()
      %dma_start3A_103 = arith.constant 0 : i32
      %dma_start3A_104 = tpu.memref_slice %arg2[%add3A_3, %add3A_102, %dma_start3A_103] : memref<4x160000x128xf32, #tpu.memory_space<hbm>> -> memref<1x80x128xf32, #tpu.memory_space<hbm>>
      %dma_start3A_105 = tpu.memref_squeeze %dma_start3A_104 : memref<1x80x128xf32, #tpu.memory_space<hbm>> -> memref<80x128xf32, #tpu.memory_space<hbm>>
      %dma_start3A_106 = arith.constant 0 : i32
      %dma_start3A_107 = tpu.memref_slice %arg2[%add3A_3, %add3A_102, %dma_start3A_106] : memref<4x160000x128xf32, #tpu.memory_space<hbm>> -> memref<1x80x128xf32, #tpu.memory_space<hbm>>
      %dma_start3A_108 = tpu.memref_squeeze %dma_start3A_107 : memref<1x80x128xf32, #tpu.memory_space<hbm>> -> memref<80x128xf32, #tpu.memory_space<hbm>>
      tpu.enqueue_dma source(%dma_start3A_108 : memref<80x128xf32, #tpu.memory_space<hbm>>) target(%arg10 : memref<80x128xf32, #tpu.memory_space<vmem>>) target_semaphore(%arg12 : memref<!tpu.dma_semaphore, #tpu.memory_space<semaphore_mem>>)
      %mul3A_109 = arith.constant 10000 : i32
      %mul3A_110 = arith.muli %arg1, %mul3A_109 : i32
      %mul3A_111 = arith.constant 80 : i32
      %mul3A_112 = arith.muli %mul3A_95, %mul3A_111 : i32
      %add3A_113 = arith.addi %mul3A_110, %mul3A_112 : i32
      %dma_wait3A_114 = arith.constant 0 : i32
      %dma_wait3A_115 = tpu.memref_slice %arg2[%add3A_3, %add3A_113, %dma_wait3A_114] : memref<4x160000x128xf32, #tpu.memory_space<hbm>> -> memref<1x80x128xf32, #tpu.memory_space<hbm>>
      %dma_wait3A_116 = tpu.memref_squeeze %dma_wait3A_115 : memref<1x80x128xf32, #tpu.memory_space<hbm>> -> memref<80x128xf32, #tpu.memory_space<hbm>>
      %dma_wait3A_117 = arith.constant 0 : i32
      %dma_wait3A_118 = tpu.memref_slice %arg2[%add3A_3, %add3A_113, %dma_wait3A_117] : memref<4x160000x128xf32, #tpu.memory_space<hbm>> -> memref<1x80x128xf32, #tpu.memory_space<hbm>>
      %dma_wait3A_119 = tpu.memref_squeeze %dma_wait3A_118 : memref<1x80x128xf32, #tpu.memory_space<hbm>> -> memref<80x128xf32, #tpu.memory_space<hbm>>
      tpu.wait_dma2 semaphore(%arg11 : memref<!tpu.dma_semaphore, #tpu.memory_space<semaphore_mem>>) src(%dma_wait3A_119 : memref<80x128xf32, #tpu.memory_space<hbm>>) dst(%arg9 : memref<80x128xf32, #tpu.memory_space<vmem>>)
      "tpu.region"() ({
        %run_scoped3A = tpu.sem_alloc : memref<!tpu.dma_semaphore, #tpu.memory_space<semaphore_mem>>
        %dma_start3A_147 = arith.constant 0 : i32
        %dma_start3A_148 = arith.constant 0 : i32
        %dma_start3A_149 = tpu.memref_slice %arg6[%dma_start3A_147, %dma_start3A_148] : memref<10240x128xf32, #tpu.memory_space<vmem_shared>> -> memref<10240x128xf32, #tpu.memory_space<vmem_shared>>
        tpu.enqueue_indirect_dma source(%arg9 : memref<80x128xf32, #tpu.memory_space<vmem>>) target(%dma_start3A_149 : memref<10240x128xf32, #tpu.memory_space<vmem_shared>>) offsets(%arg7 : memref<80xi32, #tpu.memory_space<vmem>>) semaphore(%run_scoped3A : memref<!tpu.dma_semaphore, #tpu.memory_space<semaphore_mem>>) {add = true}
        %dma_wait3A_150 = arith.constant 0 : i32
        %dma_wait3A_151 = arith.constant 0 : i32
        %dma_wait3A_152 = tpu.memref_slice %arg6[%dma_wait3A_150, %dma_wait3A_151] : memref<10240x128xf32, #tpu.memory_space<vmem_shared>> -> memref<10240x128xf32, #tpu.memory_space<vmem_shared>>
        tpu.wait_indirect_dma semaphore(%run_scoped3A : memref<!tpu.dma_semaphore, #tpu.memory_space<semaphore_mem>>) src(%arg9 : memref<80x128xf32, #tpu.memory_space<vmem>>) dst(%dma_wait3A_152 : memref<10240x128xf32, #tpu.memory_space<vmem_shared>>)
        tpu.yield
      }) : () -> ()
      %add3A_120 = arith.constant 2 : i32
      %add3A_121 = arith.addi %mul3A_95, %add3A_120 : i32
      %mul3A_122 = arith.constant 10000 : i32
      %mul3A_123 = arith.muli %arg1, %mul3A_122 : i32
      %mul3A_124 = arith.constant 80 : i32
      %mul3A_125 = arith.muli %add3A_121, %mul3A_124 : i32
      %add3A_126 = arith.addi %mul3A_123, %mul3A_125 : i32
      "tpu.region"() ({
        %run_scoped3A = tpu.sem_alloc : memref<!tpu.dma_semaphore, #tpu.memory_space<semaphore_mem>>
        %dma_start3A_147 = tpu.memref_slice %arg3[%add3A_126] : memref<160000xi32, #tpu.memory_space<hbm>> -> memref<80xi32, #tpu.memory_space<hbm>>
        %dma_start3A_148 = tpu.memref_slice %arg3[%add3A_126] : memref<160000xi32, #tpu.memory_space<hbm>> -> memref<80xi32, #tpu.memory_space<hbm>>
        tpu.enqueue_dma source(%dma_start3A_148 : memref<80xi32, #tpu.memory_space<hbm>>) target(%arg7 : memref<80xi32, #tpu.memory_space<vmem>>) target_semaphore(%run_scoped3A : memref<!tpu.dma_semaphore, #tpu.memory_space<semaphore_mem>>)
        %dma_wait3A_149 = tpu.memref_slice %arg3[%add3A_126] : memref<160000xi32, #tpu.memory_space<hbm>> -> memref<80xi32, #tpu.memory_space<hbm>>
        %dma_wait3A_150 = tpu.memref_slice %arg3[%add3A_126] : memref<160000xi32, #tpu.memory_space<hbm>> -> memref<80xi32, #tpu.memory_space<hbm>>
        tpu.wait_dma2 semaphore(%run_scoped3A : memref<!tpu.dma_semaphore, #tpu.memory_space<semaphore_mem>>) src(%dma_wait3A_150 : memref<80xi32, #tpu.memory_space<hbm>>) dst(%arg7 : memref<80xi32, #tpu.memory_space<vmem>>)
        tpu.yield
      }) : () -> ()
      %dma_start3A_127 = arith.constant 0 : i32
      %dma_start3A_128 = tpu.memref_slice %arg2[%add3A_3, %add3A_126, %dma_start3A_127] : memref<4x160000x128xf32, #tpu.memory_space<hbm>> -> memref<1x80x128xf32, #tpu.memory_space<hbm>>
      %dma_start3A_129 = tpu.memref_squeeze %dma_start3A_128 : memref<1x80x128xf32, #tpu.memory_space<hbm>> -> memref<80x128xf32, #tpu.memory_space<hbm>>
      %dma_start3A_130 = arith.constant 0 : i32
      %dma_start3A_131 = tpu.memref_slice %arg2[%add3A_3, %add3A_126, %dma_start3A_130] : memref<4x160000x128xf32, #tpu.memory_space<hbm>> -> memref<1x80x128xf32, #tpu.memory_space<hbm>>
      %dma_start3A_132 = tpu.memref_squeeze %dma_start3A_131 : memref<1x80x128xf32, #tpu.memory_space<hbm>> -> memref<80x128xf32, #tpu.memory_space<hbm>>
      tpu.enqueue_dma source(%dma_start3A_132 : memref<80x128xf32, #tpu.memory_space<hbm>>) target(%arg9 : memref<80x128xf32, #tpu.memory_space<vmem>>) target_semaphore(%arg11 : memref<!tpu.dma_semaphore, #tpu.memory_space<semaphore_mem>>)
      %add3A_133 = arith.constant 1 : i32
      %add3A_134 = arith.addi %mul3A_95, %add3A_133 : i32
      %mul3A_135 = arith.constant 10000 : i32
      %mul3A_136 = arith.muli %arg1, %mul3A_135 : i32
      %mul3A_137 = arith.constant 80 : i32
      %mul3A_138 = arith.muli %add3A_134, %mul3A_137 : i32
      %add3A_139 = arith.addi %mul3A_136, %mul3A_138 : i32
      %dma_wait3A_140 = arith.constant 0 : i32
      %dma_wait3A_141 = tpu.memref_slice %arg2[%add3A_3, %add3A_139, %dma_wait3A_140] : memref<4x160000x128xf32, #tpu.memory_space<hbm>> -> memref<1x80x128xf32, #tpu.memory_space<hbm>>
      %dma_wait3A_142 = tpu.memref_squeeze %dma_wait3A_141 : memref<1x80x128xf32, #tpu.memory_space<hbm>> -> memref<80x128xf32, #tpu.memory_space<hbm>>
      %dma_wait3A_143 = arith.constant 0 : i32
      %dma_wait3A_144 = tpu.memref_slice %arg2[%add3A_3, %add3A_139, %dma_wait3A_143] : memref<4x160000x128xf32, #tpu.memory_space<hbm>> -> memref<1x80x128xf32, #tpu.memory_space<hbm>>
      %dma_wait3A_145 = tpu.memref_squeeze %dma_wait3A_144 : memref<1x80x128xf32, #tpu.memory_space<hbm>> -> memref<80x128xf32, #tpu.memory_space<hbm>>
      tpu.wait_dma2 semaphore(%arg12 : memref<!tpu.dma_semaphore, #tpu.memory_space<semaphore_mem>>) src(%dma_wait3A_145 : memref<80x128xf32, #tpu.memory_space<hbm>>) dst(%arg10 : memref<80x128xf32, #tpu.memory_space<vmem>>)
      "tpu.region"() ({
        %run_scoped3A = tpu.sem_alloc : memref<!tpu.dma_semaphore, #tpu.memory_space<semaphore_mem>>
        %dma_start3A_147 = arith.constant 0 : i32
        %dma_start3A_148 = arith.constant 0 : i32
        %dma_start3A_149 = tpu.memref_slice %arg6[%dma_start3A_147, %dma_start3A_148] : memref<10240x128xf32, #tpu.memory_space<vmem_shared>> -> memref<10240x128xf32, #tpu.memory_space<vmem_shared>>
        tpu.enqueue_indirect_dma source(%arg10 : memref<80x128xf32, #tpu.memory_space<vmem>>) target(%dma_start3A_149 : memref<10240x128xf32, #tpu.memory_space<vmem_shared>>) offsets(%arg8 : memref<80xi32, #tpu.memory_space<vmem>>) semaphore(%run_scoped3A : memref<!tpu.dma_semaphore, #tpu.memory_space<semaphore_mem>>) {add = true}
        %dma_wait3A_150 = arith.constant 0 : i32
        %dma_wait3A_151 = arith.constant 0 : i32
        %dma_wait3A_152 = tpu.memref_slice %arg6[%dma_wait3A_150, %dma_wait3A_151] : memref<10240x128xf32, #tpu.memory_space<vmem_shared>> -> memref<10240x128xf32, #tpu.memory_space<vmem_shared>>
        tpu.wait_indirect_dma semaphore(%run_scoped3A : memref<!tpu.dma_semaphore, #tpu.memory_space<semaphore_mem>>) src(%arg10 : memref<80x128xf32, #tpu.memory_space<vmem>>) dst(%dma_wait3A_152 : memref<10240x128xf32, #tpu.memory_space<vmem_shared>>)
        tpu.yield
      }) : () -> ()
      %scan3A_146 = arith.constant 0 : i32
      scf.yield %scan3A_146 : i32
    }
    %scan3A_25 = arith.constant 62 : i32
    %mul3A_26 = arith.constant 10000 : i32
    %mul3A_27 = arith.muli %arg1, %mul3A_26 : i32
    %add3A_28 = arith.constant 9920 : i32
    %add3A_29 = arith.addi %mul3A_27, %add3A_28 : i32
    %dma_wait3A = arith.constant 0 : i32
    %dma_wait3A_30 = tpu.memref_slice %arg2[%add3A_3, %add3A_29, %dma_wait3A] : memref<4x160000x128xf32, #tpu.memory_space<hbm>> -> memref<1x80x128xf32, #tpu.memory_space<hbm>>
    %dma_wait3A_31 = tpu.memref_squeeze %dma_wait3A_30 : memref<1x80x128xf32, #tpu.memory_space<hbm>> -> memref<80x128xf32, #tpu.memory_space<hbm>>
    %dma_wait3A_32 = arith.constant 0 : i32
    %dma_wait3A_33 = tpu.memref_slice %arg2[%add3A_3, %add3A_29, %dma_wait3A_32] : memref<4x160000x128xf32, #tpu.memory_space<hbm>> -> memref<1x80x128xf32, #tpu.memory_space<hbm>>
    %dma_wait3A_34 = tpu.memref_squeeze %dma_wait3A_33 : memref<1x80x128xf32, #tpu.memory_space<hbm>> -> memref<80x128xf32, #tpu.memory_space<hbm>>
    tpu.wait_dma2 semaphore(%arg11 : memref<!tpu.dma_semaphore, #tpu.memory_space<semaphore_mem>>) src(%dma_wait3A_34 : memref<80x128xf32, #tpu.memory_space<hbm>>) dst(%arg9 : memref<80x128xf32, #tpu.memory_space<vmem>>)
    "tpu.region"() ({
      %run_scoped3A = tpu.sem_alloc : memref<!tpu.dma_semaphore, #tpu.memory_space<semaphore_mem>>
      %dma_start3A_92 = arith.constant 0 : i32
      %dma_start3A_93 = arith.constant 0 : i32
      %dma_start3A_94 = tpu.memref_slice %arg6[%dma_start3A_92, %dma_start3A_93] : memref<10240x128xf32, #tpu.memory_space<vmem_shared>> -> memref<10240x128xf32, #tpu.memory_space<vmem_shared>>
      tpu.enqueue_indirect_dma source(%arg9 : memref<80x128xf32, #tpu.memory_space<vmem>>) target(%dma_start3A_94 : memref<10240x128xf32, #tpu.memory_space<vmem_shared>>) offsets(%arg7 : memref<80xi32, #tpu.memory_space<vmem>>) semaphore(%run_scoped3A : memref<!tpu.dma_semaphore, #tpu.memory_space<semaphore_mem>>) {add = true}
      %dma_wait3A_95 = arith.constant 0 : i32
      %dma_wait3A_96 = arith.constant 0 : i32
      %dma_wait3A_97 = tpu.memref_slice %arg6[%dma_wait3A_95, %dma_wait3A_96] : memref<10240x128xf32, #tpu.memory_space<vmem_shared>> -> memref<10240x128xf32, #tpu.memory_space<vmem_shared>>
      tpu.wait_indirect_dma semaphore(%run_scoped3A : memref<!tpu.dma_semaphore, #tpu.memory_space<semaphore_mem>>) src(%arg9 : memref<80x128xf32, #tpu.memory_space<vmem>>) dst(%dma_wait3A_97 : memref<10240x128xf32, #tpu.memory_space<vmem_shared>>)
      tpu.yield
    }) : () -> ()
    %barrier3A_35 = arith.constant 0 : index
    tpu.barrier barrier_id(%barrier3A_35)
    %scan3A_36 = arith.constant 0 : i32
    %scan3A_37 = arith.constant 0 : i32
    %scan3A_38 = arith.constant 8 : i32
    %scan3A_39 = arith.addi %scan3A_37, %scan3A_38 : i32
    %scan3A_40 = arith.constant 1 : i32
    %scan3A_41 = scf.for %scan3A_92 = %scan3A_37 to %scan3A_39 step %scan3A_40 iter_args(%scan3A_93 = %scan3A_36) -> (i32)  : i32 {
      %mul3A_94 = arith.constant 80 : i32
      %mul3A_95 = arith.muli %scan3A_92, %mul3A_94 : i32
      %add3A_96 = arith.addi %mul3A_0, %mul3A_95 : i32
      "tpu.region"() ({
        %run_scoped3A = tpu.sem_alloc : memref<!tpu.dma_semaphore, #tpu.memory_space<semaphore_mem>>
        %dma_start3A_98 = arith.constant 0 : i32
        %dma_start3A_99 = tpu.memref_slice %arg6[%add3A_96, %dma_start3A_98] : memref<10240x128xf32, #tpu.memory_space<vmem_shared>> -> memref<80x128xf32, #tpu.memory_space<vmem_shared>>
        %dma_start3A_100 = arith.constant 0 : i32
        %dma_start3A_101 = tpu.memref_slice %arg6[%add3A_96, %dma_start3A_100] : memref<10240x128xf32, #tpu.memory_space<vmem_shared>> -> memref<80x128xf32, #tpu.memory_space<vmem_shared>>
        tpu.enqueue_dma source(%dma_start3A_101 : memref<80x128xf32, #tpu.memory_space<vmem_shared>>) target(%arg9 : memref<80x128xf32, #tpu.memory_space<vmem>>) target_semaphore(%run_scoped3A : memref<!tpu.dma_semaphore, #tpu.memory_space<semaphore_mem>>)
        %dma_wait3A_102 = arith.constant 0 : i32
        %dma_wait3A_103 = tpu.memref_slice %arg6[%add3A_96, %dma_wait3A_102] : memref<10240x128xf32, #tpu.memory_space<vmem_shared>> -> memref<80x128xf32, #tpu.memory_space<vmem_shared>>
        %dma_wait3A_104 = arith.constant 0 : i32
        %dma_wait3A_105 = tpu.memref_slice %arg6[%add3A_96, %dma_wait3A_104] : memref<10240x128xf32, #tpu.memory_space<vmem_shared>> -> memref<80x128xf32, #tpu.memory_space<vmem_shared>>
        tpu.wait_dma2 semaphore(%run_scoped3A : memref<!tpu.dma_semaphore, #tpu.memory_space<semaphore_mem>>) src(%dma_wait3A_105 : memref<80x128xf32, #tpu.memory_space<vmem_shared>>) dst(%arg9 : memref<80x128xf32, #tpu.memory_space<vmem>>)
        tpu.yield
      }) : () -> ()
      "tpu.region"() ({
        %run_scoped3A = tpu.sem_alloc : memref<!tpu.dma_semaphore, #tpu.memory_space<semaphore_mem>>
        %dma_start3A_98 = arith.constant 0 : i32
        %dma_start3A_99 = tpu.memref_slice %arg5[%add3A_3, %add3A_96, %dma_start3A_98] : memref<4x10240x128xf32, #tpu.memory_space<hbm>> -> memref<1x80x128xf32, #tpu.memory_space<hbm>>
        %dma_start3A_100 = tpu.memref_squeeze %dma_start3A_99 : memref<1x80x128xf32, #tpu.memory_space<hbm>> -> memref<80x128xf32, #tpu.memory_space<hbm>>
        %dma_start3A_101 = arith.constant 0 : i32
        %dma_start3A_102 = tpu.memref_slice %arg5[%add3A_3, %add3A_96, %dma_start3A_101] : memref<4x10240x128xf32, #tpu.memory_space<hbm>> -> memref<1x80x128xf32, #tpu.memory_space<hbm>>
        %dma_start3A_103 = tpu.memref_squeeze %dma_start3A_102 : memref<1x80x128xf32, #tpu.memory_space<hbm>> -> memref<80x128xf32, #tpu.memory_space<hbm>>
        tpu.enqueue_dma source(%arg9 : memref<80x128xf32, #tpu.memory_space<vmem>>) target(%dma_start3A_103 : memref<80x128xf32, #tpu.memory_space<hbm>>) target_semaphore(%run_scoped3A : memref<!tpu.dma_semaphore, #tpu.memory_space<semaphore_mem>>)
        %dma_wait3A_104 = arith.constant 0 : i32
        %dma_wait3A_105 = tpu.memref_slice %arg5[%add3A_3, %add3A_96, %dma_wait3A_104] : memref<4x10240x128xf32, #tpu.memory_space<hbm>> -> memref<1x80x128xf32, #tpu.memory_space<hbm>>
        %dma_wait3A_106 = tpu.memref_squeeze %dma_wait3A_105 : memref<1x80x128xf32, #tpu.memory_space<hbm>> -> memref<80x128xf32, #tpu.memory_space<hbm>>
        %dma_wait3A_107 = arith.constant 0 : i32
        %dma_wait3A_108 = tpu.memref_slice %arg5[%add3A_3, %add3A_96, %dma_wait3A_107] : memref<4x10240x128xf32, #tpu.memory_space<hbm>> -> memref<1x80x128xf32, #tpu.memory_space<hbm>>
        %dma_wait3A_109 = tpu.memref_squeeze %dma_wait3A_108 : memref<1x80x128xf32, #tpu.memory_space<hbm>> -> memref<80x128xf32, #tpu.memory_space<hbm>>
        tpu.wait_dma2 semaphore(%run_scoped3A : memref<!tpu.dma_semaphore, #tpu.memory_space<semaphore_mem>>) src(%arg9 : memref<80x128xf32, #tpu.memory_space<vmem>>) dst(%dma_wait3A_109 : memref<80x128xf32, #tpu.memory_space<hbm>>)
        tpu.yield
      }) : () -> ()
      %scan3A_97 = arith.constant 0 : i32
      scf.yield %scan3A_97 : i32
    }
    %scan3A_42 = arith.constant 8 : i32
    %barrier3A_43 = arith.constant 0 : index
    tpu.barrier barrier_id(%barrier3A_43)
    %mul3A_44 = arith.constant 2 : i32
    %mul3A_45 = arith.muli %mul3A_44, %arg0 : i32
    %add3A_46 = arith.constant 1 : i32
    %add3A_47 = arith.addi %mul3A_45, %add3A_46 : i32
    %scan3A_48 = arith.constant 0 : i32
    %scan3A_49 = arith.constant 0 : i32
    %scan3A_50 = arith.constant 8 : i32
    %scan3A_51 = arith.addi %scan3A_49, %scan3A_50 : i32
    %scan3A_52 = arith.constant 1 : i32
    %scan3A_53 = scf.for %scan3A_92 = %scan3A_49 to %scan3A_51 step %scan3A_52 iter_args(%scan3A_93 = %scan3A_48) -> (i32)  : i32 {
      %mul3A_94 = arith.constant 80 : i32
      %mul3A_95 = arith.muli %scan3A_92, %mul3A_94 : i32
      %add3A_96 = arith.addi %mul3A_0, %mul3A_95 : i32
      "tpu.region"() ({
        %run_scoped3A = tpu.sem_alloc : memref<!tpu.dma_semaphore, #tpu.memory_space<semaphore_mem>>
        %dma_start3A_98 = arith.constant 0 : i32
        %dma_start3A_99 = tpu.memref_slice %arg4[%add3A_96, %dma_start3A_98] : memref<10240x128xf32, #tpu.memory_space<hbm>> -> memref<80x128xf32, #tpu.memory_space<hbm>>
        %dma_start3A_100 = arith.constant 0 : i32
        %dma_start3A_101 = tpu.memref_slice %arg4[%add3A_96, %dma_start3A_100] : memref<10240x128xf32, #tpu.memory_space<hbm>> -> memref<80x128xf32, #tpu.memory_space<hbm>>
        tpu.enqueue_dma source(%dma_start3A_101 : memref<80x128xf32, #tpu.memory_space<hbm>>) target(%arg9 : memref<80x128xf32, #tpu.memory_space<vmem>>) target_semaphore(%run_scoped3A : memref<!tpu.dma_semaphore, #tpu.memory_space<semaphore_mem>>)
        %dma_wait3A_102 = arith.constant 0 : i32
        %dma_wait3A_103 = tpu.memref_slice %arg4[%add3A_96, %dma_wait3A_102] : memref<10240x128xf32, #tpu.memory_space<hbm>> -> memref<80x128xf32, #tpu.memory_space<hbm>>
        %dma_wait3A_104 = arith.constant 0 : i32
        %dma_wait3A_105 = tpu.memref_slice %arg4[%add3A_96, %dma_wait3A_104] : memref<10240x128xf32, #tpu.memory_space<hbm>> -> memref<80x128xf32, #tpu.memory_space<hbm>>
        tpu.wait_dma2 semaphore(%run_scoped3A : memref<!tpu.dma_semaphore, #tpu.memory_space<semaphore_mem>>) src(%dma_wait3A_105 : memref<80x128xf32, #tpu.memory_space<hbm>>) dst(%arg9 : memref<80x128xf32, #tpu.memory_space<vmem>>)
        tpu.yield
      }) : () -> ()
      "tpu.region"() ({
        %run_scoped3A = tpu.sem_alloc : memref<!tpu.dma_semaphore, #tpu.memory_space<semaphore_mem>>
        %dma_start3A_98 = arith.constant 0 : i32
        %dma_start3A_99 = tpu.memref_slice %arg6[%add3A_96, %dma_start3A_98] : memref<10240x128xf32, #tpu.memory_space<vmem_shared>> -> memref<80x128xf32, #tpu.memory_space<vmem_shared>>
        %dma_start3A_100 = arith.constant 0 : i32
        %dma_start3A_101 = tpu.memref_slice %arg6[%add3A_96, %dma_start3A_100] : memref<10240x128xf32, #tpu.memory_space<vmem_shared>> -> memref<80x128xf32, #tpu.memory_space<vmem_shared>>
        tpu.enqueue_dma source(%arg9 : memref<80x128xf32, #tpu.memory_space<vmem>>) target(%dma_start3A_101 : memref<80x128xf32, #tpu.memory_space<vmem_shared>>) target_semaphore(%run_scoped3A : memref<!tpu.dma_semaphore, #tpu.memory_space<semaphore_mem>>)
        %dma_wait3A_102 = arith.constant 0 : i32
        %dma_wait3A_103 = tpu.memref_slice %arg6[%add3A_96, %dma_wait3A_102] : memref<10240x128xf32, #tpu.memory_space<vmem_shared>> -> memref<80x128xf32, #tpu.memory_space<vmem_shared>>
        %dma_wait3A_104 = arith.constant 0 : i32
        %dma_wait3A_105 = tpu.memref_slice %arg6[%add3A_96, %dma_wait3A_104] : memref<10240x128xf32, #tpu.memory_space<vmem_shared>> -> memref<80x128xf32, #tpu.memory_space<vmem_shared>>
        tpu.wait_dma2 semaphore(%run_scoped3A : memref<!tpu.dma_semaphore, #tpu.memory_space<semaphore_mem>>) src(%arg9 : memref<80x128xf32, #tpu.memory_space<vmem>>) dst(%dma_wait3A_105 : memref<80x128xf32, #tpu.memory_space<vmem_shared>>)
        tpu.yield
      }) : () -> ()
      %scan3A_97 = arith.constant 0 : i32
      scf.yield %scan3A_97 : i32
    }
    %scan3A_54 = arith.constant 8 : i32
    %barrier3A_55 = arith.constant 0 : index
    tpu.barrier barrier_id(%barrier3A_55)
    %mul3A_56 = arith.constant 10000 : i32
    %mul3A_57 = arith.muli %arg1, %mul3A_56 : i32
    %add3A_58 = arith.constant 0 : i32
    %add3A_59 = arith.addi %mul3A_57, %add3A_58 : i32
    "tpu.region"() ({
      %run_scoped3A = tpu.sem_alloc : memref<!tpu.dma_semaphore, #tpu.memory_space<semaphore_mem>>
      %dma_start3A_92 = tpu.memref_slice %arg3[%add3A_59] : memref<160000xi32, #tpu.memory_space<hbm>> -> memref<80xi32, #tpu.memory_space<hbm>>
      %dma_start3A_93 = tpu.memref_slice %arg3[%add3A_59] : memref<160000xi32, #tpu.memory_space<hbm>> -> memref<80xi32, #tpu.memory_space<hbm>>
      tpu.enqueue_dma source(%dma_start3A_93 : memref<80xi32, #tpu.memory_space<hbm>>) target(%arg7 : memref<80xi32, #tpu.memory_space<vmem>>) target_semaphore(%run_scoped3A : memref<!tpu.dma_semaphore, #tpu.memory_space<semaphore_mem>>)
      %dma_wait3A_94 = tpu.memref_slice %arg3[%add3A_59] : memref<160000xi32, #tpu.memory_space<hbm>> -> memref<80xi32, #tpu.memory_space<hbm>>
      %dma_wait3A_95 = tpu.memref_slice %arg3[%add3A_59] : memref<160000xi32, #tpu.memory_space<hbm>> -> memref<80xi32, #tpu.memory_space<hbm>>
      tpu.wait_dma2 semaphore(%run_scoped3A : memref<!tpu.dma_semaphore, #tpu.memory_space<semaphore_mem>>) src(%dma_wait3A_95 : memref<80xi32, #tpu.memory_space<hbm>>) dst(%arg7 : memref<80xi32, #tpu.memory_space<vmem>>)
      tpu.yield
    }) : () -> ()
    %dma_start3A_60 = arith.constant 0 : i32
    %dma_start3A_61 = tpu.memref_slice %arg2[%add3A_47, %add3A_59, %dma_start3A_60] : memref<4x160000x128xf32, #tpu.memory_space<hbm>> -> memref<1x80x128xf32, #tpu.memory_space<hbm>>
    %dma_start3A_62 = tpu.memref_squeeze %dma_start3A_61 : memref<1x80x128xf32, #tpu.memory_space<hbm>> -> memref<80x128xf32, #tpu.memory_space<hbm>>
    %dma_start3A_63 = arith.constant 0 : i32
    %dma_start3A_64 = tpu.memref_slice %arg2[%add3A_47, %add3A_59, %dma_start3A_63] : memref<4x160000x128xf32, #tpu.memory_space<hbm>> -> memref<1x80x128xf32, #tpu.memory_space<hbm>>
    %dma_start3A_65 = tpu.memref_squeeze %dma_start3A_64 : memref<1x80x128xf32, #tpu.memory_space<hbm>> -> memref<80x128xf32, #tpu.memory_space<hbm>>
    tpu.enqueue_dma source(%dma_start3A_65 : memref<80x128xf32, #tpu.memory_space<hbm>>) target(%arg9 : memref<80x128xf32, #tpu.memory_space<vmem>>) target_semaphore(%arg11 : memref<!tpu.dma_semaphore, #tpu.memory_space<semaphore_mem>>)
    %scan3A_66 = arith.constant 0 : i32
    %scan3A_67 = arith.constant 0 : i32
    %scan3A_68 = arith.constant 62 : i32
    %scan3A_69 = arith.addi %scan3A_67, %scan3A_68 : i32
    %scan3A_70 = arith.constant 1 : i32
    %scan3A_71 = scf.for %scan3A_92 = %scan3A_67 to %scan3A_69 step %scan3A_70 iter_args(%scan3A_93 = %scan3A_66) -> (i32)  : i32 {
      %mul3A_94 = arith.constant 2 : i32
      %mul3A_95 = arith.muli %mul3A_94, %scan3A_92 : i32
      %add3A_96 = arith.constant 1 : i32
      %add3A_97 = arith.addi %mul3A_95, %add3A_96 : i32
      %mul3A_98 = arith.constant 10000 : i32
      %mul3A_99 = arith.muli %arg1, %mul3A_98 : i32
      %mul3A_100 = arith.constant 80 : i32
      %mul3A_101 = arith.muli %add3A_97, %mul3A_100 : i32
      %add3A_102 = arith.addi %mul3A_99, %mul3A_101 : i32
      "tpu.region"() ({
        %run_scoped3A = tpu.sem_alloc : memref<!tpu.dma_semaphore, #tpu.memory_space<semaphore_mem>>
        %dma_start3A_147 = tpu.memref_slice %arg3[%add3A_102] : memref<160000xi32, #tpu.memory_space<hbm>> -> memref<80xi32, #tpu.memory_space<hbm>>
        %dma_start3A_148 = tpu.memref_slice %arg3[%add3A_102] : memref<160000xi32, #tpu.memory_space<hbm>> -> memref<80xi32, #tpu.memory_space<hbm>>
        tpu.enqueue_dma source(%dma_start3A_148 : memref<80xi32, #tpu.memory_space<hbm>>) target(%arg8 : memref<80xi32, #tpu.memory_space<vmem>>) target_semaphore(%run_scoped3A : memref<!tpu.dma_semaphore, #tpu.memory_space<semaphore_mem>>)
        %dma_wait3A_149 = tpu.memref_slice %arg3[%add3A_102] : memref<160000xi32, #tpu.memory_space<hbm>> -> memref<80xi32, #tpu.memory_space<hbm>>
        %dma_wait3A_150 = tpu.memref_slice %arg3[%add3A_102] : memref<160000xi32, #tpu.memory_space<hbm>> -> memref<80xi32, #tpu.memory_space<hbm>>
        tpu.wait_dma2 semaphore(%run_scoped3A : memref<!tpu.dma_semaphore, #tpu.memory_space<semaphore_mem>>) src(%dma_wait3A_150 : memref<80xi32, #tpu.memory_space<hbm>>) dst(%arg8 : memref<80xi32, #tpu.memory_space<vmem>>)
        tpu.yield
      }) : () -> ()
      %dma_start3A_103 = arith.constant 0 : i32
      %dma_start3A_104 = tpu.memref_slice %arg2[%add3A_47, %add3A_102, %dma_start3A_103] : memref<4x160000x128xf32, #tpu.memory_space<hbm>> -> memref<1x80x128xf32, #tpu.memory_space<hbm>>
      %dma_start3A_105 = tpu.memref_squeeze %dma_start3A_104 : memref<1x80x128xf32, #tpu.memory_space<hbm>> -> memref<80x128xf32, #tpu.memory_space<hbm>>
      %dma_start3A_106 = arith.constant 0 : i32
      %dma_start3A_107 = tpu.memref_slice %arg2[%add3A_47, %add3A_102, %dma_start3A_106] : memref<4x160000x128xf32, #tpu.memory_space<hbm>> -> memref<1x80x128xf32, #tpu.memory_space<hbm>>
      %dma_start3A_108 = tpu.memref_squeeze %dma_start3A_107 : memref<1x80x128xf32, #tpu.memory_space<hbm>> -> memref<80x128xf32, #tpu.memory_space<hbm>>
      tpu.enqueue_dma source(%dma_start3A_108 : memref<80x128xf32, #tpu.memory_space<hbm>>) target(%arg10 : memref<80x128xf32, #tpu.memory_space<vmem>>) target_semaphore(%arg12 : memref<!tpu.dma_semaphore, #tpu.memory_space<semaphore_mem>>)
      %mul3A_109 = arith.constant 10000 : i32
      %mul3A_110 = arith.muli %arg1, %mul3A_109 : i32
      %mul3A_111 = arith.constant 80 : i32
      %mul3A_112 = arith.muli %mul3A_95, %mul3A_111 : i32
      %add3A_113 = arith.addi %mul3A_110, %mul3A_112 : i32
      %dma_wait3A_114 = arith.constant 0 : i32
      %dma_wait3A_115 = tpu.memref_slice %arg2[%add3A_47, %add3A_113, %dma_wait3A_114] : memref<4x160000x128xf32, #tpu.memory_space<hbm>> -> memref<1x80x128xf32, #tpu.memory_space<hbm>>
      %dma_wait3A_116 = tpu.memref_squeeze %dma_wait3A_115 : memref<1x80x128xf32, #tpu.memory_space<hbm>> -> memref<80x128xf32, #tpu.memory_space<hbm>>
      %dma_wait3A_117 = arith.constant 0 : i32
      %dma_wait3A_118 = tpu.memref_slice %arg2[%add3A_47, %add3A_113, %dma_wait3A_117] : memref<4x160000x128xf32, #tpu.memory_space<hbm>> -> memref<1x80x128xf32, #tpu.memory_space<hbm>>
      %dma_wait3A_119 = tpu.memref_squeeze %dma_wait3A_118 : memref<1x80x128xf32, #tpu.memory_space<hbm>> -> memref<80x128xf32, #tpu.memory_space<hbm>>
      tpu.wait_dma2 semaphore(%arg11 : memref<!tpu.dma_semaphore, #tpu.memory_space<semaphore_mem>>) src(%dma_wait3A_119 : memref<80x128xf32, #tpu.memory_space<hbm>>) dst(%arg9 : memref<80x128xf32, #tpu.memory_space<vmem>>)
      "tpu.region"() ({
        %run_scoped3A = tpu.sem_alloc : memref<!tpu.dma_semaphore, #tpu.memory_space<semaphore_mem>>
        %dma_start3A_147 = arith.constant 0 : i32
        %dma_start3A_148 = arith.constant 0 : i32
        %dma_start3A_149 = tpu.memref_slice %arg6[%dma_start3A_147, %dma_start3A_148] : memref<10240x128xf32, #tpu.memory_space<vmem_shared>> -> memref<10240x128xf32, #tpu.memory_space<vmem_shared>>
        tpu.enqueue_indirect_dma source(%arg9 : memref<80x128xf32, #tpu.memory_space<vmem>>) target(%dma_start3A_149 : memref<10240x128xf32, #tpu.memory_space<vmem_shared>>) offsets(%arg7 : memref<80xi32, #tpu.memory_space<vmem>>) semaphore(%run_scoped3A : memref<!tpu.dma_semaphore, #tpu.memory_space<semaphore_mem>>) {add = true}
        %dma_wait3A_150 = arith.constant 0 : i32
        %dma_wait3A_151 = arith.constant 0 : i32
        %dma_wait3A_152 = tpu.memref_slice %arg6[%dma_wait3A_150, %dma_wait3A_151] : memref<10240x128xf32, #tpu.memory_space<vmem_shared>> -> memref<10240x128xf32, #tpu.memory_space<vmem_shared>>
        tpu.wait_indirect_dma semaphore(%run_scoped3A : memref<!tpu.dma_semaphore, #tpu.memory_space<semaphore_mem>>) src(%arg9 : memref<80x128xf32, #tpu.memory_space<vmem>>) dst(%dma_wait3A_152 : memref<10240x128xf32, #tpu.memory_space<vmem_shared>>)
        tpu.yield
      }) : () -> ()
      %add3A_120 = arith.constant 2 : i32
      %add3A_121 = arith.addi %mul3A_95, %add3A_120 : i32
      %mul3A_122 = arith.constant 10000 : i32
      %mul3A_123 = arith.muli %arg1, %mul3A_122 : i32
      %mul3A_124 = arith.constant 80 : i32
      %mul3A_125 = arith.muli %add3A_121, %mul3A_124 : i32
      %add3A_126 = arith.addi %mul3A_123, %mul3A_125 : i32
      "tpu.region"() ({
        %run_scoped3A = tpu.sem_alloc : memref<!tpu.dma_semaphore, #tpu.memory_space<semaphore_mem>>
        %dma_start3A_147 = tpu.memref_slice %arg3[%add3A_126] : memref<160000xi32, #tpu.memory_space<hbm>> -> memref<80xi32, #tpu.memory_space<hbm>>
        %dma_start3A_148 = tpu.memref_slice %arg3[%add3A_126] : memref<160000xi32, #tpu.memory_space<hbm>> -> memref<80xi32, #tpu.memory_space<hbm>>
        tpu.enqueue_dma source(%dma_start3A_148 : memref<80xi32, #tpu.memory_space<hbm>>) target(%arg7 : memref<80xi32, #tpu.memory_space<vmem>>) target_semaphore(%run_scoped3A : memref<!tpu.dma_semaphore, #tpu.memory_space<semaphore_mem>>)
        %dma_wait3A_149 = tpu.memref_slice %arg3[%add3A_126] : memref<160000xi32, #tpu.memory_space<hbm>> -> memref<80xi32, #tpu.memory_space<hbm>>
        %dma_wait3A_150 = tpu.memref_slice %arg3[%add3A_126] : memref<160000xi32, #tpu.memory_space<hbm>> -> memref<80xi32, #tpu.memory_space<hbm>>
        tpu.wait_dma2 semaphore(%run_scoped3A : memref<!tpu.dma_semaphore, #tpu.memory_space<semaphore_mem>>) src(%dma_wait3A_150 : memref<80xi32, #tpu.memory_space<hbm>>) dst(%arg7 : memref<80xi32, #tpu.memory_space<vmem>>)
        tpu.yield
      }) : () -> ()
      %dma_start3A_127 = arith.constant 0 : i32
      %dma_start3A_128 = tpu.memref_slice %arg2[%add3A_47, %add3A_126, %dma_start3A_127] : memref<4x160000x128xf32, #tpu.memory_space<hbm>> -> memref<1x80x128xf32, #tpu.memory_space<hbm>>
      %dma_start3A_129 = tpu.memref_squeeze %dma_start3A_128 : memref<1x80x128xf32, #tpu.memory_space<hbm>> -> memref<80x128xf32, #tpu.memory_space<hbm>>
      %dma_start3A_130 = arith.constant 0 : i32
      %dma_start3A_131 = tpu.memref_slice %arg2[%add3A_47, %add3A_126, %dma_start3A_130] : memref<4x160000x128xf32, #tpu.memory_space<hbm>> -> memref<1x80x128xf32, #tpu.memory_space<hbm>>
      %dma_start3A_132 = tpu.memref_squeeze %dma_start3A_131 : memref<1x80x128xf32, #tpu.memory_space<hbm>> -> memref<80x128xf32, #tpu.memory_space<hbm>>
      tpu.enqueue_dma source(%dma_start3A_132 : memref<80x128xf32, #tpu.memory_space<hbm>>) target(%arg9 : memref<80x128xf32, #tpu.memory_space<vmem>>) target_semaphore(%arg11 : memref<!tpu.dma_semaphore, #tpu.memory_space<semaphore_mem>>)
      %add3A_133 = arith.constant 1 : i32
      %add3A_134 = arith.addi %mul3A_95, %add3A_133 : i32
      %mul3A_135 = arith.constant 10000 : i32
      %mul3A_136 = arith.muli %arg1, %mul3A_135 : i32
      %mul3A_137 = arith.constant 80 : i32
      %mul3A_138 = arith.muli %add3A_134, %mul3A_137 : i32
      %add3A_139 = arith.addi %mul3A_136, %mul3A_138 : i32
      %dma_wait3A_140 = arith.constant 0 : i32
      %dma_wait3A_141 = tpu.memref_slice %arg2[%add3A_47, %add3A_139, %dma_wait3A_140] : memref<4x160000x128xf32, #tpu.memory_space<hbm>> -> memref<1x80x128xf32, #tpu.memory_space<hbm>>
      %dma_wait3A_142 = tpu.memref_squeeze %dma_wait3A_141 : memref<1x80x128xf32, #tpu.memory_space<hbm>> -> memref<80x128xf32, #tpu.memory_space<hbm>>
      %dma_wait3A_143 = arith.constant 0 : i32
      %dma_wait3A_144 = tpu.memref_slice %arg2[%add3A_47, %add3A_139, %dma_wait3A_143] : memref<4x160000x128xf32, #tpu.memory_space<hbm>> -> memref<1x80x128xf32, #tpu.memory_space<hbm>>
      %dma_wait3A_145 = tpu.memref_squeeze %dma_wait3A_144 : memref<1x80x128xf32, #tpu.memory_space<hbm>> -> memref<80x128xf32, #tpu.memory_space<hbm>>
      tpu.wait_dma2 semaphore(%arg12 : memref<!tpu.dma_semaphore, #tpu.memory_space<semaphore_mem>>) src(%dma_wait3A_145 : memref<80x128xf32, #tpu.memory_space<hbm>>) dst(%arg10 : memref<80x128xf32, #tpu.memory_space<vmem>>)
      "tpu.region"() ({
        %run_scoped3A = tpu.sem_alloc : memref<!tpu.dma_semaphore, #tpu.memory_space<semaphore_mem>>
        %dma_start3A_147 = arith.constant 0 : i32
        %dma_start3A_148 = arith.constant 0 : i32
        %dma_start3A_149 = tpu.memref_slice %arg6[%dma_start3A_147, %dma_start3A_148] : memref<10240x128xf32, #tpu.memory_space<vmem_shared>> -> memref<10240x128xf32, #tpu.memory_space<vmem_shared>>
        tpu.enqueue_indirect_dma source(%arg10 : memref<80x128xf32, #tpu.memory_space<vmem>>) target(%dma_start3A_149 : memref<10240x128xf32, #tpu.memory_space<vmem_shared>>) offsets(%arg8 : memref<80xi32, #tpu.memory_space<vmem>>) semaphore(%run_scoped3A : memref<!tpu.dma_semaphore, #tpu.memory_space<semaphore_mem>>) {add = true}
        %dma_wait3A_150 = arith.constant 0 : i32
        %dma_wait3A_151 = arith.constant 0 : i32
        %dma_wait3A_152 = tpu.memref_slice %arg6[%dma_wait3A_150, %dma_wait3A_151] : memref<10240x128xf32, #tpu.memory_space<vmem_shared>> -> memref<10240x128xf32, #tpu.memory_space<vmem_shared>>
        tpu.wait_indirect_dma semaphore(%run_scoped3A : memref<!tpu.dma_semaphore, #tpu.memory_space<semaphore_mem>>) src(%arg10 : memref<80x128xf32, #tpu.memory_space<vmem>>) dst(%dma_wait3A_152 : memref<10240x128xf32, #tpu.memory_space<vmem_shared>>)
        tpu.yield
      }) : () -> ()
      %scan3A_146 = arith.constant 0 : i32
      scf.yield %scan3A_146 : i32
    }
    %scan3A_72 = arith.constant 62 : i32
    %mul3A_73 = arith.constant 10000 : i32
    %mul3A_74 = arith.muli %arg1, %mul3A_73 : i32
    %add3A_75 = arith.constant 9920 : i32
    %add3A_76 = arith.addi %mul3A_74, %add3A_75 : i32
    %dma_wait3A_77 = arith.constant 0 : i32
    %dma_wait3A_78 = tpu.memref_slice %arg2[%add3A_47, %add3A_76, %dma_wait3A_77] : memref<4x160000x128xf32, #tpu.memory_space<hbm>> -> memref<1x80x128xf32, #tpu.memory_space<hbm>>
    %dma_wait3A_79 = tpu.memref_squeeze %dma_wait3A_78 : memref<1x80x128xf32, #tpu.memory_space<hbm>> -> memref<80x128xf32, #tpu.memory_space<hbm>>
    %dma_wait3A_80 = arith.constant 0 : i32
    %dma_wait3A_81 = tpu.memref_slice %arg2[%add3A_47, %add3A_76, %dma_wait3A_80] : memref<4x160000x128xf32, #tpu.memory_space<hbm>> -> memref<1x80x128xf32, #tpu.memory_space<hbm>>
    %dma_wait3A_82 = tpu.memref_squeeze %dma_wait3A_81 : memref<1x80x128xf32, #tpu.memory_space<hbm>> -> memref<80x128xf32, #tpu.memory_space<hbm>>
    tpu.wait_dma2 semaphore(%arg11 : memref<!tpu.dma_semaphore, #tpu.memory_space<semaphore_mem>>) src(%dma_wait3A_82 : memref<80x128xf32, #tpu.memory_space<hbm>>) dst(%arg9 : memref<80x128xf32, #tpu.memory_space<vmem>>)
    "tpu.region"() ({
      %run_scoped3A = tpu.sem_alloc : memref<!tpu.dma_semaphore, #tpu.memory_space<semaphore_mem>>
      %dma_start3A_92 = arith.constant 0 : i32
      %dma_start3A_93 = arith.constant 0 : i32
      %dma_start3A_94 = tpu.memref_slice %arg6[%dma_start3A_92, %dma_start3A_93] : memref<10240x128xf32, #tpu.memory_space<vmem_shared>> -> memref<10240x128xf32, #tpu.memory_space<vmem_shared>>
      tpu.enqueue_indirect_dma source(%arg9 : memref<80x128xf32, #tpu.memory_space<vmem>>) target(%dma_start3A_94 : memref<10240x128xf32, #tpu.memory_space<vmem_shared>>) offsets(%arg7 : memref<80xi32, #tpu.memory_space<vmem>>) semaphore(%run_scoped3A : memref<!tpu.dma_semaphore, #tpu.memory_space<semaphore_mem>>) {add = true}
      %dma_wait3A_95 = arith.constant 0 : i32
      %dma_wait3A_96 = arith.constant 0 : i32
      %dma_wait3A_97 = tpu.memref_slice %arg6[%dma_wait3A_95, %dma_wait3A_96] : memref<10240x128xf32, #tpu.memory_space<vmem_shared>> -> memref<10240x128xf32, #tpu.memory_space<vmem_shared>>
      tpu.wait_indirect_dma semaphore(%run_scoped3A : memref<!tpu.dma_semaphore, #tpu.memory_space<semaphore_mem>>) src(%arg9 : memref<80x128xf32, #tpu.memory_space<vmem>>) dst(%dma_wait3A_97 : memref<10240x128xf32, #tpu.memory_space<vmem_shared>>)
      tpu.yield
    }) : () -> ()
    %barrier3A_83 = arith.constant 0 : index
    tpu.barrier barrier_id(%barrier3A_83)
    %scan3A_84 = arith.constant 0 : i32
    %scan3A_85 = arith.constant 0 : i32
    %scan3A_86 = arith.constant 8 : i32
    %scan3A_87 = arith.addi %scan3A_85, %scan3A_86 : i32
    %scan3A_88 = arith.constant 1 : i32
    %scan3A_89 = scf.for %scan3A_92 = %scan3A_85 to %scan3A_87 step %scan3A_88 iter_args(%scan3A_93 = %scan3A_84) -> (i32)  : i32 {
      %mul3A_94 = arith.constant 80 : i32
      %mul3A_95 = arith.muli %scan3A_92, %mul3A_94 : i32
      %add3A_96 = arith.addi %mul3A_0, %mul3A_95 : i32
      "tpu.region"() ({
        %run_scoped3A = tpu.sem_alloc : memref<!tpu.dma_semaphore, #tpu.memory_space<semaphore_mem>>
        %dma_start3A_98 = arith.constant 0 : i32
        %dma_start3A_99 = tpu.memref_slice %arg6[%add3A_96, %dma_start3A_98] : memref<10240x128xf32, #tpu.memory_space<vmem_shared>> -> memref<80x128xf32, #tpu.memory_space<vmem_shared>>
        %dma_start3A_100 = arith.constant 0 : i32
        %dma_start3A_101 = tpu.memref_slice %arg6[%add3A_96, %dma_start3A_100] : memref<10240x128xf32, #tpu.memory_space<vmem_shared>> -> memref<80x128xf32, #tpu.memory_space<vmem_shared>>
        tpu.enqueue_dma source(%dma_start3A_101 : memref<80x128xf32, #tpu.memory_space<vmem_shared>>) target(%arg9 : memref<80x128xf32, #tpu.memory_space<vmem>>) target_semaphore(%run_scoped3A : memref<!tpu.dma_semaphore, #tpu.memory_space<semaphore_mem>>)
        %dma_wait3A_102 = arith.constant 0 : i32
        %dma_wait3A_103 = tpu.memref_slice %arg6[%add3A_96, %dma_wait3A_102] : memref<10240x128xf32, #tpu.memory_space<vmem_shared>> -> memref<80x128xf32, #tpu.memory_space<vmem_shared>>
        %dma_wait3A_104 = arith.constant 0 : i32
        %dma_wait3A_105 = tpu.memref_slice %arg6[%add3A_96, %dma_wait3A_104] : memref<10240x128xf32, #tpu.memory_space<vmem_shared>> -> memref<80x128xf32, #tpu.memory_space<vmem_shared>>
        tpu.wait_dma2 semaphore(%run_scoped3A : memref<!tpu.dma_semaphore, #tpu.memory_space<semaphore_mem>>) src(%dma_wait3A_105 : memref<80x128xf32, #tpu.memory_space<vmem_shared>>) dst(%arg9 : memref<80x128xf32, #tpu.memory_space<vmem>>)
        tpu.yield
      }) : () -> ()
      "tpu.region"() ({
        %run_scoped3A = tpu.sem_alloc : memref<!tpu.dma_semaphore, #tpu.memory_space<semaphore_mem>>
        %dma_start3A_98 = arith.constant 0 : i32
        %dma_start3A_99 = tpu.memref_slice %arg5[%add3A_47, %add3A_96, %dma_start3A_98] : memref<4x10240x128xf32, #tpu.memory_space<hbm>> -> memref<1x80x128xf32, #tpu.memory_space<hbm>>
        %dma_start3A_100 = tpu.memref_squeeze %dma_start3A_99 : memref<1x80x128xf32, #tpu.memory_space<hbm>> -> memref<80x128xf32, #tpu.memory_space<hbm>>
        %dma_start3A_101 = arith.constant 0 : i32
        %dma_start3A_102 = tpu.memref_slice %arg5[%add3A_47, %add3A_96, %dma_start3A_101] : memref<4x10240x128xf32, #tpu.memory_space<hbm>> -> memref<1x80x128xf32, #tpu.memory_space<hbm>>
        %dma_start3A_103 = tpu.memref_squeeze %dma_start3A_102 : memref<1x80x128xf32, #tpu.memory_space<hbm>> -> memref<80x128xf32, #tpu.memory_space<hbm>>
        tpu.enqueue_dma source(%arg9 : memref<80x128xf32, #tpu.memory_space<vmem>>) target(%dma_start3A_103 : memref<80x128xf32, #tpu.memory_space<hbm>>) target_semaphore(%run_scoped3A : memref<!tpu.dma_semaphore, #tpu.memory_space<semaphore_mem>>)
        %dma_wait3A_104 = arith.constant 0 : i32
        %dma_wait3A_105 = tpu.memref_slice %arg5[%add3A_47, %add3A_96, %dma_wait3A_104] : memref<4x10240x128xf32, #tpu.memory_space<hbm>> -> memref<1x80x128xf32, #tpu.memory_space<hbm>>
        %dma_wait3A_106 = tpu.memref_squeeze %dma_wait3A_105 : memref<1x80x128xf32, #tpu.memory_space<hbm>> -> memref<80x128xf32, #tpu.memory_space<hbm>>
        %dma_wait3A_107 = arith.constant 0 : i32
        %dma_wait3A_108 = tpu.memref_slice %arg5[%add3A_47, %add3A_96, %dma_wait3A_107] : memref<4x10240x128xf32, #tpu.memory_space<hbm>> -> memref<1x80x128xf32, #tpu.memory_space<hbm>>
        %dma_wait3A_109 = tpu.memref_squeeze %dma_wait3A_108 : memref<1x80x128xf32, #tpu.memory_space<hbm>> -> memref<80x128xf32, #tpu.memory_space<hbm>>
        tpu.wait_dma2 semaphore(%run_scoped3A : memref<!tpu.dma_semaphore, #tpu.memory_space<semaphore_mem>>) src(%arg9 : memref<80x128xf32, #tpu.memory_space<vmem>>) dst(%dma_wait3A_109 : memref<80x128xf32, #tpu.memory_space<hbm>>)
        tpu.yield
      }) : () -> ()
      %scan3A_97 = arith.constant 0 : i32
      scf.yield %scan3A_97 : i32
    }
    %scan3A_90 = arith.constant 8 : i32
    %barrier3A_91 = arith.constant 0 : index
    tpu.barrier barrier_id(%barrier3A_91)
    return
  }
}

#map = affine_map<(d0, d1) -> (0, 0)>
#map1 = affine_map<(d0, d1) -> (0)>
module attributes {stable_mosaic.version = 14 : i64} {
  func.func @body_fn(%arg0: i32, %arg1: i32, %arg2: memref<10000x1408xf32, #tpu.memory_space<hbm>>, %arg3: memref<160000xi32, #tpu.memory_space<hbm>>, %arg4: memref<160000x1408xf32, #tpu.memory_space<hbm>>, %arg5: memref<5000xi32, #tpu.memory_space<vmem>>, %arg6: memref<40x1408xf32, #tpu.memory_space<vmem>>, %arg7: memref<40x1408xf32, #tpu.memory_space<vmem>>, %arg8: memref<!tpu.dma_semaphore, #tpu.memory_space<semaphore_mem>>, %arg9: memref<!tpu.dma_semaphore, #tpu.memory_space<semaphore_mem>>) attributes {dimension_semantics = [#tpu.dimension_semantics<core_parallel>, #tpu.dimension_semantics<subcore_parallel>], iteration_bounds = array<i64: 2, 16>, scalar_prefetch = 0 : i64, scratch_operands = 5 : i64, tpu.core_type = #tpu.core_type<sc_vector_subcore>, window_params = [{transform_indices = #map}, {transform_indices = #map1}, {transform_indices = #map}]} {
    %mul3A = arith.constant 2 : i32
    %mul3A_0 = arith.muli %arg1, %mul3A : i32
    %add3A = arith.addi %mul3A_0, %arg0 : i32
    %mul3A_1 = arith.constant 5000 : i32
    %mul3A_2 = arith.muli %add3A, %mul3A_1 : i32
    "tpu.region"() ({
      %run_scoped3A = tpu.sem_alloc : memref<!tpu.dma_semaphore, #tpu.memory_space<semaphore_mem>>
      %dma_start3A_19 = tpu.memref_slice %arg3[%mul3A_2] : memref<160000xi32, #tpu.memory_space<hbm>> -> memref<5000xi32, #tpu.memory_space<hbm>>
      %dma_start3A_20 = tpu.memref_slice %arg3[%mul3A_2] : memref<160000xi32, #tpu.memory_space<hbm>> -> memref<5000xi32, #tpu.memory_space<hbm>>
      tpu.enqueue_dma source(%dma_start3A_20 : memref<5000xi32, #tpu.memory_space<hbm>>) target(%arg5 : memref<5000xi32, #tpu.memory_space<vmem>>) target_semaphore(%run_scoped3A : memref<!tpu.dma_semaphore, #tpu.memory_space<semaphore_mem>>)
      %dma_wait3A_21 = tpu.memref_slice %arg3[%mul3A_2] : memref<160000xi32, #tpu.memory_space<hbm>> -> memref<5000xi32, #tpu.memory_space<hbm>>
      %dma_wait3A_22 = tpu.memref_slice %arg3[%mul3A_2] : memref<160000xi32, #tpu.memory_space<hbm>> -> memref<5000xi32, #tpu.memory_space<hbm>>
      tpu.wait_dma2 semaphore(%run_scoped3A : memref<!tpu.dma_semaphore, #tpu.memory_space<semaphore_mem>>) src(%dma_wait3A_22 : memref<5000xi32, #tpu.memory_space<hbm>>) dst(%arg5 : memref<5000xi32, #tpu.memory_space<vmem>>)
      tpu.yield
    }) : () -> ()
    %dma_start3A = arith.constant 0 : i32
    %dma_start3A_3 = tpu.memref_slice %arg5[%dma_start3A] : memref<5000xi32, #tpu.memory_space<vmem>> -> memref<40xi32, #tpu.memory_space<vmem>>
    %dma_start3A_4 = arith.constant 0 : i32
    %dma_start3A_5 = arith.constant 0 : i32
    %dma_start3A_6 = tpu.memref_slice %arg2[%dma_start3A_4, %dma_start3A_5] : memref<10000x1408xf32, #tpu.memory_space<hbm>> -> memref<10000x1408xf32, #tpu.memory_space<hbm>>
    tpu.enqueue_indirect_dma source(%dma_start3A_6 : memref<10000x1408xf32, #tpu.memory_space<hbm>>) target(%arg6 : memref<40x1408xf32, #tpu.memory_space<vmem>>) offsets(%dma_start3A_3 : memref<40xi32, #tpu.memory_space<vmem>>) semaphore(%arg8 : memref<!tpu.dma_semaphore, #tpu.memory_space<semaphore_mem>>)
    %scan3A = arith.constant 0 : i32
    %scan3A_7 = arith.constant 0 : i32
    %scan3A_8 = arith.constant 62 : i32
    %scan3A_9 = arith.addi %scan3A_7, %scan3A_8 : i32
    %scan3A_10 = arith.constant 1 : i32
    %scan3A_11 = scf.for %scan3A_19 = %scan3A_7 to %scan3A_9 step %scan3A_10 iter_args(%scan3A_20 = %scan3A) -> (i32)  : i32 {
      %mul3A_21 = arith.constant 2 : i32
      %mul3A_22 = arith.muli %mul3A_21, %scan3A_19 : i32
      %add3A_23 = arith.constant 1 : i32
      %add3A_24 = arith.addi %mul3A_22, %add3A_23 : i32
      %mul3A_25 = arith.constant 40 : i32
      %mul3A_26 = arith.muli %add3A_24, %mul3A_25 : i32
      %dma_start3A_27 = tpu.memref_slice %arg5[%mul3A_26] : memref<5000xi32, #tpu.memory_space<vmem>> -> memref<40xi32, #tpu.memory_space<vmem>>
      %dma_start3A_28 = arith.constant 0 : i32
      %dma_start3A_29 = arith.constant 0 : i32
      %dma_start3A_30 = tpu.memref_slice %arg2[%dma_start3A_28, %dma_start3A_29] : memref<10000x1408xf32, #tpu.memory_space<hbm>> -> memref<10000x1408xf32, #tpu.memory_space<hbm>>
      tpu.enqueue_indirect_dma source(%dma_start3A_30 : memref<10000x1408xf32, #tpu.memory_space<hbm>>) target(%arg7 : memref<40x1408xf32, #tpu.memory_space<vmem>>) offsets(%dma_start3A_27 : memref<40xi32, #tpu.memory_space<vmem>>) semaphore(%arg9 : memref<!tpu.dma_semaphore, #tpu.memory_space<semaphore_mem>>)
      %mul3A_31 = arith.constant 40 : i32
      %mul3A_32 = arith.muli %mul3A_22, %mul3A_31 : i32
      %dma_wait3A_33 = tpu.memref_slice %arg5[%mul3A_32] : memref<5000xi32, #tpu.memory_space<vmem>> -> memref<40xi32, #tpu.memory_space<vmem>>
      %dma_wait3A_34 = arith.constant 0 : i32
      %dma_wait3A_35 = arith.constant 0 : i32
      %dma_wait3A_36 = tpu.memref_slice %arg2[%dma_wait3A_34, %dma_wait3A_35] : memref<10000x1408xf32, #tpu.memory_space<hbm>> -> memref<10000x1408xf32, #tpu.memory_space<hbm>>
      tpu.wait_indirect_dma semaphore(%arg8 : memref<!tpu.dma_semaphore, #tpu.memory_space<semaphore_mem>>) src(%dma_wait3A_36 : memref<10000x1408xf32, #tpu.memory_space<hbm>>) dst(%arg6 : memref<40x1408xf32, #tpu.memory_space<vmem>>)
      %mul3A_37 = arith.constant 40 : i32
      %mul3A_38 = arith.muli %mul3A_22, %mul3A_37 : i32
      %add3A_39 = arith.addi %mul3A_2, %mul3A_38 : i32
      "tpu.region"() ({
        %run_scoped3A = tpu.sem_alloc : memref<!tpu.dma_semaphore, #tpu.memory_space<semaphore_mem>>
        %dma_start3A_60 = arith.constant 0 : i32
        %dma_start3A_61 = tpu.memref_slice %arg4[%add3A_39, %dma_start3A_60] : memref<160000x1408xf32, #tpu.memory_space<hbm>> -> memref<40x1408xf32, #tpu.memory_space<hbm>>
        %dma_start3A_62 = arith.constant 0 : i32
        %dma_start3A_63 = tpu.memref_slice %arg4[%add3A_39, %dma_start3A_62] : memref<160000x1408xf32, #tpu.memory_space<hbm>> -> memref<40x1408xf32, #tpu.memory_space<hbm>>
        tpu.enqueue_dma source(%arg6 : memref<40x1408xf32, #tpu.memory_space<vmem>>) target(%dma_start3A_63 : memref<40x1408xf32, #tpu.memory_space<hbm>>) target_semaphore(%run_scoped3A : memref<!tpu.dma_semaphore, #tpu.memory_space<semaphore_mem>>)
        %dma_wait3A_64 = arith.constant 0 : i32
        %dma_wait3A_65 = tpu.memref_slice %arg4[%add3A_39, %dma_wait3A_64] : memref<160000x1408xf32, #tpu.memory_space<hbm>> -> memref<40x1408xf32, #tpu.memory_space<hbm>>
        %dma_wait3A_66 = arith.constant 0 : i32
        %dma_wait3A_67 = tpu.memref_slice %arg4[%add3A_39, %dma_wait3A_66] : memref<160000x1408xf32, #tpu.memory_space<hbm>> -> memref<40x1408xf32, #tpu.memory_space<hbm>>
        tpu.wait_dma2 semaphore(%run_scoped3A : memref<!tpu.dma_semaphore, #tpu.memory_space<semaphore_mem>>) src(%arg6 : memref<40x1408xf32, #tpu.memory_space<vmem>>) dst(%dma_wait3A_67 : memref<40x1408xf32, #tpu.memory_space<hbm>>)
        tpu.yield
      }) : () -> ()
      %add3A_40 = arith.constant 2 : i32
      %add3A_41 = arith.addi %mul3A_22, %add3A_40 : i32
      %mul3A_42 = arith.constant 40 : i32
      %mul3A_43 = arith.muli %add3A_41, %mul3A_42 : i32
      %dma_start3A_44 = tpu.memref_slice %arg5[%mul3A_43] : memref<5000xi32, #tpu.memory_space<vmem>> -> memref<40xi32, #tpu.memory_space<vmem>>
      %dma_start3A_45 = arith.constant 0 : i32
      %dma_start3A_46 = arith.constant 0 : i32
      %dma_start3A_47 = tpu.memref_slice %arg2[%dma_start3A_45, %dma_start3A_46] : memref<10000x1408xf32, #tpu.memory_space<hbm>> -> memref<10000x1408xf32, #tpu.memory_space<hbm>>
      tpu.enqueue_indirect_dma source(%dma_start3A_47 : memref<10000x1408xf32, #tpu.memory_space<hbm>>) target(%arg6 : memref<40x1408xf32, #tpu.memory_space<vmem>>) offsets(%dma_start3A_44 : memref<40xi32, #tpu.memory_space<vmem>>) semaphore(%arg8 : memref<!tpu.dma_semaphore, #tpu.memory_space<semaphore_mem>>)
      %add3A_48 = arith.constant 1 : i32
      %add3A_49 = arith.addi %mul3A_22, %add3A_48 : i32
      %mul3A_50 = arith.constant 40 : i32
      %mul3A_51 = arith.muli %add3A_49, %mul3A_50 : i32
      %dma_wait3A_52 = tpu.memref_slice %arg5[%mul3A_51] : memref<5000xi32, #tpu.memory_space<vmem>> -> memref<40xi32, #tpu.memory_space<vmem>>
      %dma_wait3A_53 = arith.constant 0 : i32
      %dma_wait3A_54 = arith.constant 0 : i32
      %dma_wait3A_55 = tpu.memref_slice %arg2[%dma_wait3A_53, %dma_wait3A_54] : memref<10000x1408xf32, #tpu.memory_space<hbm>> -> memref<10000x1408xf32, #tpu.memory_space<hbm>>
      tpu.wait_indirect_dma semaphore(%arg9 : memref<!tpu.dma_semaphore, #tpu.memory_space<semaphore_mem>>) src(%dma_wait3A_55 : memref<10000x1408xf32, #tpu.memory_space<hbm>>) dst(%arg7 : memref<40x1408xf32, #tpu.memory_space<vmem>>)
      %mul3A_56 = arith.constant 40 : i32
      %mul3A_57 = arith.muli %add3A_49, %mul3A_56 : i32
      %add3A_58 = arith.addi %mul3A_2, %mul3A_57 : i32
      "tpu.region"() ({
        %run_scoped3A = tpu.sem_alloc : memref<!tpu.dma_semaphore, #tpu.memory_space<semaphore_mem>>
        %dma_start3A_60 = arith.constant 0 : i32
        %dma_start3A_61 = tpu.memref_slice %arg4[%add3A_58, %dma_start3A_60] : memref<160000x1408xf32, #tpu.memory_space<hbm>> -> memref<40x1408xf32, #tpu.memory_space<hbm>>
        %dma_start3A_62 = arith.constant 0 : i32
        %dma_start3A_63 = tpu.memref_slice %arg4[%add3A_58, %dma_start3A_62] : memref<160000x1408xf32, #tpu.memory_space<hbm>> -> memref<40x1408xf32, #tpu.memory_space<hbm>>
        tpu.enqueue_dma source(%arg7 : memref<40x1408xf32, #tpu.memory_space<vmem>>) target(%dma_start3A_63 : memref<40x1408xf32, #tpu.memory_space<hbm>>) target_semaphore(%run_scoped3A : memref<!tpu.dma_semaphore, #tpu.memory_space<semaphore_mem>>)
        %dma_wait3A_64 = arith.constant 0 : i32
        %dma_wait3A_65 = tpu.memref_slice %arg4[%add3A_58, %dma_wait3A_64] : memref<160000x1408xf32, #tpu.memory_space<hbm>> -> memref<40x1408xf32, #tpu.memory_space<hbm>>
        %dma_wait3A_66 = arith.constant 0 : i32
        %dma_wait3A_67 = tpu.memref_slice %arg4[%add3A_58, %dma_wait3A_66] : memref<160000x1408xf32, #tpu.memory_space<hbm>> -> memref<40x1408xf32, #tpu.memory_space<hbm>>
        tpu.wait_dma2 semaphore(%run_scoped3A : memref<!tpu.dma_semaphore, #tpu.memory_space<semaphore_mem>>) src(%arg7 : memref<40x1408xf32, #tpu.memory_space<vmem>>) dst(%dma_wait3A_67 : memref<40x1408xf32, #tpu.memory_space<hbm>>)
        tpu.yield
      }) : () -> ()
      %scan3A_59 = arith.constant 0 : i32
      scf.yield %scan3A_59 : i32
    }
    %scan3A_12 = arith.constant 62 : i32
    %dma_wait3A = arith.constant 4960 : i32
    %dma_wait3A_13 = tpu.memref_slice %arg5[%dma_wait3A] : memref<5000xi32, #tpu.memory_space<vmem>> -> memref<40xi32, #tpu.memory_space<vmem>>
    %dma_wait3A_14 = arith.constant 0 : i32
    %dma_wait3A_15 = arith.constant 0 : i32
    %dma_wait3A_16 = tpu.memref_slice %arg2[%dma_wait3A_14, %dma_wait3A_15] : memref<10000x1408xf32, #tpu.memory_space<hbm>> -> memref<10000x1408xf32, #tpu.memory_space<hbm>>
    tpu.wait_indirect_dma semaphore(%arg8 : memref<!tpu.dma_semaphore, #tpu.memory_space<semaphore_mem>>) src(%dma_wait3A_16 : memref<10000x1408xf32, #tpu.memory_space<hbm>>) dst(%arg6 : memref<40x1408xf32, #tpu.memory_space<vmem>>)
    %add3A_17 = arith.constant 4960 : i32
    %add3A_18 = arith.addi %mul3A_2, %add3A_17 : i32
    "tpu.region"() ({
      %run_scoped3A = tpu.sem_alloc : memref<!tpu.dma_semaphore, #tpu.memory_space<semaphore_mem>>
      %dma_start3A_19 = arith.constant 0 : i32
      %dma_start3A_20 = tpu.memref_slice %arg4[%add3A_18, %dma_start3A_19] : memref<160000x1408xf32, #tpu.memory_space<hbm>> -> memref<40x1408xf32, #tpu.memory_space<hbm>>
      %dma_start3A_21 = arith.constant 0 : i32
      %dma_start3A_22 = tpu.memref_slice %arg4[%add3A_18, %dma_start3A_21] : memref<160000x1408xf32, #tpu.memory_space<hbm>> -> memref<40x1408xf32, #tpu.memory_space<hbm>>
      tpu.enqueue_dma source(%arg6 : memref<40x1408xf32, #tpu.memory_space<vmem>>) target(%dma_start3A_22 : memref<40x1408xf32, #tpu.memory_space<hbm>>) target_semaphore(%run_scoped3A : memref<!tpu.dma_semaphore, #tpu.memory_space<semaphore_mem>>)
      %dma_wait3A_23 = arith.constant 0 : i32
      %dma_wait3A_24 = tpu.memref_slice %arg4[%add3A_18, %dma_wait3A_23] : memref<160000x1408xf32, #tpu.memory_space<hbm>> -> memref<40x1408xf32, #tpu.memory_space<hbm>>
      %dma_wait3A_25 = arith.constant 0 : i32
      %dma_wait3A_26 = tpu.memref_slice %arg4[%add3A_18, %dma_wait3A_25] : memref<160000x1408xf32, #tpu.memory_space<hbm>> -> memref<40x1408xf32, #tpu.memory_space<hbm>>
      tpu.wait_dma2 semaphore(%run_scoped3A : memref<!tpu.dma_semaphore, #tpu.memory_space<semaphore_mem>>) src(%arg6 : memref<40x1408xf32, #tpu.memory_space<vmem>>) dst(%dma_wait3A_26 : memref<40x1408xf32, #tpu.memory_space<hbm>>)
      tpu.yield
    }) : () -> ()
    return
  }
}

module attributes {stable_mosaic.version = 14 : i64} {
  func.func @_k1_body(%arg0: i32, %arg1: memref<1000x128xf32, #tpu.memory_space<vmem>>, %arg2: memref<1000x384xf32, #tpu.memory_space<vmem>>, %arg3: memref<1x128xf32, #tpu.memory_space<vmem>>, %arg4: memref<1x128xf32, #tpu.memory_space<vmem>>, %arg5: memref<128x512xf32, #tpu.memory_space<vmem>>, %arg6: memref<128x512xf32, #tpu.memory_space<vmem>>, %arg7: memref<128x512xf32, #tpu.memory_space<vmem>>, %arg8: memref<1000x512xf32, #tpu.memory_space<vmem>>, %arg9: memref<1000x1408xf32, #tpu.memory_space<vmem>>) attributes {dimension_semantics = [#tpu.dimension_semantics<arbitrary>], iteration_bounds = array<i64: 10>, scalar_prefetch = 0 : i64, scratch_operands = 0 : i64, tpu.core_type = #tpu.core_type<tc>, window_params = [{transform_indices = @transform_0, window_bounds = array<i64: 1000, 128>}, {transform_indices = @transform_1, window_bounds = array<i64: 1000, 384>}, {pipeline_mode = #tpu.pipeline_mode<synchronous>, transform_indices = @transform_2, window_bounds = array<i64: 1, 128>}, {pipeline_mode = #tpu.pipeline_mode<synchronous>, transform_indices = @transform_3, window_bounds = array<i64: 1, 128>}, {pipeline_mode = #tpu.pipeline_mode<synchronous>, transform_indices = @transform_4, window_bounds = array<i64: 128, 512>}, {pipeline_mode = #tpu.pipeline_mode<synchronous>, transform_indices = @transform_5, window_bounds = array<i64: 128, 512>}, {pipeline_mode = #tpu.pipeline_mode<synchronous>, transform_indices = @transform_6, window_bounds = array<i64: 128, 512>}, {transform_indices = @transform_7, window_bounds = array<i64: 1000, 512>}, {transform_indices = @transform_8, window_bounds = array<i64: 1000, 1408>}]} {
    %get3A = arith.constant 0 : index
    %get3A_0 = arith.constant 0 : index
    %get3A_1 = vector.load %arg1[%get3A, %get3A_0] : memref<1000x128xf32, #tpu.memory_space<vmem>>, vector<1000x128xf32>
    %reduce_sum3A = arith.constant dense<0.000000e+00> : vector<1000xf32>
    %reduce_sum3A_2 = vector.multi_reduction <add>, %get3A_1, %reduce_sum3A [1] : vector<1000x128xf32> to vector<1000xf32>
    %broadcast_in_dim3A = vector.shape_cast %reduce_sum3A_2 : vector<1000xf32> to vector<1000x1xf32>
    %div3A = arith.constant 1.280000e+02 : f32
    %div3A_3 = vector.broadcast %div3A : f32 to vector<1000x1xf32>
    %div3A_4 = arith.divf %broadcast_in_dim3A, %div3A_3 : vector<1000x1xf32>
    %sub3A = vector.broadcast %div3A_4 : vector<1000x1xf32> to vector<1000x128xf32>
    %sub3A_5 = arith.subf %get3A_1, %sub3A : vector<1000x128xf32>
    %integer_pow3A = arith.mulf %sub3A_5, %sub3A_5 : vector<1000x128xf32>
    %reduce_sum3A_6 = arith.constant dense<0.000000e+00> : vector<1000xf32>
    %reduce_sum3A_7 = vector.multi_reduction <add>, %integer_pow3A, %reduce_sum3A_6 [1] : vector<1000x128xf32> to vector<1000xf32>
    %broadcast_in_dim3A_8 = vector.shape_cast %reduce_sum3A_7 : vector<1000xf32> to vector<1000x1xf32>
    %div3A_9 = arith.constant 1.280000e+02 : f32
    %div3A_10 = vector.broadcast %div3A_9 : f32 to vector<1000x1xf32>
    %div3A_11 = arith.divf %broadcast_in_dim3A_8, %div3A_10 : vector<1000x1xf32>
    %sub3A_12 = vector.broadcast %div3A_4 : vector<1000x1xf32> to vector<1000x128xf32>
    %sub3A_13 = arith.subf %get3A_1, %sub3A_12 : vector<1000x128xf32>
    %add3A = arith.constant 9.99999974E-6 : f32
    %add3A_14 = vector.broadcast %add3A : f32 to vector<1000x1xf32>
    %add3A_15 = arith.addf %div3A_11, %add3A_14 : vector<1000x1xf32>
    %rsqrt3A = math.rsqrt %add3A_15 : vector<1000x1xf32>
    %mul3A = vector.broadcast %rsqrt3A : vector<1000x1xf32> to vector<1000x128xf32>
    %mul3A_16 = arith.mulf %sub3A_13, %mul3A : vector<1000x128xf32>
    %get3A_17 = arith.constant 0 : index
    %get3A_18 = arith.constant 0 : index
    %get3A_19 = vector.load %arg3[%get3A_17, %get3A_18] : memref<1x128xf32, #tpu.memory_space<vmem>>, vector<1x128xf32>
    %mul3A_20 = vector.broadcast %get3A_19 : vector<1x128xf32> to vector<1000x128xf32>
    %mul3A_21 = arith.mulf %mul3A_16, %mul3A_20 : vector<1000x128xf32>
    %get3A_22 = arith.constant 0 : index
    %get3A_23 = arith.constant 0 : index
    %get3A_24 = vector.load %arg4[%get3A_22, %get3A_23] : memref<1x128xf32, #tpu.memory_space<vmem>>, vector<1x128xf32>
    %add3A_25 = vector.broadcast %get3A_24 : vector<1x128xf32> to vector<1000x128xf32>
    %add3A_26 = arith.addf %mul3A_21, %add3A_25 : vector<1000x128xf32>
    %get3A_27 = arith.constant 0 : index
    %get3A_28 = arith.constant 0 : index
    %get3A_29 = vector.load %arg5[%get3A_27, %get3A_28] : memref<128x512xf32, #tpu.memory_space<vmem>>, vector<128x512xf32>
    %dot_general3A = arith.constant dense<0.000000e+00> : vector<1000x512xf32>
    %dot_general3A_30 = tpu.matmul %add3A_26, %get3A_29, %dot_general3A {dimension_numbers = #tpu.dot_dimension_numbers<[1], [0], [0], [1], [0, 0, 1, 1], [], []>, transpose_lhs_hint = false} : vector<1000x128xf32>, vector<128x512xf32>, vector<1000x512xf32> -> vector<1000x512xf32>
    %swap3A = arith.constant 0 : index
    %swap3A_31 = arith.constant 0 : index
    %swap3A_32 = vector.load %arg8[%swap3A, %swap3A_31] : memref<1000x512xf32, #tpu.memory_space<vmem>>, vector<1000x512xf32>
    tpu.vector_store %arg8[%swap3A, %swap3A_31], %dot_general3A_30 {strides = array<i32>} : memref<1000x512xf32, #tpu.memory_space<vmem>>, vector<1000x512xf32>,
    %get3A_33 = arith.constant 0 : index
    %get3A_34 = arith.constant 0 : index
    %get3A_35 = vector.load %arg6[%get3A_33, %get3A_34] : memref<128x512xf32, #tpu.memory_space<vmem>>, vector<128x512xf32>
    %dot_general3A_36 = arith.constant dense<0.000000e+00> : vector<1000x512xf32>
    %dot_general3A_37 = tpu.matmul %add3A_26, %get3A_35, %dot_general3A_36 {dimension_numbers = #tpu.dot_dimension_numbers<[1], [0], [0], [1], [0, 0, 1, 1], [], []>, transpose_lhs_hint = false} : vector<1000x128xf32>, vector<128x512xf32>, vector<1000x512xf32> -> vector<1000x512xf32>
    %swap3A_38 = arith.constant 0 : index
    %swap3A_39 = arith.constant 0 : index
    %swap3A_40 = vector.load %arg9[%swap3A_38, %swap3A_39] : memref<1000x1408xf32, #tpu.memory_space<vmem>>, vector<1000x512xf32>
    tpu.vector_store %arg9[%swap3A_38, %swap3A_39], %dot_general3A_37 {strides = array<i32>} : memref<1000x1408xf32, #tpu.memory_space<vmem>>, vector<1000x512xf32>,
    %get3A_41 = arith.constant 0 : index
    %get3A_42 = arith.constant 0 : index
    %get3A_43 = vector.load %arg7[%get3A_41, %get3A_42] : memref<128x512xf32, #tpu.memory_space<vmem>>, vector<128x512xf32>
    %dot_general3A_44 = arith.constant dense<0.000000e+00> : vector<1000x512xf32>
    %dot_general3A_45 = tpu.matmul %add3A_26, %get3A_43, %dot_general3A_44 {dimension_numbers = #tpu.dot_dimension_numbers<[1], [0], [0], [1], [0, 0, 1, 1], [], []>, transpose_lhs_hint = false} : vector<1000x128xf32>, vector<128x512xf32>, vector<1000x512xf32> -> vector<1000x512xf32>
    %swap3A_46 = arith.constant 0 : index
    %swap3A_47 = arith.constant 512 : index
    %swap3A_48 = vector.load %arg9[%swap3A_46, %swap3A_47] : memref<1000x1408xf32, #tpu.memory_space<vmem>>, vector<1000x512xf32>
    tpu.vector_store %arg9[%swap3A_46, %swap3A_47], %dot_general3A_45 {strides = array<i32>} : memref<1000x1408xf32, #tpu.memory_space<vmem>>, vector<1000x512xf32>,
    %get3A_49 = arith.constant 0 : index
    %get3A_50 = arith.constant 0 : index
    %get3A_51 = vector.load %arg2[%get3A_49, %get3A_50] : memref<1000x384xf32, #tpu.memory_space<vmem>>, vector<1000x384xf32>
    %swap3A_52 = arith.constant 0 : index
    %swap3A_53 = arith.constant 1024 : index
    %swap3A_54 = vector.load %arg9[%swap3A_52, %swap3A_53] : memref<1000x1408xf32, #tpu.memory_space<vmem>>, vector<1000x384xf32>
    tpu.vector_store %arg9[%swap3A_52, %swap3A_53], %get3A_51 {strides = array<i32>} : memref<1000x1408xf32, #tpu.memory_space<vmem>>, vector<1000x384xf32>,
    return
  }
  func.func @transform_0(%arg0: i32) -> (i32, i32) {
    %c0_i32 = arith.constant 0 : i32
    %c0_i32_0 = arith.constant 0 : i32
    return %arg0, %c0_i32 : i32, i32
  }
  func.func @transform_1(%arg0: i32) -> (i32, i32) {
    %c0_i32 = arith.constant 0 : i32
    %c0_i32_0 = arith.constant 0 : i32
    return %arg0, %c0_i32 : i32, i32
  }
  func.func @transform_2(%arg0: i32) -> (i32, i32) {
    %c0_i32 = arith.constant 0 : i32
    %c0_i32_0 = arith.constant 0 : i32
    %c0_i32_1 = arith.constant 0 : i32
    return %c0_i32, %c0_i32_0 : i32, i32
  }
  func.func @transform_3(%arg0: i32) -> (i32, i32) {
    %c0_i32 = arith.constant 0 : i32
    %c0_i32_0 = arith.constant 0 : i32
    %c0_i32_1 = arith.constant 0 : i32
    return %c0_i32, %c0_i32_0 : i32, i32
  }
  func.func @transform_4(%arg0: i32) -> (i32, i32) {
    %c0_i32 = arith.constant 0 : i32
    %c0_i32_0 = arith.constant 0 : i32
    %c0_i32_1 = arith.constant 0 : i32
    return %c0_i32, %c0_i32_0 : i32, i32
  }
  func.func @transform_5(%arg0: i32) -> (i32, i32) {
    %c0_i32 = arith.constant 0 : i32
    %c0_i32_0 = arith.constant 0 : i32
    %c0_i32_1 = arith.constant 0 : i32
    return %c0_i32, %c0_i32_0 : i32, i32
  }
  func.func @transform_6(%arg0: i32) -> (i32, i32) {
    %c0_i32 = arith.constant 0 : i32
    %c0_i32_0 = arith.constant 0 : i32
    %c0_i32_1 = arith.constant 0 : i32
    return %c0_i32, %c0_i32_0 : i32, i32
  }
  func.func @transform_7(%arg0: i32) -> (i32, i32) {
    %c0_i32 = arith.constant 0 : i32
    %c0_i32_0 = arith.constant 0 : i32
    return %arg0, %c0_i32 : i32, i32
  }
  func.func @transform_8(%arg0: i32) -> (i32, i32) {
    %c0_i32 = arith.constant 0 : i32
    %c0_i32_0 = arith.constant 0 : i32
    return %arg0, %c0_i32 : i32, i32
  }
}

module attributes {stable_mosaic.version = 14 : i64} {
  func.func @_k3_body(%arg0: i32, %arg1: memref<640x3xf32, #tpu.memory_space<vmem>>, %arg2: memref<640x512xf32, #tpu.memory_space<vmem>>, %arg3: memref<640x1408xf32, #tpu.memory_space<vmem>>, %arg4: memref<20x512xf32, #tpu.memory_space<vmem>>, %arg5: memref<1x512xf32, #tpu.memory_space<vmem>>, %arg6: memref<20x512xf32, #tpu.memory_space<vmem>>, %arg7: memref<1x512xf32, #tpu.memory_space<vmem>>, %arg8: memref<512x384xf32, #tpu.memory_space<vmem>>, %arg9: memref<1x384xf32, #tpu.memory_space<vmem>>, %arg10: memref<4x640x128xf32, #tpu.memory_space<vmem>>) attributes {dimension_semantics = [#tpu.dimension_semantics<arbitrary>], iteration_bounds = array<i64: 250>, scalar_prefetch = 0 : i64, scratch_operands = 0 : i64, tpu.core_type = #tpu.core_type<tc>, window_params = [{transform_indices = @transform_0, window_bounds = array<i64: 640, 3>}, {transform_indices = @transform_1, window_bounds = array<i64: 640, 512>}, {transform_indices = @transform_2, window_bounds = array<i64: 640, 1408>}, {pipeline_mode = #tpu.pipeline_mode<synchronous>, transform_indices = @transform_3, window_bounds = array<i64: 20, 512>}, {pipeline_mode = #tpu.pipeline_mode<synchronous>, transform_indices = @transform_4, window_bounds = array<i64: 1, 512>}, {pipeline_mode = #tpu.pipeline_mode<synchronous>, transform_indices = @transform_5, window_bounds = array<i64: 20, 512>}, {pipeline_mode = #tpu.pipeline_mode<synchronous>, transform_indices = @transform_6, window_bounds = array<i64: 1, 512>}, {pipeline_mode = #tpu.pipeline_mode<synchronous>, transform_indices = @transform_7, window_bounds = array<i64: 512, 384>}, {pipeline_mode = #tpu.pipeline_mode<synchronous>, transform_indices = @transform_8, window_bounds = array<i64: 1, 384>}, {transform_indices = @transform_9, window_bounds = array<i64: 4, 640, 128>}]} {
    %get3A = arith.constant 0 : index
    %get3A_0 = arith.constant 0 : index
    %get3A_1 = vector.load %arg1[%get3A, %get3A_0] : memref<640x3xf32, #tpu.memory_space<vmem>>, vector<640x3xf32>
    %mul3A = arith.mulf %get3A_1, %get3A_1 : vector<640x3xf32>
    %add3A = arith.constant 1.000000e-15 : f32
    %add3A_2 = vector.broadcast %add3A : f32 to vector<640x3xf32>
    %add3A_3 = arith.addf %mul3A, %add3A_2 : vector<640x3xf32>
    %reduce_sum3A = arith.constant dense<0.000000e+00> : vector<640xf32>
    %reduce_sum3A_4 = vector.multi_reduction <add>, %add3A_3, %reduce_sum3A [1] : vector<640x3xf32> to vector<640xf32>
    %broadcast_in_dim3A = vector.shape_cast %reduce_sum3A_4 : vector<640xf32> to vector<640x1xf32>
    %sqrt3A = math.sqrt %broadcast_in_dim3A : vector<640x1xf32>
    %div3A = vector.broadcast %sqrt3A : vector<640x1xf32> to vector<640x3xf32>
    %div3A_5 = arith.divf %get3A_1, %div3A : vector<640x3xf32>
    %iota3A = tpu.iota {dimensions = array<i32: 1>} : vector<1x20xi32>
    %convert_element_type3A = arith.sitofp %iota3A : vector<1x20xi32> to vector<1x20xf32>
    %mul3A_6 = arith.constant 0.263157904 : f32
    %mul3A_7 = vector.broadcast %mul3A_6 : f32 to vector<1x20xf32>
    %mul3A_8 = arith.mulf %convert_element_type3A, %mul3A_7 : vector<1x20xf32>
    %sub3A = vector.broadcast %sqrt3A : vector<640x1xf32> to vector<640x20xf32>
    %sub3A_9 = vector.broadcast %mul3A_8 : vector<1x20xf32> to vector<640x20xf32>
    %sub3A_10 = arith.subf %sub3A, %sub3A_9 : vector<640x20xf32>
    %integer_pow3A = arith.mulf %sub3A_10, %sub3A_10 : vector<640x20xf32>
    %neg3A = arith.constant 0.000000e+00 : f32
    %neg3A_11 = vector.broadcast %neg3A : f32 to vector<640x20xf32>
    %neg3A_12 = arith.subf %neg3A_11, %integer_pow3A : vector<640x20xf32>
    %div3A_13 = arith.constant 0.138504162 : f32
    %div3A_14 = vector.broadcast %div3A_13 : f32 to vector<640x20xf32>
    %div3A_15 = arith.divf %neg3A_12, %div3A_14 : vector<640x20xf32>
    %exp3A = math.exp %div3A_15 : vector<640x20xf32>
    %get3A_16 = arith.constant 0 : index
    %get3A_17 = arith.constant 0 : index
    %get3A_18 = vector.load %arg4[%get3A_16, %get3A_17] : memref<20x512xf32, #tpu.memory_space<vmem>>, vector<20x512xf32>
    %dot_general3A = arith.constant dense<0.000000e+00> : vector<640x512xf32>
    %dot_general3A_19 = tpu.matmul %exp3A, %get3A_18, %dot_general3A {dimension_numbers = #tpu.dot_dimension_numbers<[1], [0], [0], [1], [0, 0, 1, 1], [], []>, transpose_lhs_hint = false} : vector<640x20xf32>, vector<20x512xf32>, vector<640x512xf32> -> vector<640x512xf32>
    %get3A_20 = arith.constant 0 : index
    %get3A_21 = arith.constant 0 : index
    %get3A_22 = vector.load %arg5[%get3A_20, %get3A_21] : memref<1x512xf32, #tpu.memory_space<vmem>>, vector<1x512xf32>
    %add3A_23 = vector.broadcast %get3A_22 : vector<1x512xf32> to vector<640x512xf32>
    %add3A_24 = arith.addf %dot_general3A_19, %add3A_23 : vector<640x512xf32>
    %neg3A_25 = arith.constant 0.000000e+00 : f32
    %neg3A_26 = vector.broadcast %neg3A_25 : f32 to vector<640x512xf32>
    %neg3A_27 = arith.subf %neg3A_26, %add3A_24 : vector<640x512xf32>
    %exp3A_28 = math.exp %neg3A_27 : vector<640x512xf32>
    %add3A_29 = arith.constant 1.000000e+00 : f32
    %add3A_30 = vector.broadcast %add3A_29 : f32 to vector<640x512xf32>
    %add3A_31 = arith.addf %add3A_30, %exp3A_28 : vector<640x512xf32>
    %div3A_32 = arith.divf %add3A_24, %add3A_31 : vector<640x512xf32>
    %get3A_33 = arith.constant 0 : index
    %get3A_34 = arith.constant 0 : index
    %get3A_35 = vector.load %arg6[%get3A_33, %get3A_34] : memref<20x512xf32, #tpu.memory_space<vmem>>, vector<20x512xf32>
    %dot_general3A_36 = arith.constant dense<0.000000e+00> : vector<640x512xf32>
    %dot_general3A_37 = tpu.matmul %exp3A, %get3A_35, %dot_general3A_36 {dimension_numbers = #tpu.dot_dimension_numbers<[1], [0], [0], [1], [0, 0, 1, 1], [], []>, transpose_lhs_hint = false} : vector<640x20xf32>, vector<20x512xf32>, vector<640x512xf32> -> vector<640x512xf32>
    %get3A_38 = arith.constant 0 : index
    %get3A_39 = arith.constant 0 : index
    %get3A_40 = vector.load %arg7[%get3A_38, %get3A_39] : memref<1x512xf32, #tpu.memory_space<vmem>>, vector<1x512xf32>
    %add3A_41 = vector.broadcast %get3A_40 : vector<1x512xf32> to vector<640x512xf32>
    %add3A_42 = arith.addf %dot_general3A_37, %add3A_41 : vector<640x512xf32>
    %neg3A_43 = arith.constant 0.000000e+00 : f32
    %neg3A_44 = vector.broadcast %neg3A_43 : f32 to vector<640x512xf32>
    %neg3A_45 = arith.subf %neg3A_44, %add3A_42 : vector<640x512xf32>
    %exp3A_46 = math.exp %neg3A_45 : vector<640x512xf32>
    %add3A_47 = arith.constant 1.000000e+00 : f32
    %add3A_48 = vector.broadcast %add3A_47 : f32 to vector<640x512xf32>
    %add3A_49 = arith.addf %add3A_48, %exp3A_46 : vector<640x512xf32>
    %div3A_50 = arith.divf %add3A_42, %add3A_49 : vector<640x512xf32>
    %get3A_51 = arith.constant 0 : index
    %get3A_52 = arith.constant 0 : index
    %get3A_53 = vector.load %arg2[%get3A_51, %get3A_52] : memref<640x512xf32, #tpu.memory_space<vmem>>, vector<640x512xf32>
    %get3A_54 = arith.constant 0 : index
    %get3A_55 = arith.constant 0 : index
    %get3A_56 = vector.load %arg3[%get3A_54, %get3A_55] : memref<640x1408xf32, #tpu.memory_space<vmem>>, vector<640x512xf32>
    %get3A_57 = arith.constant 0 : index
    %get3A_58 = arith.constant 512 : index
    %get3A_59 = vector.load %arg3[%get3A_57, %get3A_58] : memref<640x1408xf32, #tpu.memory_space<vmem>>, vector<640x512xf32>
    %mul3A_60 = arith.mulf %get3A_53, %get3A_56 : vector<640x512xf32>
    %mul3A_61 = arith.mulf %mul3A_60, %div3A_32 : vector<640x512xf32>
    %slice3A = vector.extract_strided_slice %mul3A_61 {offsets = [0, 0], sizes = [640, 128], strides = [1, 1]} : vector<640x512xf32> to vector<640x128xf32>
    %reduce_sum3A_62 = arith.constant dense<0.000000e+00> : vector<640xf32>
    %reduce_sum3A_63 = vector.multi_reduction <add>, %slice3A, %reduce_sum3A_62 [1] : vector<640x128xf32> to vector<640xf32>
    %broadcast_in_dim3A_64 = vector.shape_cast %reduce_sum3A_63 : vector<640xf32> to vector<640x1xf32>
    %neg3A_65 = arith.constant 0.000000e+00 : f32
    %neg3A_66 = vector.broadcast %neg3A_65 : f32 to vector<640x1xf32>
    %neg3A_67 = arith.subf %neg3A_66, %broadcast_in_dim3A_64 : vector<640x1xf32>
    %exp3A_68 = math.exp %neg3A_67 : vector<640x1xf32>
    %add3A_69 = arith.constant 1.000000e+00 : f32
    %add3A_70 = vector.broadcast %add3A_69 : f32 to vector<640x1xf32>
    %add3A_71 = arith.addf %add3A_70, %exp3A_68 : vector<640x1xf32>
    %div3A_72 = arith.divf %broadcast_in_dim3A_64, %add3A_71 : vector<640x1xf32>
    %slice3A_73 = vector.extract_strided_slice %get3A_59 {offsets = [0, 0], sizes = [640, 128], strides = [1, 1]} : vector<640x512xf32> to vector<640x128xf32>
    %slice3A_74 = vector.extract_strided_slice %div3A_50 {offsets = [0, 0], sizes = [640, 128], strides = [1, 1]} : vector<640x512xf32> to vector<640x128xf32>
    %mul3A_75 = arith.mulf %slice3A_73, %slice3A_74 : vector<640x128xf32>
    %mul3A_76 = vector.broadcast %div3A_72 : vector<640x1xf32> to vector<640x128xf32>
    %mul3A_77 = arith.mulf %mul3A_75, %mul3A_76 : vector<640x128xf32>
    %slice3A_78 = vector.extract_strided_slice %mul3A_61 {offsets = [0, 128], sizes = [640, 128], strides = [1, 1]} : vector<640x512xf32> to vector<640x128xf32>
    %reduce_sum3A_79 = arith.constant dense<0.000000e+00> : vector<640xf32>
    %reduce_sum3A_80 = vector.multi_reduction <add>, %slice3A_78, %reduce_sum3A_79 [1] : vector<640x128xf32> to vector<640xf32>
    %broadcast_in_dim3A_81 = vector.shape_cast %reduce_sum3A_80 : vector<640xf32> to vector<640x1xf32>
    %neg3A_82 = arith.constant 0.000000e+00 : f32
    %neg3A_83 = vector.broadcast %neg3A_82 : f32 to vector<640x1xf32>
    %neg3A_84 = arith.subf %neg3A_83, %broadcast_in_dim3A_81 : vector<640x1xf32>
    %exp3A_85 = math.exp %neg3A_84 : vector<640x1xf32>
    %add3A_86 = arith.constant 1.000000e+00 : f32
    %add3A_87 = vector.broadcast %add3A_86 : f32 to vector<640x1xf32>
    %add3A_88 = arith.addf %add3A_87, %exp3A_85 : vector<640x1xf32>
    %div3A_89 = arith.divf %broadcast_in_dim3A_81, %add3A_88 : vector<640x1xf32>
    %slice3A_90 = vector.extract_strided_slice %get3A_59 {offsets = [0, 128], sizes = [640, 128], strides = [1, 1]} : vector<640x512xf32> to vector<640x128xf32>
    %slice3A_91 = vector.extract_strided_slice %div3A_50 {offsets = [0, 128], sizes = [640, 128], strides = [1, 1]} : vector<640x512xf32> to vector<640x128xf32>
    %mul3A_92 = arith.mulf %slice3A_90, %slice3A_91 : vector<640x128xf32>
    %mul3A_93 = vector.broadcast %div3A_89 : vector<640x1xf32> to vector<640x128xf32>
    %mul3A_94 = arith.mulf %mul3A_92, %mul3A_93 : vector<640x128xf32>
    %slice3A_95 = vector.extract_strided_slice %mul3A_61 {offsets = [0, 256], sizes = [640, 128], strides = [1, 1]} : vector<640x512xf32> to vector<640x128xf32>
    %reduce_sum3A_96 = arith.constant dense<0.000000e+00> : vector<640xf32>
    %reduce_sum3A_97 = vector.multi_reduction <add>, %slice3A_95, %reduce_sum3A_96 [1] : vector<640x128xf32> to vector<640xf32>
    %broadcast_in_dim3A_98 = vector.shape_cast %reduce_sum3A_97 : vector<640xf32> to vector<640x1xf32>
    %neg3A_99 = arith.constant 0.000000e+00 : f32
    %neg3A_100 = vector.broadcast %neg3A_99 : f32 to vector<640x1xf32>
    %neg3A_101 = arith.subf %neg3A_100, %broadcast_in_dim3A_98 : vector<640x1xf32>
    %exp3A_102 = math.exp %neg3A_101 : vector<640x1xf32>
    %add3A_103 = arith.constant 1.000000e+00 : f32
    %add3A_104 = vector.broadcast %add3A_103 : f32 to vector<640x1xf32>
    %add3A_105 = arith.addf %add3A_104, %exp3A_102 : vector<640x1xf32>
    %div3A_106 = arith.divf %broadcast_in_dim3A_98, %add3A_105 : vector<640x1xf32>
    %slice3A_107 = vector.extract_strided_slice %get3A_59 {offsets = [0, 256], sizes = [640, 128], strides = [1, 1]} : vector<640x512xf32> to vector<640x128xf32>
    %slice3A_108 = vector.extract_strided_slice %div3A_50 {offsets = [0, 256], sizes = [640, 128], strides = [1, 1]} : vector<640x512xf32> to vector<640x128xf32>
    %mul3A_109 = arith.mulf %slice3A_107, %slice3A_108 : vector<640x128xf32>
    %mul3A_110 = vector.broadcast %div3A_106 : vector<640x1xf32> to vector<640x128xf32>
    %mul3A_111 = arith.mulf %mul3A_109, %mul3A_110 : vector<640x128xf32>
    %slice3A_112 = vector.extract_strided_slice %mul3A_61 {offsets = [0, 384], sizes = [640, 128], strides = [1, 1]} : vector<640x512xf32> to vector<640x128xf32>
    %reduce_sum3A_113 = arith.constant dense<0.000000e+00> : vector<640xf32>
    %reduce_sum3A_114 = vector.multi_reduction <add>, %slice3A_112, %reduce_sum3A_113 [1] : vector<640x128xf32> to vector<640xf32>
    %broadcast_in_dim3A_115 = vector.shape_cast %reduce_sum3A_114 : vector<640xf32> to vector<640x1xf32>
    %neg3A_116 = arith.constant 0.000000e+00 : f32
    %neg3A_117 = vector.broadcast %neg3A_116 : f32 to vector<640x1xf32>
    %neg3A_118 = arith.subf %neg3A_117, %broadcast_in_dim3A_115 : vector<640x1xf32>
    %exp3A_119 = math.exp %neg3A_118 : vector<640x1xf32>
    %add3A_120 = arith.constant 1.000000e+00 : f32
    %add3A_121 = vector.broadcast %add3A_120 : f32 to vector<640x1xf32>
    %add3A_122 = arith.addf %add3A_121, %exp3A_119 : vector<640x1xf32>
    %div3A_123 = arith.divf %broadcast_in_dim3A_115, %add3A_122 : vector<640x1xf32>
    %slice3A_124 = vector.extract_strided_slice %get3A_59 {offsets = [0, 384], sizes = [640, 128], strides = [1, 1]} : vector<640x512xf32> to vector<640x128xf32>
    %slice3A_125 = vector.extract_strided_slice %div3A_50 {offsets = [0, 384], sizes = [640, 128], strides = [1, 1]} : vector<640x512xf32> to vector<640x128xf32>
    %mul3A_126 = arith.mulf %slice3A_124, %slice3A_125 : vector<640x128xf32>
    %mul3A_127 = vector.broadcast %div3A_123 : vector<640x1xf32> to vector<640x128xf32>
    %mul3A_128 = arith.mulf %mul3A_126, %mul3A_127 : vector<640x128xf32>
    %concatenate3A = tpu.concatenate %mul3A_77, %mul3A_94, %mul3A_111, %mul3A_128 in 1 : vector<640x128xf32>, vector<640x128xf32>, vector<640x128xf32>, vector<640x128xf32> -> vector<640x512xf32>
    %get3A_129 = arith.constant 0 : index
    %get3A_130 = arith.constant 0 : index
    %get3A_131 = vector.load %arg8[%get3A_129, %get3A_130] : memref<512x384xf32, #tpu.memory_space<vmem>>, vector<512x384xf32>
    %dot_general3A_132 = arith.constant dense<0.000000e+00> : vector<640x384xf32>
    %dot_general3A_133 = tpu.matmul %concatenate3A, %get3A_131, %dot_general3A_132 {dimension_numbers = #tpu.dot_dimension_numbers<[1], [0], [0], [1], [0, 0, 1, 1], [], []>, transpose_lhs_hint = false} : vector<640x512xf32>, vector<512x384xf32>, vector<640x384xf32> -> vector<640x384xf32>
    %get3A_134 = arith.constant 0 : index
    %get3A_135 = arith.constant 0 : index
    %get3A_136 = vector.load %arg9[%get3A_134, %get3A_135] : memref<1x384xf32, #tpu.memory_space<vmem>>, vector<1x384xf32>
    %add3A_137 = vector.broadcast %get3A_136 : vector<1x384xf32> to vector<640x384xf32>
    %add3A_138 = arith.addf %dot_general3A_133, %add3A_137 : vector<640x384xf32>
    %slice3A_139 = vector.extract_strided_slice %add3A_138 {offsets = [0, 0], sizes = [640, 128], strides = [1, 1]} : vector<640x384xf32> to vector<640x128xf32>
    %slice3A_140 = vector.extract_strided_slice %add3A_138 {offsets = [0, 128], sizes = [640, 128], strides = [1, 1]} : vector<640x384xf32> to vector<640x128xf32>
    %slice3A_141 = vector.extract_strided_slice %add3A_138 {offsets = [0, 256], sizes = [640, 128], strides = [1, 1]} : vector<640x384xf32> to vector<640x128xf32>
    %swap3A = arith.constant 0 : index
    %swap3A_142 = arith.constant 0 : index
    %swap3A_143 = arith.constant 0 : index
    %swap3A_144 = vector.load %arg10[%swap3A, %swap3A_142, %swap3A_143] : memref<4x640x128xf32, #tpu.memory_space<vmem>>, vector<1x640x128xf32>
    %swap3A_145 = vector.shape_cast %swap3A_144 : vector<1x640x128xf32> to vector<640x128xf32>
    %swap3A_146 = vector.shape_cast %slice3A_140 : vector<640x128xf32> to vector<1x640x128xf32>
    tpu.vector_store %arg10[%swap3A, %swap3A_142, %swap3A_143], %swap3A_146 {strides = array<i32>} : memref<4x640x128xf32, #tpu.memory_space<vmem>>, vector<1x640x128xf32>,
    %get3A_147 = arith.constant 0 : index
    %get3A_148 = arith.constant 1024 : index
    %get3A_149 = vector.load %arg3[%get3A_147, %get3A_148] : memref<640x1408xf32, #tpu.memory_space<vmem>>, vector<640x128xf32>
    %mul3A_150 = arith.mulf %slice3A_139, %get3A_149 : vector<640x128xf32>
    %slice3A_151 = vector.extract_strided_slice %div3A_5 {offsets = [0, 0], sizes = [640, 1], strides = [1, 1]} : vector<640x3xf32> to vector<640x1xf32>
    %mul3A_152 = vector.broadcast %slice3A_151 : vector<640x1xf32> to vector<640x128xf32>
    %mul3A_153 = arith.mulf %slice3A_141, %mul3A_152 : vector<640x128xf32>
    %add3A_154 = arith.addf %mul3A_150, %mul3A_153 : vector<640x128xf32>
    %swap3A_155 = arith.constant 1 : index
    %swap3A_156 = arith.constant 0 : index
    %swap3A_157 = arith.constant 0 : index
    %swap3A_158 = vector.load %arg10[%swap3A_155, %swap3A_156, %swap3A_157] : memref<4x640x128xf32, #tpu.memory_space<vmem>>, vector<1x640x128xf32>
    %swap3A_159 = vector.shape_cast %swap3A_158 : vector<1x640x128xf32> to vector<640x128xf32>
    %swap3A_160 = vector.shape_cast %add3A_154 : vector<640x128xf32> to vector<1x640x128xf32>
    tpu.vector_store %arg10[%swap3A_155, %swap3A_156, %swap3A_157], %swap3A_160 {strides = array<i32>} : memref<4x640x128xf32, #tpu.memory_space<vmem>>, vector<1x640x128xf32>,
    %get3A_161 = arith.constant 0 : index
    %get3A_162 = arith.constant 1152 : index
    %get3A_163 = vector.load %arg3[%get3A_161, %get3A_162] : memref<640x1408xf32, #tpu.memory_space<vmem>>, vector<640x128xf32>
    %mul3A_164 = arith.mulf %slice3A_139, %get3A_163 : vector<640x128xf32>
    %slice3A_165 = vector.extract_strided_slice %div3A_5 {offsets = [0, 1], sizes = [640, 1], strides = [1, 1]} : vector<640x3xf32> to vector<640x1xf32>
    %mul3A_166 = vector.broadcast %slice3A_165 : vector<640x1xf32> to vector<640x128xf32>
    %mul3A_167 = arith.mulf %slice3A_141, %mul3A_166 : vector<640x128xf32>
    %add3A_168 = arith.addf %mul3A_164, %mul3A_167 : vector<640x128xf32>
    %swap3A_169 = arith.constant 2 : index
    %swap3A_170 = arith.constant 0 : index
    %swap3A_171 = arith.constant 0 : index
    %swap3A_172 = vector.load %arg10[%swap3A_169, %swap3A_170, %swap3A_171] : memref<4x640x128xf32, #tpu.memory_space<vmem>>, vector<1x640x128xf32>
    %swap3A_173 = vector.shape_cast %swap3A_172 : vector<1x640x128xf32> to vector<640x128xf32>
    %swap3A_174 = vector.shape_cast %add3A_168 : vector<640x128xf32> to vector<1x640x128xf32>
    tpu.vector_store %arg10[%swap3A_169, %swap3A_170, %swap3A_171], %swap3A_174 {strides = array<i32>} : memref<4x640x128xf32, #tpu.memory_space<vmem>>, vector<1x640x128xf32>,
    %get3A_175 = arith.constant 0 : index
    %get3A_176 = arith.constant 1280 : index
    %get3A_177 = vector.load %arg3[%get3A_175, %get3A_176] : memref<640x1408xf32, #tpu.memory_space<vmem>>, vector<640x128xf32>
    %mul3A_178 = arith.mulf %slice3A_139, %get3A_177 : vector<640x128xf32>
    %slice3A_179 = vector.extract_strided_slice %div3A_5 {offsets = [0, 2], sizes = [640, 1], strides = [1, 1]} : vector<640x3xf32> to vector<640x1xf32>
    %mul3A_180 = vector.broadcast %slice3A_179 : vector<640x1xf32> to vector<640x128xf32>
    %mul3A_181 = arith.mulf %slice3A_141, %mul3A_180 : vector<640x128xf32>
    %add3A_182 = arith.addf %mul3A_178, %mul3A_181 : vector<640x128xf32>
    %swap3A_183 = arith.constant 3 : index
    %swap3A_184 = arith.constant 0 : index
    %swap3A_185 = arith.constant 0 : index
    %swap3A_186 = vector.load %arg10[%swap3A_183, %swap3A_184, %swap3A_185] : memref<4x640x128xf32, #tpu.memory_space<vmem>>, vector<1x640x128xf32>
    %swap3A_187 = vector.shape_cast %swap3A_186 : vector<1x640x128xf32> to vector<640x128xf32>
    %swap3A_188 = vector.shape_cast %add3A_182 : vector<640x128xf32> to vector<1x640x128xf32>
    tpu.vector_store %arg10[%swap3A_183, %swap3A_184, %swap3A_185], %swap3A_188 {strides = array<i32>} : memref<4x640x128xf32, #tpu.memory_space<vmem>>, vector<1x640x128xf32>,
    return
  }
  func.func @transform_0(%arg0: i32) -> (i32, i32) {
    %c0_i32 = arith.constant 0 : i32
    %c0_i32_0 = arith.constant 0 : i32
    return %arg0, %c0_i32 : i32, i32
  }
  func.func @transform_1(%arg0: i32) -> (i32, i32) {
    %c0_i32 = arith.constant 0 : i32
    %c0_i32_0 = arith.constant 0 : i32
    return %arg0, %c0_i32 : i32, i32
  }
  func.func @transform_2(%arg0: i32) -> (i32, i32) {
    %c0_i32 = arith.constant 0 : i32
    %c0_i32_0 = arith.constant 0 : i32
    return %arg0, %c0_i32 : i32, i32
  }
  func.func @transform_3(%arg0: i32) -> (i32, i32) {
    %c0_i32 = arith.constant 0 : i32
    %c0_i32_0 = arith.constant 0 : i32
    %c0_i32_1 = arith.constant 0 : i32
    return %c0_i32, %c0_i32_0 : i32, i32
  }
  func.func @transform_4(%arg0: i32) -> (i32, i32) {
    %c0_i32 = arith.constant 0 : i32
    %c0_i32_0 = arith.constant 0 : i32
    %c0_i32_1 = arith.constant 0 : i32
    return %c0_i32, %c0_i32_0 : i32, i32
  }
  func.func @transform_5(%arg0: i32) -> (i32, i32) {
    %c0_i32 = arith.constant 0 : i32
    %c0_i32_0 = arith.constant 0 : i32
    %c0_i32_1 = arith.constant 0 : i32
    return %c0_i32, %c0_i32_0 : i32, i32
  }
  func.func @transform_6(%arg0: i32) -> (i32, i32) {
    %c0_i32 = arith.constant 0 : i32
    %c0_i32_0 = arith.constant 0 : i32
    %c0_i32_1 = arith.constant 0 : i32
    return %c0_i32, %c0_i32_0 : i32, i32
  }
  func.func @transform_7(%arg0: i32) -> (i32, i32) {
    %c0_i32 = arith.constant 0 : i32
    %c0_i32_0 = arith.constant 0 : i32
    %c0_i32_1 = arith.constant 0 : i32
    return %c0_i32, %c0_i32_0 : i32, i32
  }
  func.func @transform_8(%arg0: i32) -> (i32, i32) {
    %c0_i32 = arith.constant 0 : i32
    %c0_i32_0 = arith.constant 0 : i32
    %c0_i32_1 = arith.constant 0 : i32
    return %c0_i32, %c0_i32_0 : i32, i32
  }
  func.func @transform_9(%arg0: i32) -> (i32, i32, i32) {
    %c0_i32 = arith.constant 0 : i32
    %c0_i32_0 = arith.constant 0 : i32
    %c0_i32_1 = arith.constant 0 : i32
    return %c0_i32, %arg0, %c0_i32_0 : i32, i32, i32
  }
}

</mosaic_0001>

<sc_bundles>
// kernel: kernel.10.cloned.1.call-start
scs
__scs_entry_jumppad:
0x0: {  	(pc) =	sbr.rel $0x88, $3  }
0x1: {  	(tag) =	ssettag $0x0;
	lr =	simm.s32 $0x1  }
0x2: {  	[smem:$0x3F92] =	sst lr;
	_ =	strace $0xD0000000  }
0x3: {  	_ = 	snop  }
0x4: {  	_ = 	snop  }
0x5: {  	_ = 	snop  }
0x6: {  	_ = 	snop  }
0x7: {  	_ = 	snop  }
__scs_overlays_trampoline_lowered:
0x8: {  	[smem:$0x3FA1] =	sst s0  }
0x9: {  	[smem:$0x3FA2] =	sst s1  }
0xa: {  	[smem:$0x3FA3] =	sst s2  }
0xb: {  	[smem:$0x3FA4] =	sst s3  }
0xc: {  	[smem:$0x3FA5] =	sst s4  }
0xd: {  	[smem:$0x3FA6] =	sst s5  }
0xe: {  	[smem:$0x3FA7] =	sst s6  }
0xf: {  	[smem:$0x3FA8] =	sst s7  }
0x10: {  	[smem:$0x3FA9] =	sst s8  }
0x11: {  	[smem:$0x3FAA] =	sst s9;
	s0 =	simm.s32 @!p0 $0x0  }
0x12: {  	s1 =	sld [smem:$0x3F90];
	s0 =	simm.s32 @p0 $0x1  }
0x13: {  	[smem:$0x3FAB] =	sst s0;
	s0 =	simm.s32 @!p1 $0x0  }
0x14: {  	s2 =	sld [smem:$0x3F8F];
	s0 =	simm.s32 @p1 $0x1  }
0x15: {  	[smem:$0x3FAC] =	sst s0;
	s0 =	simm.s32 @!p2 $0x0  }
0x16: {  	s3 =	sld [smem:$0x3FDB];
	s0 =	simm.s32 @p2 $0x1  }
0x17: {  	s4 =	simm.s32 $0x1BF5;
	[smem:$0x3FAE] =	sst s0  }
0x18: {  	s0 =	sld [smem:$0x3F91];
	_ =	swait.ge [sflag:s4], $0x0  }
0x19: {  	s7 =	sld [smem:$0x3F92]  }
0x1a: {  	s8 =	sadd.s32 $0xFFFFE003, lr  }
0x1b: {  	s9 =	sadd.s32 $0xFFFFFEF7, lr;
	s5 =	simm.s32 $0xFFFFFFFF;
	p2 =	slt.u32 s8, $0xFFFFF086  }
0x1c: {  	p1 =	slt.u32 s9, $0xF7A;
	s5 =	simm.s32 @!p2 $0x0  }
0x1d: {  	s5 =	simm.s32 @p1 $0x1;
	p0 =	seq.s32 s7, s2  }
0x1e: {  	s7 =	smul.u32 @!p0 $0xF7A, s2;
	p2 =	seq.s32 @!p0 s5, $0x0  }
0x1f: {  	s9 =	smul.u32 $0xF7A, s1;
	s8 =	simm.s32 @!p0 $0x1BF5;
	p2 =	por !p2, p0  }
0x20: {  	[sflag:s8] =	ssyncset.s32 @!p0 $0xFFFFF086;
	s6 =	sadd.s32 @!p0 s3, s7;
	s7 =	simm.s32 @!p0 $0x108  }
0x21: {  	s3 =	sadd.s32 s3, s9;
	s6 =	sadd.s32 @!p0 $0x88, s6;
	s7 =	simm.s32 @p2 $0x1082  }
0x22: {  	[simem:s7], [sflag:s8] =	dma.local @!p0 [hbm:s6], $0xF7A  }
0x23: {  	s9 =	sor.u32 $0xD0000000, s2;
	s6 =	simm.s32 $0x108;
	_ =	swait.ge @!p0 [sflag:s8], $0x0  }
0x24: {  	s3 =	sadd.s32 $0x88, s3;
	s6 =	simm.s32 @!p1 $0x1082;
	[sflag:s4] =	ssyncset.s32 $0xFFFFF086  }
0x25: {  	[simem:s6], [sflag:s4] =	dma.local [hbm:s3], $0xF7A  }
0x26: {  	[smem:$0x3F92] =	sst s1;
	(tag) =	ssettag s2;
	_ =	strace s9  }
0x27: {  	s1 =	sld [smem:$0x3FA2]  }
0x28: {  	s2 =	sld [smem:$0x3FA3]  }
0x29: {  	s4 =	sld [smem:$0x3FA5]  }
0x2a: {  	p0 =	seq.s32 s5, $0x0;
	s5 =	sld [smem:$0x3FA6]  }
0x2b: {  	s6 =	sld [smem:$0x3FA7]  }
0x2c: {  	s7 =	sld [smem:$0x3FA8]  }
0x2d: {  	s3 =	simm.s32 $0x108;
	s8 =	sld [smem:$0x3FA9]  }
0x2e: {  	s3 =	simm.s32 @!p0 $0x1082;
	s9 =	sld [smem:$0x3FAA]  }
0x2f: {  	lr =	sadd.s32 s0, s3;
	s0 =	sld [smem:$0x3FA1]  }
0x30: {  	s3 =	sld [smem:$0x3FA4]  }
0x31: {  	[smem:$0x3FAD] =	sst s10  }
0x32: {  	s10 =	sld [smem:$0x3FAB];
	_ =	sdelay $0x3  }
0x33: {  	p0 =	seq.s32 s10, $0x1;
	s10 =	sld [smem:$0x3FAD];
	_ =	sdelay $0x3  }
0x34: {  	[smem:$0x3FAD] =	sst s10  }
0x35: {  	s10 =	sld [smem:$0x3FAC];
	_ =	sdelay $0x3  }
0x36: {  	p1 =	seq.s32 s10, $0x1;
	s10 =	sld [smem:$0x3FAD];
	_ =	sdelay $0x3  }
0x37: {  	[smem:$0x3FAD] =	sst s10  }
0x38: {  	s10 =	sld [smem:$0x3FAE]  }
0x39: {  	_ = 	snop;
	(pc) =	sbr.ind lr, $3  }
0x3a: {  	_ = 	snop  }
0x3b: {  	_ = 	snop  }
0x3c: {  	p2 =	seq.s32 s10, $0x1;
	s10 =	sld [smem:$0x3FAD]  }
0x3d: {  	_ =	shalt  }
0x3e: {  	_ =	shalt  }
0x3f: {  	_ =	shalt  }
0x40: {  	_ =	shalt  }
0x41: {  	_ =	shalt  }
0x42: {  	_ =	shalt  }
0x43: {  	_ =	shalt  }
0x44: {  	_ =	shalt  }
0x45: {  	_ =	shalt  }
0x46: {  	_ =	shalt  }
0x47: {  	_ =	shalt  }
0x48: {  	_ =	shalt  }
0x49: {  	_ =	shalt  }
0x4a: {  	_ =	shalt  }
0x4b: {  	_ =	shalt  }
0x4c: {  	_ =	shalt  }
0x4d: {  	_ =	shalt  }
0x4e: {  	_ =	shalt  }
0x4f: {  	_ =	shalt  }
0x50: {  	_ =	shalt  }
0x51: {  	_ =	shalt  }
0x52: {  	_ =	shalt  }
0x53: {  	_ =	shalt  }
0x54: {  	_ =	shalt  }
0x55: {  	_ =	shalt  }
0x56: {  	_ =	shalt  }
0x57: {  	_ =	shalt  }
0x58: {  	_ =	shalt  }
0x59: {  	_ =	shalt  }
0x5a: {  	_ =	shalt  }
0x5b: {  	_ =	shalt  }
0x5c: {  	_ =	shalt  }
0x5d: {  	_ =	shalt  }
0x5e: {  	_ =	shalt  }
0x5f: {  	_ =	shalt  }
0x60: {  	_ =	shalt  }
0x61: {  	_ =	shalt  }
0x62: {  	_ =	shalt  }
0x63: {  	_ =	shalt  }
0x64: {  	_ =	shalt  }
0x65: {  	_ =	shalt  }
0x66: {  	_ =	shalt  }
0x67: {  	_ =	shalt  }
0x68: {  	_ =	shalt  }
0x69: {  	_ =	shalt  }
0x6a: {  	_ =	shalt  }
0x6b: {  	_ =	shalt  }
0x6c: {  	_ =	shalt  }
0x6d: {  	_ =	shalt  }
0x6e: {  	_ =	shalt  }
0x6f: {  	_ =	shalt  }
0x70: {  	_ =	shalt  }
0x71: {  	_ =	shalt  }
0x72: {  	_ =	shalt  }
0x73: {  	_ =	shalt  }
0x74: {  	_ =	shalt  }
0x75: {  	_ =	shalt  }
0x76: {  	_ =	shalt  }
0x77: {  	_ =	shalt  }
0x78: {  	_ =	shalt  }
0x79: {  	_ =	shalt  }
0x7a: {  	_ =	shalt  }
0x7b: {  	_ =	shalt  }
0x7c: {  	_ =	shalt  }
0x7d: {  	_ =	shalt  }
0x7e: {  	_ =	shalt  }
0x7f: {  	_ =	shalt  }
0x80: {  	_ =	shalt  }
0x81: {  	_ =	shalt  }
0x82: {  	_ =	shalt  }
0x83: {  	_ =	shalt  }
0x84: {  	_ =	shalt  }
0x85: {  	_ =	shalt  }
0x86: {  	_ =	shalt  }
0x87: {  	_ =	shalt  }
.Lfunc_end0:
.L_simem_size_0:
called_computation.1_lowered:
.L_overlay_start_0:
0x88: {  	s2 =	sld [smem:$0x3FD9]  }
0x89: {  	s3 =	sld [smem:$0x3FFE];
	_ =	sdelay $0x1  }
0x8a: {  	s1 =	srdreg.scid  }
0x8b: {  	s0 =	sand.u32 $0x1, s1  }
0x8c: {  	s15 =	sshll.u32 s0, $0xA;
	s2 =	sadd.s32 s3, s2  }
0x8d: {  	s2 =	sadd.s32 s2, s15  }
0x8e: {  	[smem:$0x3FB9] =	sst s2  }
0x8f: {  	_ = 	snop  }
0x90: {  	s2 =	sld [smem:$0x3FD0];
	_ =	sdelay $0x2  }
0x91: {  	s16 =	simm.s32 $0xB;
	s4 =	simm.s32 $0x10  }
0x92: {  	[smem:s4], [sflag:s16] =	dma.local [hbm:s2], $0x1  }
0x93: {  	_ =	swait.eq [sflag:s16], $0x1  }
0x94: {  	[sflag:s16] =	ssyncset.done $0x0  }
0x95: {  	[sflag:s16] =	ssyncadd.s32 $0xFFFFFFFF  }
0x96: {  	s17 =	sld [smem:$0x10];
	(tm) =	ssettm $0x1  }
0x97: {  	s18 =	sld [smem:$0x3FFB];
	_ =	sdelay $0x3  }
0x98: {  	_ =	strace s18  }
0x99: {  	s2 =	sld [smem:$0x3FFC];
	_ =	sdelay $0x3  }
0x9a: {  	_ =	strace s2  }
0x9b: {  	s2 =	sld [smem:$0x3FFD];
	_ =	sdelay $0x3  }
0x9c: {  	_ =	strace s2  }
0x9d: {  	_ =	strace $0x8FFFFFFF  }
0x9e: {  	s19 =	sld [smem:$0x3FDB];
	_ =	sdelay $0x1  }
0x9f: {  	s20 =	simm.s32 $_scs_section_size  }
0xa0: {  	s5 =	simm.s32 $_size__tile_overlayer_lowered;
	s6 =	simm.s32 $_tile_overlayer_lowered  }
0xa1: {  	s7 =	simm.s32 $0x1BFF;
	s21 =	sshll.u32 s6, $0x1;
	s4 =	sadd.s32 s20, s19  }
0xa2: {  	s22 =	simm.s32 $0x0;
	s5 =	sshll.u32 s5, $0x1;
	s6 =	sadd.s32 s21, s4  }
0xa3: {  	[timem:s22], [sflag:s7] =	dma.local [hbm:s6], s5  }
0xa4: {  	_ =	swait.ge [sflag:s7], s5  }
0xa5: {  	s5 =	ssub.s32 $0x0, s5;
	[sflag:s7] =	ssyncset.done $0x0  }
0xa6: {  	[sflag:s7] =	ssyncadd.s32 s5;
	_ =	sdelay $0x1  }
0xa7: {  	s23 =	simm.s32 $0x1B8B  }
0xa8: {  	_ =	swait.ge [sflag:s23], $0x1  }
0xa9: {  	[sflag:s23] =	ssyncset.done $0x0  }
0xaa: {  	[sflag:s23] =	ssyncadd.s32 $0xFFFFFFFF  }
0xab: {  	s5 =	sld [smem:$0x0]  }
0xac: {  	s6 =	sand.u32 $0xFFFFFFFE, s1  }
0xad: {  	p0 =	sne.s32 s1, s6  }
0xae: {  	s6 =	sshll.u32 @p0 s6, $0xE  }
0xaf: {  	s6 =	sadd.s32 @p0 $0x11B8D, s6;
	s7 =	sshll.u32 @p0 s5, $0x11  }
0xb0: {  	s6 =	sor.u32 @p0 s7, s6  }
0xb1: {  	[sflag:s6] =	ssyncadd.remote.s32 @p0 $0x1;
	_ =	sdelay $0x1  }
0xb2: {  	s6 =	simm.s32 @p0 $0x1B8D  }
0xb3: {  	_ =	swait.eq @p0 [sflag:s6], $0x1  }
0xb4: {  	[sflag:s6] =	ssyncadd.s32 @p0 $0xFFFFFFFF  }
0xb5: {  	s7 =	sshll.u32 @!p0 s1, $0xE  }
0xb6: {  	s7 =	sor.u32 @!p0 $0x4000, s7;
	s6 =	simm.s32 @!p0 $0x1B8D  }
0xb7: {  	s5 =	sshll.u32 @!p0 s5, $0x11;
	s7 =	sadd.s32 @!p0 $0x11B8D, s7;
	_ =	swait.eq @!p0 [sflag:s6], $0x1  }
0xb8: {  	s5 =	sor.u32 @!p0 s5, s7;
	[sflag:s6] =	ssyncadd.s32 @!p0 $0xFFFFFFFF  }
0xb9: {  	s25 =	simm.s32 $0x1B8E;
	s24 =	sld [smem:$0x3FFE];
	[sflag:s5] =	ssyncadd.remote.s32 @!p0 $0x1  }
0xba: {  	s26 =	simm.s32 $execute0_lowered;
	[smem:$0x3FD2] =	sst s25  }
0xbb: {  	s6 =	sshll.u32 s26, $0x1;
	_ =	strace $0x80000049;
	[dreg:$0x1] =	wrdreg $0xFFFFFFFF  }
0xbc: {  	s28 =	simm.s32 $_size_execute0_lowered;
	s4 =	sadd.s32 s4, s6;
	[dreg:$0x0] =	wrdreg $0x0  }
0xbd: {  	s6 =	sshll.u32 s28, $0x1;
	[dreg:$0x2] =	wrdreg s4  }
0xbe: {  	[dreg:$0x3] =	wrdreg s6  }
0xbf: {  	[dreg:$0x4] =	wrdreg $0xC0  }
0xc0: {  	_ =	task [dreg:s22], $0x5FFFF  }
0xc1: {  	[dreg:$0x1] =	wrdreg $0xFFFFFFFF  }
0xc2: {  	[dreg:$0x0] =	wrdreg $0x60  }
0xc3: {  	[dreg:$0x2] =	wrdreg s24  }
0xc4: {  	[dreg:$0x3] =	wrdreg s17  }
0xc5: {  	[dreg:$0x4] =	wrdreg $0xA  }
0xc6: {  	_ =	task.clear_ibuf [dreg:s22], $0x5FFFF;
	_ =	strace $0x90000049  }
0xc7: {  	s29 =	simm.s32 $0xA;
	_ =	strace $0x8000004B  }
0xc8: {  	_ =	swait.ge [sflag:s29], $0x1  }
0xc9: {  	[sflag:s29] =	ssyncadd.s32 $0xFFFFFFFF  }
0xca: {  	_ =	strace $0x9000004B  }
0xcb: {  	_ =	sfence  }
0xcc: {  	s30 =	sld [smem:$0x0];
	_ =	sdelay $0x2  }
0xcd: {  	s31 =	sshll.u32 s1, $0xD;
	s1 =	sshrl.u32 s1, $0x2  }
0xce: {  	s4 =	sand.u32 $0x4000, s31;
	s1 =	sadd.s32 s1, s30  }
0xcf: {  	s0 =	sor.u32 s4, s0;
	s1 =	sshll.u32 s1, $0x11  }
0xd0: {  	s0 =	sor.u32 s1, s0  }
0xd1: {  	s0 =	sadd.s32 $0x8F2B, s0  }
0xd2: {  	[sflag:s0] =	ssyncadd.remote.s32 $0x1  }
0xd3: {  	_ =	sfence.sel $0xFFFF  }
0xd4: {  	[dreg:$0x0] =	wrdreg $0xFFFFFFFF;
	(pc) =	sbr.abs _section_cstart, $3  }
0xd5: {  	[dreg:$0x1] =	wrdreg $0xFFFFFFFF  }
0xd6: {  	_ =	task.clear_ibuf [dreg:s22], $0x2FFFF;
	_ =	strace $0x9FFFFFFF  }
0xd7: {  	(tm) =	ssettm $0x7FFFFFFF  }
tec
execute0_lowered:
.L_overlay_start_1:
0x0: {  	(tag) =	ssettag $0x1  }
0x1: {  	s0 =	srdreg.scid;
	s8 =	stileid.u32  }
0x2: {  	s0 =	sand.u32 $0x1, s0;
	s1 =	smul.u32 $0x2710, s8  }
0x3: {  	s2 =	smul.u32 $0x1388, s0  }
0x4: {  	s4 =	rddreg [dreg:$0x0]  }
0x5: {  	s5 =	rddreg [dreg:$0x1];
	s1 =	sadd.s32 s2, s1  }
0x6: {  	s11 =	simm.s32 $0xF800;
	s12 =	simm.s32 $0x10000;
	s2 =	sadd.s32 $0x28, s1  }
0x7: {  	s13 =	simm.s32 $0x10800;
	s3 =	sshrl.u32 s2, $0x3;
	s2 =	simm.s32 $0x0  }
0x8: {  	s14 =	simm.s32 $0x11000;
	s15 =	simm.s32 $0x11800;
	[smem:$0x7FF] =	sst s2  }
0x9: {  	s8 =	sshll.u32 s8, $0x1;
	_ =	strace $0x8000004A;
	[dreg:$0x5] =	wrdreg s11  }
0xa: {  	s9 =	ssub.s32 $0x2, s0;
	s0 =	sor.u32 s0, s8;
	[dreg:$0x6] =	wrdreg s12  }
0xb: {  	s16 =	simm.s32 $0x11C00;
	s0 =	smul.u32 $0x1388, s0;
	[dreg:$0x7] =	wrdreg s13  }
0xc: {  	s17 =	simm.s32 $0x12400;
	s18 =	simm.s32 $0x12C00;
	[dreg:$0x8] =	wrdreg s14  }
0xd: {  	s19 =	simm.s32 $0x13400;
	s0 =	sshrl.u32 s0, $0x3;
	[dreg:$0x9] =	wrdreg s15  }
0xe: {  	s20 =	simm.s32 $0x13C00;
	s5 =	sadd.s32 s5, s0;
	[dreg:$0xa] =	wrdreg s16  }
0xf: {  	s21 =	simm.s32 $0x14400;
	s22 =	simm.s32 $0x14800;
	[smem:$0x7F8] =	sst s5  }
0x10: {  	s23 =	simm.s32 $0x15000;
	s24 =	simm.s32 $0x15800;
	[dreg:$0xb] =	wrdreg s17  }
0x11: {  	s25 =	simm.s32 $0x16000;
	s26 =	simm.s32 $0x16800;
	[dreg:$0xc] =	wrdreg s18  }
0x12: {  	s28 =	simm.s32 $0x1C00;
	s29 =	simm.s32 $0x3400;
	[dreg:$0xd] =	wrdreg s19  }
0x13: {  	s30 =	simm.s32 $0x4000;
	s31 =	simm.s32 $0x9800;
	[dreg:$0xe] =	wrdreg s20  }
0x14: {  	s10 =	sadd.s32 $0xC15800, s4;
	s1 =	sshrl.u32 s1, $0x3;
	[dreg:$0xf] =	wrdreg s21  }
0x15: {  	s8 =	sadd.s32 $0xA4000, s4;
	s1 =	smul.u32 $0x580, s1;
	[dreg:$0x10] =	wrdreg s22  }
0x16: {  	s7 =	sshrl.u32 s9, $0x1;
	s0 =	smul.u32 $0x580, s0;
	[dreg:$0x11] =	wrdreg s23  }
0x17: {  	s3 =	smul.u32 $0x580, s3;
	s1 =	sadd.s32 s1, s10;
	[dreg:$0x12] =	wrdreg s24  }
0x18: {  	s11 =	ssub.s32 s9, s7;
	s5 =	sadd.s32 $0xA3D00, s4;
	[dreg:$0x13] =	wrdreg s25  }
0x19: {  	s7 =	sadd.s32 $0xA3F00, s4;
	s9 =	sadd.s32 $0xA4100, s4;
	[dreg:$0x14] =	wrdreg s26  }
0x1a: {  	s0 =	sadd.s32 s10, s0;
	s14 =	simm.s32 $0x17C00;
	[dreg:$0x4] =	wrdreg s1  }
0x1b: {  	s12 =	simm.s32 $0x3;
	s15 =	simm.s32 $0x18400;
	[dreg:$0x17] =	wrdreg s14  }
0x1c: {  	s13 =	simm.s32 $0x1400;
	s16 =	simm.s32 $0x18C00;
	[dreg:$0x18] =	wrdreg s15  }
0x1d: {  	s25 =	simm.s32 $0x2400;
	s17 =	simm.s32 $0x19400;
	[dreg:$0x19] =	wrdreg s16  }
0x1e: {  	s26 =	simm.s32 $0x2C00;
	s18 =	simm.s32 $0x19C00;
	[dreg:$0x1a] =	wrdreg s17  }
0x1f: {  	s19 =	simm.s32 $0x1A000;
	s20 =	simm.s32 $0x1A800;
	[dreg:$0x1b] =	wrdreg s18  }
0x20: {  	s21 =	simm.s32 $0x1B000;
	s22 =	simm.s32 $0x1B800;
	[dreg:$0x1c] =	wrdreg s19  }
0x21: {  	s23 =	simm.s32 $0x1C000;
	s24 =	simm.s32 $0x1C800;
	[dreg:$0x1d] =	wrdreg s20  }
0x22: {  	s6 =	sadd.s32 s3, s10;
	s3 =	sadd.s32 $0xA3C00, s4;
	[dreg:$0x1e] =	wrdreg s21  }
0x23: {  	s0 =	sadd.s32 $0xD5200, s0;
	s10 =	simm.s32 $0x17000;
	[dreg:$0x1f] =	wrdreg s22  }
0x24: {  	s1 =	simm.s32 $0x3C00;
	s14 =	simm.s32 $0x6000;
	[smem:$0x7FB] =	sst s23  }
0x25: {  	s15 =	simm.s32 $0x6800;
	[smem:$0x7FC] =	sst s24;
	s16 =	simm.s32 $0x7400  }
0x26: {  	s17 =	simm.s32 $0x7C00;
	s18 =	simm.s32 $0x8400;
	s19 =	simm.s32 $0x8C00  }
0x27: {  	s20 =	simm.s32 $0x9400;
	s21 =	simm.s32 $0xF000;
	[dreg:$0x3] =	wrdreg s6  }
0x28: {  	s22 =	simm.s32 $0x1;
	s23 =	simm.s32 $0x2;
	[smem:$0x7F9] =	sst s0  }
0x29: {  	s24 =	simm.s32 $0x0;
	s6 =	sadd.s32 $0xA3E00, s4;
	[dreg:$0x15] =	wrdreg s10  }
0x2a: {  	v2 =	vlaneseq.u32;
	s4 =	smax.u32 s11, $0x1;
	s11 =	simm.s32 $0x17400;
	[smem:$0x7FD] =	sst s24  }
0x2b: {  	vm0 =	vmmov $0xffff;
	vm1 =	vmmov $0xff;
	v1 =	vshrl.u32 v2, $0x3;
	s10 =	simm.s32 $0x5000;
	s0 =	simm.s32 $0x6C00;
	[smem:$0x7FA] =	sst s4  }
0x2c: {  	v0 =	vand.u32 $0x7, v2;
	v2 =	vor.u32 $0x8, v2;
	v1 =	vmul.u32 $0x8, v1;
	[dreg:$0x16] =	wrdreg s11;
	s4 =	simm.s32 $0x4800;
	s11 =	simm.s32 $0x5800  }
.LBB2_1:
0x2d: {  	s24 =	sld [smem:$0x7F8];
	_ =	sdelay $0x2  }
0x2e: {  	[tilespmem:s2], [sflag:$0x3] =	stream.linear.gather [hbm4b:s24+s2], $0x1388, $0x38;
	[tilespmem:$0x1CC00] =	vst v63  }
0x2f: {  	_ =	swait.ge [sflag:s12], $0x1388  }
0x30: {  	[sflag:s12] =	ssyncset.done $0x0  }
0x31: {  	[sflag:s12] =	ssyncadd.s32 $0xFFFFEC78  }
0x32: {  	v3 =	vld [tilespmem:$0x0];
	_ =	sdelay $0x4  }
0x33: {  	v4 =	vshrl.u32 v3, $0x3  }
0x34: {  	v4 =	vmul.u32 $0x58, v4  }
0x35: {  	v3 =	vand.u32 $0x7, v3  }
0x36: {  	v3 =	vor.u32 v3, v4  }
0x37: {  	v4 =	vperm.xlane v3, v0;
	_ =	sdelay $0x1  }
0x38: {  	v4 =	vadd.s32 v1, v4;
	_ =	sdelay $0x4  }
0x39: {  	[tilespmem:s13], [sflag:$0x1] =	stream.indirect_vreg.gather [hbm4b:s3+s2], $0x80, v4, vm0, $0xb8;
	[tilespmem:$0x1CC00] =	vst v63  }
0x3a: {  	_ = 	snop  }
0x3b: {  	[tilespmem:s28], [sflag:$0x1] =	stream.indirect_vreg.gather [hbm4b:s5+s2], $0x80, v4, vm0, $0xb8;
	[tilespmem:$0x1CC00] =	vst v63  }
0x3c: {  	_ = 	snop  }
0x3d: {  	[tilespmem:s25], [sflag:$0x1] =	stream.indirect_vreg.gather [hbm4b:s6+s2], $0x80, v4, vm0, $0xb8;
	[tilespmem:$0x1CC00] =	vst v63  }
0x3e: {  	v3 =	vperm.xlane v3, v2  }
0x3f: {  	[tilespmem:s26], [sflag:$0x1] =	stream.indirect_vreg.gather [hbm4b:s7+s2], $0x80, v4, vm0, $0xb8;
	[tilespmem:$0x1CC00] =	vst v63  }
0x40: {  	v3 =	vadd.s32 v1, v3  }
0x41: {  	[tilespmem:s29], [sflag:$0x1] =	stream.indirect_vreg.gather [hbm4b:s8+s2], $0x80, v4, vm0, $0xb8;
	[tilespmem:$0x1CC00] =	vst v63  }
0x42: {  	_ = 	snop  }
0x43: {  	[tilespmem:s1], [sflag:$0x1] =	stream.indirect_vreg.gather [hbm4b:s9+s2], $0x80, v4, vm1, $0xb8;
	[tilespmem:$0x1CC00] =	vst v63  }
0x44: {  	_ = 	snop  }
0x45: {  	[tilespmem:s30], [sflag:$0x1] =	stream.indirect_vreg.gather [hbm4b:s3+s2], $0x80, v3, vm0, $0xb8;
	[tilespmem:$0x1CC00] =	vst v63  }
0x46: {  	_ = 	snop  }
0x47: {  	[tilespmem:s4], [sflag:$0x1] =	stream.indirect_vreg.gather [hbm4b:s5+s2], $0x80, v3, vm0, $0xb8;
	[tilespmem:$0x1CC00] =	vst v63  }
0x48: {  	_ = 	snop  }
0x49: {  	[tilespmem:s10], [sflag:$0x1] =	stream.indirect_vreg.gather [hbm4b:s6+s2], $0x80, v3, vm0, $0xb8;
	[tilespmem:$0x1CC00] =	vst v63  }
0x4a: {  	_ = 	snop  }
0x4b: {  	[tilespmem:s11], [sflag:$0x1] =	stream.indirect_vreg.gather [hbm4b:s7+s2], $0x80, v3, vm0, $0xb8;
	[tilespmem:$0x1CC00] =	vst v63  }
0x4c: {  	_ = 	snop  }
0x4d: {  	[tilespmem:s14], [sflag:$0x1] =	stream.indirect_vreg.gather [hbm4b:s8+s2], $0x80, v3, vm0, $0xb8;
	[tilespmem:$0x1CC00] =	vst v63  }
0x4e: {  	_ = 	snop  }
0x4f: {  	[tilespmem:s15], [sflag:$0x1] =	stream.indirect_vreg.gather [hbm4b:s9+s2], $0x80, v3, vm1, $0xb8;
	[tilespmem:$0x1CC00] =	vst v63  }
0x50: {  	v3 =	vld [tilespmem:$0x10];
	_ =	sdelay $0x4  }
0x51: {  	v62 =	vshrl.u32 v3, $0x3  }
0x52: {  	v4 =	vmul.u32 $0x58, v62  }
0x53: {  	v3 =	vand.u32 $0x7, v3  }
0x54: {  	v3 =	vor.u32 v3, v4  }
0x55: {  	v4 =	vperm.xlane v3, v0;
	_ =	sdelay $0x1  }
0x56: {  	v4 =	vadd.s32 v1, v4;
	_ =	sdelay $0x4  }
0x57: {  	[tilespmem:s0], [sflag:$0x1] =	stream.indirect_vreg.gather [hbm4b:s3+s2], $0x80, v4, vm0, $0xb8;
	[tilespmem:$0x1CC00] =	vst v63  }
0x58: {  	_ = 	snop  }
0x59: {  	[tilespmem:s16], [sflag:$0x1] =	stream.indirect_vreg.gather [hbm4b:s5+s2], $0x80, v4, vm0, $0xb8;
	[tilespmem:$0x1CC00] =	vst v63  }
0x5a: {  	_ = 	snop  }
0x5b: {  	[tilespmem:s17], [sflag:$0x1] =	stream.indirect_vreg.gather [hbm4b:s6+s2], $0x80, v4, vm0, $0xb8;
	[tilespmem:$0x1CC00] =	vst v63  }
0x5c: {  	v3 =	vperm.xlane v3, v2  }
0x5d: {  	[tilespmem:s18], [sflag:$0x1] =	stream.indirect_vreg.gather [hbm4b:s7+s2], $0x80, v4, vm0, $0xb8;
	[tilespmem:$0x1CC00] =	vst v63  }
0x5e: {  	v3 =	vadd.s32 v1, v3  }
0x5f: {  	[tilespmem:s19], [sflag:$0x1] =	stream.indirect_vreg.gather [hbm4b:s8+s2], $0x80, v4, vm0, $0xb8;
	[tilespmem:$0x1CC00] =	vst v63  }
0x60: {  	_ = 	snop  }
0x61: {  	[tilespmem:s20], [sflag:$0x1] =	stream.indirect_vreg.gather [hbm4b:s9+s2], $0x80, v4, vm1, $0xb8;
	[tilespmem:$0x1CC00] =	vst v63  }
0x62: {  	_ = 	snop  }
0x63: {  	[tilespmem:s31], [sflag:$0x1] =	stream.indirect_vreg.gather [hbm4b:s3+s2], $0x80, v3, vm0, $0xb8;
	[tilespmem:$0x1CC00] =	vst v63  }
0x64: {  	s17 =	simm.s32 $0xA000  }
0x65: {  	[tilespmem:s17], [sflag:$0x1] =	stream.indirect_vreg.gather [hbm4b:s5+s2], $0x80, v3, vm0, $0xb8;
	[tilespmem:$0x1CC00] =	vst v63  }
0x66: {  	s18 =	simm.s32 $0xA800  }
0x67: {  	[tilespmem:s18], [sflag:$0x1] =	stream.indirect_vreg.gather [hbm4b:s6+s2], $0x80, v3, vm0, $0xb8;
	[tilespmem:$0x1CC00] =	vst v63  }
0x68: {  	s19 =	simm.s32 $0xB000  }
0x69: {  	[tilespmem:s19], [sflag:$0x1] =	stream.indirect_vreg.gather [hbm4b:s7+s2], $0x80, v3, vm0, $0xb8;
	[tilespmem:$0x1CC00] =	vst v63  }
0x6a: {  	s20 =	simm.s32 $0xB800  }
0x6b: {  	[tilespmem:s20], [sflag:$0x1] =	stream.indirect_vreg.gather [hbm4b:s8+s2], $0x80, v3, vm0, $0xb8;
	[tilespmem:$0x1CC00] =	vst v63  }
0x6c: {  	s24 =	simm.s32 $0xC000  }
0x6d: {  	[tilespmem:s24], [sflag:$0x1] =	stream.indirect_vreg.gather [hbm4b:s9+s2], $0x80, v3, vm1, $0xb8;
	[tilespmem:$0x1CC00] =	vst v63  }
0x6e: {  	v3 =	vld.msk [tilespmem:$0x20], $0xff;
	_ =	sdelay $0x4  }
0x6f: {  	v63 =	vshrl.u32 v3, $0x3  }
0x70: {  	v4 =	vmul.u32 $0x58, v63  }
0x71: {  	v3 =	vand.u32 $0x7, v3  }
0x72: {  	v3 =	vor.u32 v3, v4  }
0x73: {  	v3 =	vperm.xlane v3, v0;
	_ =	sdelay $0x1  }
0x74: {  	v3 =	vadd.s32 v1, v3;
	_ =	sdelay $0x2  }
0x75: {  	s28 =	simm.s32 $0xD400;
	s25 =	simm.s32 $0xC400  }
0x76: {  	s26 =	simm.s32 $0xCC00;
	s29 =	simm.s32 $0xE400;
	s1 =	simm.s32 $0xEC00  }
0x77: {  	[tilespmem:s25], [sflag:$0x1] =	stream.indirect_vreg.gather [hbm4b:s3+s2], $0x80, v3, vm0, $0xb8;
	[tilespmem:$0x1CC00] =	vst v63  }
0x78: {  	s30 =	simm.s32 $0x2C00;
	s4 =	simm.s32 $0x9800;
	s10 =	simm.s32 $0xDC00  }
0x79: {  	[tilespmem:s26], [sflag:$0x1] =	stream.indirect_vreg.gather [hbm4b:s5+s2], $0x80, v3, vm0, $0xb8;
	[tilespmem:$0x1CC00] =	vst v63  }
0x7a: {  	s11 =	simm.s32 $0x5800;
	s14 =	simm.s32 $0x6000;
	s15 =	simm.s32 $0x6800  }
0x7b: {  	[tilespmem:s28], [sflag:$0x1] =	stream.indirect_vreg.gather [hbm4b:s6+s2], $0x80, v3, vm0, $0xb8;
	[tilespmem:$0x1CC00] =	vst v63  }
0x7c: {  	s0 =	simm.s32 $0x4000;
	s16 =	simm.s32 $0x6C00;
	s31 =	simm.s32 $0x9400  }
0x7d: {  	[tilespmem:s10], [sflag:$0x1] =	stream.indirect_vreg.gather [hbm4b:s7+s2], $0x80, v3, vm0, $0xb8;
	[tilespmem:$0x1CC00] =	vst v63  }
0x7e: {  	s17 =	simm.s32 $0x7400;
	s18 =	simm.s32 $0x7C00;
	s19 =	simm.s32 $0x8400  }
0x7f: {  	[tilespmem:s29], [sflag:$0x1] =	stream.indirect_vreg.gather [hbm4b:s8+s2], $0x80, v3, vm0, $0xb8;
	[tilespmem:$0x1CC00] =	vst v63  }
0x80: {  	s20 =	simm.s32 $0x8C00;
	s24 =	simm.s32 $0x38;
	s25 =	simm.s32 $0x0  }
0x81: {  	[tilespmem:s1], [sflag:$0x1] =	stream.indirect_vreg.gather [hbm4b:s9+s2], $0x80, v3, vm1, $0xb8;
	[tilespmem:$0x1CC00] =	vst v63  }
.LBB2_2:
0x82: {  	v3 =	vld [tilespmem:s24+$0xFFFFFFF0];
	_ =	sdelay $0x4  }
0x83: {  	v4 =	vshrl.u32 v3, $0x3  }
0x84: {  	v4 =	vmul.u32 $0x58, v4  }
0x85: {  	v3 =	vand.u32 $0x7, v3  }
0x86: {  	v3 =	vor.u32 v3, v4  }
0x87: {  	v4 =	vperm.xlane v3, v0;
	_ =	sdelay $0x1  }
0x88: {  	v4 =	vadd.s32 v1, v4;
	_ =	sdelay $0x4  }
0x89: {  	[tilespmem:s21], [sflag:$0x2] =	stream.indirect_vreg.gather [hbm4b:s3+s2], $0x80, v4, vm0, $0xb8;
	[tilespmem:$0x1CC00] =	vst v63  }
0x8a: {  	s26 =	rddreg [dreg:$0x5]  }
0x8b: {  	[tilespmem:s26], [sflag:$0x2] =	stream.indirect_vreg.gather [hbm4b:s5+s2], $0x80, v4, vm0, $0xb8;
	[tilespmem:$0x1CC00] =	vst v63  }
0x8c: {  	s28 =	rddreg [dreg:$0x6]  }
0x8d: {  	[tilespmem:s28], [sflag:$0x2] =	stream.indirect_vreg.gather [hbm4b:s6+s2], $0x80, v4, vm0, $0xb8;
	[tilespmem:$0x1CC00] =	vst v63  }
0x8e: {  	v3 =	vperm.xlane v3, v2;
	s26 =	rddreg [dreg:$0x7]  }
0x8f: {  	[tilespmem:s26], [sflag:$0x2] =	stream.indirect_vreg.gather [hbm4b:s7+s2], $0x80, v4, vm0, $0xb8;
	[tilespmem:$0x1CC00] =	vst v63  }
0x90: {  	v3 =	vadd.s32 v1, v3;
	s28 =	rddreg [dreg:$0x8]  }
0x91: {  	[tilespmem:s28], [sflag:$0x2] =	stream.indirect_vreg.gather [hbm4b:s8+s2], $0x80, v4, vm0, $0xb8;
	[tilespmem:$0x1CC00] =	vst v63  }
0x92: {  	s26 =	rddreg [dreg:$0x9]  }
0x93: {  	[tilespmem:s26], [sflag:$0x2] =	stream.indirect_vreg.gather [hbm4b:s9+s2], $0x80, v4, vm1, $0xb8;
	[tilespmem:$0x1CC00] =	vst v63  }
0x94: {  	s28 =	rddreg [dreg:$0xa]  }
0x95: {  	[tilespmem:s28], [sflag:$0x2] =	stream.indirect_vreg.gather [hbm4b:s3+s2], $0x80, v3, vm0, $0xb8;
	[tilespmem:$0x1CC00] =	vst v63  }
0x96: {  	s26 =	rddreg [dreg:$0xb]  }
0x97: {  	[tilespmem:s26], [sflag:$0x2] =	stream.indirect_vreg.gather [hbm4b:s5+s2], $0x80, v3, vm0, $0xb8;
	[tilespmem:$0x1CC00] =	vst v63  }
0x98: {  	s28 =	rddreg [dreg:$0xc]  }
0x99: {  	[tilespmem:s28], [sflag:$0x2] =	stream.indirect_vreg.gather [hbm4b:s6+s2], $0x80, v3, vm0, $0xb8;
	[tilespmem:$0x1CC00] =	vst v63  }
0x9a: {  	s26 =	rddreg [dreg:$0xd]  }
0x9b: {  	[tilespmem:s26], [sflag:$0x2] =	stream.indirect_vreg.gather [hbm4b:s7+s2], $0x80, v3, vm0, $0xb8;
	[tilespmem:$0x1CC00] =	vst v63  }
0x9c: {  	s28 =	rddreg [dreg:$0xe]  }
0x9d: {  	[tilespmem:s28], [sflag:$0x2] =	stream.indirect_vreg.gather [hbm4b:s8+s2], $0x80, v3, vm0, $0xb8;
	[tilespmem:$0x1CC00] =	vst v63  }
0x9e: {  	s26 =	rddreg [dreg:$0xf]  }
0x9f: {  	[tilespmem:s26], [sflag:$0x2] =	stream.indirect_vreg.gather [hbm4b:s9+s2], $0x80, v3, vm1, $0xb8;
	[tilespmem:$0x1CC00] =	vst v63  }
0xa0: {  	v3 =	vld [tilespmem:s24+$0x0];
	_ =	sdelay $0x4  }
0xa1: {  	v59 =	vshrl.u32 v3, $0x3  }
0xa2: {  	v4 =	vmul.u32 $0x58, v59  }
0xa3: {  	v3 =	vand.u32 $0x7, v3  }
0xa4: {  	v3 =	vor.u32 v3, v4  }
0xa5: {  	v4 =	vperm.xlane v3, v0;
	_ =	sdelay $0x1  }
0xa6: {  	v4 =	vadd.s32 v1, v4;
	_ =	sdelay $0x3  }
0xa7: {  	s26 =	rddreg [dreg:$0x10]  }
0xa8: {  	[tilespmem:s26], [sflag:$0x2] =	stream.indirect_vreg.gather [hbm4b:s3+s2], $0x80, v4, vm0, $0xb8;
	[tilespmem:$0x1CC00] =	vst v63  }
0xa9: {  	s28 =	rddreg [dreg:$0x11]  }
0xaa: {  	[tilespmem:s28], [sflag:$0x2] =	stream.indirect_vreg.gather [hbm4b:s5+s2], $0x80, v4, vm0, $0xb8;
	[tilespmem:$0x1CC00] =	vst v63  }
0xab: {  	s26 =	rddreg [dreg:$0x12]  }
0xac: {  	[tilespmem:s26], [sflag:$0x2] =	stream.indirect_vreg.gather [hbm4b:s6+s2], $0x80, v4, vm0, $0xb8;
	[tilespmem:$0x1CC00] =	vst v63  }
0xad: {  	v3 =	vperm.xlane v3, v2;
	s28 =	rddreg [dreg:$0x13]  }
0xae: {  	[tilespmem:s28], [sflag:$0x2] =	stream.indirect_vreg.gather [hbm4b:s7+s2], $0x80, v4, vm0, $0xb8;
	[tilespmem:$0x1CC00] =	vst v63  }
0xaf: {  	v3 =	vadd.s32 v1, v3;
	s26 =	rddreg [dreg:$0x14]  }
0xb0: {  	[tilespmem:s26], [sflag:$0x2] =	stream.indirect_vreg.gather [hbm4b:s8+s2], $0x80, v4, vm0, $0xb8;
	[tilespmem:$0x1CC00] =	vst v63  }
0xb1: {  	s28 =	rddreg [dreg:$0x15]  }
0xb2: {  	[tilespmem:s28], [sflag:$0x2] =	stream.indirect_vreg.gather [hbm4b:s9+s2], $0x80, v4, vm1, $0xb8;
	[tilespmem:$0x1CC00] =	vst v63  }
0xb3: {  	s26 =	rddreg [dreg:$0x16]  }
0xb4: {  	[tilespmem:s26], [sflag:$0x2] =	stream.indirect_vreg.gather [hbm4b:s3+s2], $0x80, v3, vm0, $0xb8;
	[tilespmem:$0x1CC00] =	vst v63  }
0xb5: {  	s28 =	rddreg [dreg:$0x17]  }
0xb6: {  	[tilespmem:s28], [sflag:$0x2] =	stream.indirect_vreg.gather [hbm4b:s5+s2], $0x80, v3, vm0, $0xb8;
	[tilespmem:$0x1CC00] =	vst v63  }
0xb7: {  	s26 =	rddreg [dreg:$0x18]  }
0xb8: {  	[tilespmem:s26], [sflag:$0x2] =	stream.indirect_vreg.gather [hbm4b:s6+s2], $0x80, v3, vm0, $0xb8;
	[tilespmem:$0x1CC00] =	vst v63  }
0xb9: {  	s28 =	rddreg [dreg:$0x19]  }
0xba: {  	[tilespmem:s28], [sflag:$0x2] =	stream.indirect_vreg.gather [hbm4b:s7+s2], $0x80, v3, vm0, $0xb8;
	[tilespmem:$0x1CC00] =	vst v63  }
0xbb: {  	s26 =	rddreg [dreg:$0x1a]  }
0xbc: {  	[tilespmem:s26], [sflag:$0x2] =	stream.indirect_vreg.gather [hbm4b:s8+s2], $0x80, v3, vm0, $0xb8;
	[tilespmem:$0x1CC00] =	vst v63  }
0xbd: {  	s28 =	rddreg [dreg:$0x1b]  }
0xbe: {  	[tilespmem:s28], [sflag:$0x2] =	stream.indirect_vreg.gather [hbm4b:s9+s2], $0x80, v3, vm1, $0xb8;
	[tilespmem:$0x1CC00] =	vst v63  }
0xbf: {  	v3 =	vld.msk [tilespmem:s24+$0x10], $0xff;
	_ =	sdelay $0x4  }
0xc0: {  	v60 =	vshrl.u32 v3, $0x3  }
0xc1: {  	v4 =	vmul.u32 $0x58, v60  }
0xc2: {  	v3 =	vand.u32 $0x7, v3  }
0xc3: {  	v3 =	vor.u32 v3, v4  }
0xc4: {  	v3 =	vperm.xlane v3, v0;
	_ =	sdelay $0x1  }
0xc5: {  	v3 =	vadd.s32 v1, v3;
	_ =	sdelay $0x2  }
0xc6: {  	s26 =	rddreg [dreg:$0x1c]  }
0xc7: {  	s28 =	rddreg [dreg:$0x1d]  }
0xc8: {  	[tilespmem:s26], [sflag:$0x2] =	stream.indirect_vreg.gather [hbm4b:s3+s2], $0x80, v3, vm0, $0xb8;
	[tilespmem:$0x1CC00] =	vst v63  }
0xc9: {  	s26 =	rddreg [dreg:$0x1e]  }
0xca: {  	[tilespmem:s28], [sflag:$0x2] =	stream.indirect_vreg.gather [hbm4b:s5+s2], $0x80, v3, vm0, $0xb8;
	[tilespmem:$0x1CC00] =	vst v63  }
0xcb: {  	s28 =	rddreg [dreg:$0x1f]  }
0xcc: {  	[tilespmem:s26], [sflag:$0x2] =	stream.indirect_vreg.gather [hbm4b:s6+s2], $0x80, v3, vm0, $0xb8;
	[tilespmem:$0x1CC00] =	vst v63  }
0xcd: {  	s26 =	sld [smem:$0x7FB]  }
0xce: {  	[tilespmem:s28], [sflag:$0x2] =	stream.indirect_vreg.gather [hbm4b:s7+s2], $0x80, v3, vm0, $0xb8;
	[tilespmem:$0x1CC00] =	vst v63  }
0xcf: {  	s28 =	sld [smem:$0x7FC]  }
0xd0: {  	[tilespmem:s26], [sflag:$0x2] =	stream.indirect_vreg.gather [hbm4b:s8+s2], $0x80, v3, vm0, $0xb8;
	[tilespmem:$0x1CC00] =	vst v63  }
0xd1: {  	_ = 	snop  }
0xd2: {  	[tilespmem:s28], [sflag:$0x2] =	stream.indirect_vreg.gather [hbm4b:s9+s2], $0x80, v3, vm1, $0xb8;
	[tilespmem:$0x1CC00] =	vst v63  }
0xd3: {  	_ =	swait.ge [sflag:s22], $0xDC00  }
0xd4: {  	s26 =	rddreg [dreg:$0x4];
	[sflag:s22] =	ssyncset.done $0x0  }
0xd5: {  	[sflag:s22] =	ssyncadd.s32 $0xFFFF2400;
	s26 =	sadd.s32 s25, s26  }
0xd6: {  	[hbm4b:s26+s2] =	stream.linear.scatter [tilespmem:s13], [sflag:$0x3], $0xDC00, $0x38;
	[tilespmem:$0x1CC00] =	vst v63  }
0xd7: {  	_ =	swait.ge [sflag:s12], $0xDC00  }
0xd8: {  	[sflag:s12] =	ssyncset.done $0x0  }
0xd9: {  	[sflag:s12] =	ssyncadd.s32 $0xFFFF2400  }
0xda: {  	v3 =	vld [tilespmem:s24+$0x18];
	_ =	sdelay $0x4  }
0xdb: {  	v61 =	vshrl.u32 v3, $0x3  }
0xdc: {  	v4 =	vmul.u32 $0x58, v61  }
0xdd: {  	v3 =	vand.u32 $0x7, v3  }
0xde: {  	v3 =	vor.u32 v3, v4  }
0xdf: {  	v4 =	vperm.xlane v3, v0;
	_ =	sdelay $0x1  }
0xe0: {  	v4 =	vadd.s32 v1, v4;
	_ =	sdelay $0x4  }
0xe1: {  	[tilespmem:s13], [sflag:$0x1] =	stream.indirect_vreg.gather [hbm4b:s3+s2], $0x80, v4, vm0, $0xb8;
	[tilespmem:$0x1CC00] =	vst v63  }
0xe2: {  	s28 =	simm.s32 $0x1C00  }
0xe3: {  	[tilespmem:s28], [sflag:$0x1] =	stream.indirect_vreg.gather [hbm4b:s5+s2], $0x80, v4, vm0, $0xb8;
	[tilespmem:$0x1CC00] =	vst v63  }
0xe4: {  	s26 =	simm.s32 $0x2400  }
0xe5: {  	[tilespmem:s26], [sflag:$0x1] =	stream.indirect_vreg.gather [hbm4b:s6+s2], $0x80, v4, vm0, $0xb8;
	[tilespmem:$0x1CC00] =	vst v63  }
0xe6: {  	v3 =	vperm.xlane v3, v2  }
0xe7: {  	[tilespmem:s30], [sflag:$0x1] =	stream.indirect_vreg.gather [hbm4b:s7+s2], $0x80, v4, vm0, $0xb8;
	[tilespmem:$0x1CC00] =	vst v63  }
0xe8: {  	v3 =	vadd.s32 v1, v3;
	s26 =	simm.s32 $0x3400  }
0xe9: {  	[tilespmem:s26], [sflag:$0x1] =	stream.indirect_vreg.gather [hbm4b:s8+s2], $0x80, v4, vm0, $0xb8;
	[tilespmem:$0x1CC00] =	vst v63  }
0xea: {  	s26 =	simm.s32 $0x3C00  }
0xeb: {  	[tilespmem:s26], [sflag:$0x1] =	stream.indirect_vreg.gather [hbm4b:s9+s2], $0x80, v4, vm1, $0xb8;
	[tilespmem:$0x1CC00] =	vst v63  }
0xec: {  	_ = 	snop  }
0xed: {  	[tilespmem:s0], [sflag:$0x1] =	stream.indirect_vreg.gather [hbm4b:s3+s2], $0x80, v3, vm0, $0xb8;
	[tilespmem:$0x1CC00] =	vst v63  }
0xee: {  	s26 =	simm.s32 $0x4800  }
0xef: {  	[tilespmem:s26], [sflag:$0x1] =	stream.indirect_vreg.gather [hbm4b:s5+s2], $0x80, v3, vm0, $0xb8;
	[tilespmem:$0x1CC00] =	vst v63  }
0xf0: {  	s26 =	simm.s32 $0x5000  }
0xf1: {  	[tilespmem:s26], [sflag:$0x1] =	stream.indirect_vreg.gather [hbm4b:s6+s2], $0x80, v3, vm0, $0xb8;
	[tilespmem:$0x1CC00] =	vst v63  }
0xf2: {  	_ = 	snop  }
0xf3: {  	[tilespmem:s11], [sflag:$0x1] =	stream.indirect_vreg.gather [hbm4b:s7+s2], $0x80, v3, vm0, $0xb8;
	[tilespmem:$0x1CC00] =	vst v63  }
0xf4: {  	_ = 	snop  }
0xf5: {  	[tilespmem:s14], [sflag:$0x1] =	stream.indirect_vreg.gather [hbm4b:s8+s2], $0x80, v3, vm0, $0xb8;
	[tilespmem:$0x1CC00] =	vst v63  }
0xf6: {  	_ = 	snop  }
0xf7: {  	[tilespmem:s15], [sflag:$0x1] =	stream.indirect_vreg.gather [hbm4b:s9+s2], $0x80, v3, vm1, $0xb8;
	[tilespmem:$0x1CC00] =	vst v63  }
0xf8: {  	v3 =	vld [tilespmem:s24+$0x28];
	_ =	sdelay $0x4  }
0xf9: {  	v62 =	vshrl.u32 v3, $0x3  }
0xfa: {  	v4 =	vmul.u32 $0x58, v62  }
0xfb: {  	v3 =	vand.u32 $0x7, v3  }
0xfc: {  	v3 =	vor.u32 v3, v4  }
0xfd: {  	v4 =	vperm.xlane v3, v0;
	_ =	sdelay $0x1  }
0xfe: {  	v4 =	vadd.s32 v1, v4;
	_ =	sdelay $0x4  }
0xff: {  	[tilespmem:s16], [sflag:$0x1] =	stream.indirect_vreg.gather [hbm4b:s3+s2], $0x80, v4, vm0, $0xb8;
	[tilespmem:$0x1CC00] =	vst v63  }
0x100: {  	_ = 	snop  }
0x101: {  	[tilespmem:s17], [sflag:$0x1] =	stream.indirect_vreg.gather [hbm4b:s5+s2], $0x80, v4, vm0, $0xb8;
	[tilespmem:$0x1CC00] =	vst v63  }
0x102: {  	_ = 	snop  }
0x103: {  	[tilespmem:s18], [sflag:$0x1] =	stream.indirect_vreg.gather [hbm4b:s6+s2], $0x80, v4, vm0, $0xb8;
	[tilespmem:$0x1CC00] =	vst v63  }
0x104: {  	v3 =	vperm.xlane v3, v2  }
0x105: {  	[tilespmem:s19], [sflag:$0x1] =	stream.indirect_vreg.gather [hbm4b:s7+s2], $0x80, v4, vm0, $0xb8;
	[tilespmem:$0x1CC00] =	vst v63  }
0x106: {  	v3 =	vadd.s32 v1, v3  }
0x107: {  	[tilespmem:s20], [sflag:$0x1] =	stream.indirect_vreg.gather [hbm4b:s8+s2], $0x80, v4, vm0, $0xb8;
	[tilespmem:$0x1CC00] =	vst v63  }
0x108: {  	_ = 	snop  }
0x109: {  	[tilespmem:s31], [sflag:$0x1] =	stream.indirect_vreg.gather [hbm4b:s9+s2], $0x80, v4, vm1, $0xb8;
	[tilespmem:$0x1CC00] =	vst v63  }
0x10a: {  	_ = 	snop  }
0x10b: {  	[tilespmem:s4], [sflag:$0x1] =	stream.indirect_vreg.gather [hbm4b:s3+s2], $0x80, v3, vm0, $0xb8;
	[tilespmem:$0x1CC00] =	vst v63  }
0x10c: {  	s26 =	simm.s32 $0xA000  }
0x10d: {  	[tilespmem:s26], [sflag:$0x1] =	stream.indirect_vreg.gather [hbm4b:s5+s2], $0x80, v3, vm0, $0xb8;
	[tilespmem:$0x1CC00] =	vst v63  }
0x10e: {  	s26 =	simm.s32 $0xA800  }
0x10f: {  	[tilespmem:s26], [sflag:$0x1] =	stream.indirect_vreg.gather [hbm4b:s6+s2], $0x80, v3, vm0, $0xb8;
	[tilespmem:$0x1CC00] =	vst v63  }
0x110: {  	s26 =	simm.s32 $0xB000  }
0x111: {  	[tilespmem:s26], [sflag:$0x1] =	stream.indirect_vreg.gather [hbm4b:s7+s2], $0x80, v3, vm0, $0xb8;
	[tilespmem:$0x1CC00] =	vst v63  }
0x112: {  	s26 =	simm.s32 $0xB800  }
0x113: {  	[tilespmem:s26], [sflag:$0x1] =	stream.indirect_vreg.gather [hbm4b:s8+s2], $0x80, v3, vm0, $0xb8;
	[tilespmem:$0x1CC00] =	vst v63  }
0x114: {  	s26 =	simm.s32 $0xC000  }
0x115: {  	[tilespmem:s26], [sflag:$0x1] =	stream.indirect_vreg.gather [hbm4b:s9+s2], $0x80, v3, vm1, $0xb8;
	[tilespmem:$0x1CC00] =	vst v63  }
0x116: {  	v3 =	vld.msk [tilespmem:s24+$0x38], $0xff;
	_ =	sdelay $0x4  }
0x117: {  	v63 =	vshrl.u32 v3, $0x3  }
0x118: {  	v4 =	vmul.u32 $0x58, v63  }
0x119: {  	v3 =	vand.u32 $0x7, v3  }
0x11a: {  	v3 =	vor.u32 v3, v4  }
0x11b: {  	v3 =	vperm.xlane v3, v0;
	_ =	sdelay $0x1  }
0x11c: {  	v3 =	vadd.s32 v1, v3;
	_ =	sdelay $0x3  }
0x11d: {  	s26 =	simm.s32 $0xC400  }
0x11e: {  	[tilespmem:s26], [sflag:$0x1] =	stream.indirect_vreg.gather [hbm4b:s3+s2], $0x80, v3, vm0, $0xb8;
	[tilespmem:$0x1CC00] =	vst v63  }
0x11f: {  	s26 =	simm.s32 $0xCC00  }
0x120: {  	[tilespmem:s26], [sflag:$0x1] =	stream.indirect_vreg.gather [hbm4b:s5+s2], $0x80, v3, vm0, $0xb8;
	[tilespmem:$0x1CC00] =	vst v63  }
0x121: {  	s26 =	simm.s32 $0xD400  }
0x122: {  	[tilespmem:s26], [sflag:$0x1] =	stream.indirect_vreg.gather [hbm4b:s6+s2], $0x80, v3, vm0, $0xb8;
	[tilespmem:$0x1CC00] =	vst v63  }
0x123: {  	_ = 	snop  }
0x124: {  	[tilespmem:s10], [sflag:$0x1] =	stream.indirect_vreg.gather [hbm4b:s7+s2], $0x80, v3, vm0, $0xb8;
	[tilespmem:$0x1CC00] =	vst v63  }
0x125: {  	_ = 	snop  }
0x126: {  	[tilespmem:s29], [sflag:$0x1] =	stream.indirect_vreg.gather [hbm4b:s8+s2], $0x80, v3, vm0, $0xb8;
	[tilespmem:$0x1CC00] =	vst v63  }
0x127: {  	_ = 	snop  }
0x128: {  	[tilespmem:s1], [sflag:$0x1] =	stream.indirect_vreg.gather [hbm4b:s9+s2], $0x80, v3, vm1, $0xb8;
	[tilespmem:$0x1CC00] =	vst v63  }
0x129: {  	_ =	swait.ge [sflag:s23], $0xDC00  }
0x12a: {  	p0 =	sne.s32 s25, $0xD1B00;
	s26 =	rddreg [dreg:$0x3];
	[sflag:s23] =	ssyncset.done $0x0  }
.Ltmp0:
0x12b: {  	[sflag:s23] =	ssyncadd.s32 $0xFFFF2400;
	s26 =	sadd.s32 s25, s26;
	(pc) =	sbr.rel @p0 .LBB2_2-.Ltmp0, $4  }
0x12c: {  	[hbm4b:s26+s2] =	stream.linear.scatter [tilespmem:s21], [sflag:$0x3], $0xDC00, $0x38;
	[tilespmem:$0x1CC00] =	vst v63  }
0x12d: {  	_ =	swait.ge [sflag:s12], $0xDC00  }
0x12e: {  	[sflag:s12] =	ssyncset.done $0x0  }
0x12f: {  	s24 =	sadd.s32 $0x50, s24;
	s25 =	sadd.s32 $0x3700, s25;
	[sflag:s12] =	ssyncadd.s32 $0xFFFF2400  }
0x130: {  	_ =	swait.ge [sflag:s22], $0xDC00  }
0x131: {  	s24 =	sld [smem:$0x7F9]  }
0x132: {  	[sflag:s22] =	ssyncset.done $0x0  }
0x133: {  	[sflag:s22] =	ssyncadd.s32 $0xFFFF2400  }
0x134: {  	[hbm4b:s24+s2] =	stream.linear.scatter [tilespmem:s13], [sflag:$0x3], $0xDC00, $0x38;
	[tilespmem:$0x1CC00] =	vst v63  }
0x135: {  	_ =	swait.ge [sflag:s12], $0xDC00  }
0x136: {  	s0 =	sld [smem:$0x7FD]  }
0x137: {  	s26 =	sld [smem:$0x7FA]  }
0x138: {  	s25 =	simm.s32 $0x2400;
	s29 =	simm.s32 $0x3400  }
0x139: {  	s1 =	simm.s32 $0x3C00;
	s30 =	simm.s32 $0x4000;
	s0 =	sadd.s32 $0x1, s0  }
0x13a: {  	s4 =	simm.s32 $0x4800;
	s10 =	simm.s32 $0x5000;
	p0 =	sne.s32 s0, s26  }
.Ltmp1:
0x13b: {  	s11 =	simm.s32 $0x5800;
	s14 =	simm.s32 $0x6000;
	(pc) =	sbr.rel @p0 .LBB2_1-.Ltmp1, $4  }
0x13c: {  	s15 =	simm.s32 $0x6800;
	s16 =	simm.s32 $0x7400;
	s17 =	simm.s32 $0x7C00  }
0x13d: {  	s18 =	simm.s32 $0x8400;
	s19 =	simm.s32 $0x8C00;
	[sflag:s12] =	ssyncset.done $0x0  }
0x13e: {  	s20 =	simm.s32 $0x9400;
	s31 =	simm.s32 $0x9800;
	[sflag:s12] =	ssyncadd.s32 $0xFFFF2400  }
0x13f: {  	[smem:$0x7FD] =	sst s0;
	s26 =	simm.s32 $0x2C00;
	s0 =	simm.s32 $0x6C00  }
0x140: {  	_ =	sfence.sel $0x180000  }
0x141: {  	[bflag:$0x0] =	sbarrier.arrive $0xFFFF  }
0x142: {  	_ =	strace $0x9000004A  }
0x143: {  	s0 =	stileid.u32;
	[bflag:$0x2] =	sbarrier.arrive $0xFFFF  }
0x144: {  	p0 =	sne.s32 s0, $0x0;
	s0 =	rddreg [dreg:$0x2]  }
0x145: {  	s0 =	sadd.s32 @!p0 $0x100000, s0  }
0x146: {  	[sflag:s0] =	ssyncadd.tile.s32 @!p0 $0x1;
	_ =	shalt  }
.Lfunc_end2:
_tile_overlayer_lowered:
.L_overlay_start_2:
0x147: {  	(tag) =	ssettag $0x2  }
0x148: {  	s0 =	rddreg [dreg:$0x0];
	s2 =	stileid.u32  }
0x149: {  	s1 =	rddreg [dreg:$0x1];
	p0 =	sne.s32 s2, $0x0  }
0x14a: {  	s3 =	rddreg [dreg:$0x2];
	[bflag:$0x3] =	sbarrier.arrive $0xFFFF;
	s2 =	simm.s32 @!p0 $0x1C03  }
0x14b: {  	[timem:s3], [sflag:s2] =	dma.local @!p0 [hbm:s0], s1  }
0x14c: {  	s0 =	simm.s32 @!p0 $0x3  }
0x14d: {  	_ =	swait.ge @!p0 [sflag:s0], s1  }
0x14e: {  	s1 =	ssub.s32 @!p0 $0x0, s1;
	[sflag:s0] =	ssyncset.done @!p0 $0x0  }
0x14f: {  	[sflag:s0] =	ssyncadd.s32 @!p0 s1  }
0x150: {  	[bflag:$0x3] =	sbarrier.arrive $0xFFFF  }
0x151: {  	_ =	shalt  }

// kernel: kernel.13.cloned.1.call-start
scs
__scs_entry_jumppad:
0x0: {  	(pc) =	sbr.rel $0x88, $3  }
0x1: {  	(tag) =	ssettag $0x0;
	lr =	simm.s32 $0x1  }
0x2: {  	[smem:$0x3F92] =	sst lr;
	_ =	strace $0xD0000000  }
0x3: {  	_ = 	snop  }
0x4: {  	_ = 	snop  }
0x5: {  	_ = 	snop  }
0x6: {  	_ = 	snop  }
0x7: {  	_ = 	snop  }
__scs_overlays_trampoline_lowered:
0x8: {  	[smem:$0x3FA1] =	sst s0  }
0x9: {  	[smem:$0x3FA2] =	sst s1  }
0xa: {  	[smem:$0x3FA3] =	sst s2  }
0xb: {  	[smem:$0x3FA4] =	sst s3  }
0xc: {  	[smem:$0x3FA5] =	sst s4  }
0xd: {  	[smem:$0x3FA6] =	sst s5  }
0xe: {  	[smem:$0x3FA7] =	sst s6  }
0xf: {  	[smem:$0x3FA8] =	sst s7  }
0x10: {  	[smem:$0x3FA9] =	sst s8  }
0x11: {  	[smem:$0x3FAA] =	sst s9;
	s0 =	simm.s32 @!p0 $0x0  }
0x12: {  	s1 =	sld [smem:$0x3F90];
	s0 =	simm.s32 @p0 $0x1  }
0x13: {  	[smem:$0x3FAB] =	sst s0;
	s0 =	simm.s32 @!p1 $0x0  }
0x14: {  	s2 =	sld [smem:$0x3F8F];
	s0 =	simm.s32 @p1 $0x1  }
0x15: {  	[smem:$0x3FAC] =	sst s0;
	s0 =	simm.s32 @!p2 $0x0  }
0x16: {  	s3 =	sld [smem:$0x3FDB];
	s0 =	simm.s32 @p2 $0x1  }
0x17: {  	s4 =	simm.s32 $0x1BF5;
	[smem:$0x3FAE] =	sst s0  }
0x18: {  	s0 =	sld [smem:$0x3F91];
	_ =	swait.ge [sflag:s4], $0x0  }
0x19: {  	s7 =	sld [smem:$0x3F92]  }
0x1a: {  	s8 =	sadd.s32 $0xFFFFE003, lr  }
0x1b: {  	s9 =	sadd.s32 $0xFFFFFEF7, lr;
	s5 =	simm.s32 $0xFFFFFFFF;
	p2 =	slt.u32 s8, $0xFFFFF086  }
0x1c: {  	p1 =	slt.u32 s9, $0xF7A;
	s5 =	simm.s32 @!p2 $0x0  }
0x1d: {  	s5 =	simm.s32 @p1 $0x1;
	p0 =	seq.s32 s7, s2  }
0x1e: {  	s7 =	smul.u32 @!p0 $0xF7A, s2;
	p2 =	seq.s32 @!p0 s5, $0x0  }
0x1f: {  	s9 =	smul.u32 $0xF7A, s1;
	s8 =	simm.s32 @!p0 $0x1BF5;
	p2 =	por !p2, p0  }
0x20: {  	[sflag:s8] =	ssyncset.s32 @!p0 $0xFFFFF086;
	s6 =	sadd.s32 @!p0 s3, s7;
	s7 =	simm.s32 @!p0 $0x108  }
0x21: {  	s3 =	sadd.s32 s3, s9;
	s6 =	sadd.s32 @!p0 $0x88, s6;
	s7 =	simm.s32 @p2 $0x1082  }
0x22: {  	[simem:s7], [sflag:s8] =	dma.local @!p0 [hbm:s6], $0xF7A  }
0x23: {  	s9 =	sor.u32 $0xD0000000, s2;
	s6 =	simm.s32 $0x108;
	_ =	swait.ge @!p0 [sflag:s8], $0x0  }
0x24: {  	s3 =	sadd.s32 $0x88, s3;
	s6 =	simm.s32 @!p1 $0x1082;
	[sflag:s4] =	ssyncset.s32 $0xFFFFF086  }
0x25: {  	[simem:s6], [sflag:s4] =	dma.local [hbm:s3], $0xF7A  }
0x26: {  	[smem:$0x3F92] =	sst s1;
	(tag) =	ssettag s2;
	_ =	strace s9  }
0x27: {  	s1 =	sld [smem:$0x3FA2]  }
0x28: {  	s2 =	sld [smem:$0x3FA3]  }
0x29: {  	s4 =	sld [smem:$0x3FA5]  }
0x2a: {  	p0 =	seq.s32 s5, $0x0;
	s5 =	sld [smem:$0x3FA6]  }
0x2b: {  	s6 =	sld [smem:$0x3FA7]  }
0x2c: {  	s7 =	sld [smem:$0x3FA8]  }
0x2d: {  	s3 =	simm.s32 $0x108;
	s8 =	sld [smem:$0x3FA9]  }
0x2e: {  	s3 =	simm.s32 @!p0 $0x1082;
	s9 =	sld [smem:$0x3FAA]  }
0x2f: {  	lr =	sadd.s32 s0, s3;
	s0 =	sld [smem:$0x3FA1]  }
0x30: {  	s3 =	sld [smem:$0x3FA4]  }
0x31: {  	[smem:$0x3FAD] =	sst s10  }
0x32: {  	s10 =	sld [smem:$0x3FAB];
	_ =	sdelay $0x3  }
0x33: {  	p0 =	seq.s32 s10, $0x1;
	s10 =	sld [smem:$0x3FAD];
	_ =	sdelay $0x3  }
0x34: {  	[smem:$0x3FAD] =	sst s10  }
0x35: {  	s10 =	sld [smem:$0x3FAC];
	_ =	sdelay $0x3  }
0x36: {  	p1 =	seq.s32 s10, $0x1;
	s10 =	sld [smem:$0x3FAD];
	_ =	sdelay $0x3  }
0x37: {  	[smem:$0x3FAD] =	sst s10  }
0x38: {  	s10 =	sld [smem:$0x3FAE]  }
0x39: {  	_ = 	snop;
	(pc) =	sbr.ind lr, $3  }
0x3a: {  	_ = 	snop  }
0x3b: {  	_ = 	snop  }
0x3c: {  	p2 =	seq.s32 s10, $0x1;
	s10 =	sld [smem:$0x3FAD]  }
0x3d: {  	_ =	shalt  }
0x3e: {  	_ =	shalt  }
0x3f: {  	_ =	shalt  }
0x40: {  	_ =	shalt  }
0x41: {  	_ =	shalt  }
0x42: {  	_ =	shalt  }
0x43: {  	_ =	shalt  }
0x44: {  	_ =	shalt  }
0x45: {  	_ =	shalt  }
0x46: {  	_ =	shalt  }
0x47: {  	_ =	shalt  }
0x48: {  	_ =	shalt  }
0x49: {  	_ =	shalt  }
0x4a: {  	_ =	shalt  }
0x4b: {  	_ =	shalt  }
0x4c: {  	_ =	shalt  }
0x4d: {  	_ =	shalt  }
0x4e: {  	_ =	shalt  }
0x4f: {  	_ =	shalt  }
0x50: {  	_ =	shalt  }
0x51: {  	_ =	shalt  }
0x52: {  	_ =	shalt  }
0x53: {  	_ =	shalt  }
0x54: {  	_ =	shalt  }
0x55: {  	_ =	shalt  }
0x56: {  	_ =	shalt  }
0x57: {  	_ =	shalt  }
0x58: {  	_ =	shalt  }
0x59: {  	_ =	shalt  }
0x5a: {  	_ =	shalt  }
0x5b: {  	_ =	shalt  }
0x5c: {  	_ =	shalt  }
0x5d: {  	_ =	shalt  }
0x5e: {  	_ =	shalt  }
0x5f: {  	_ =	shalt  }
0x60: {  	_ =	shalt  }
0x61: {  	_ =	shalt  }
0x62: {  	_ =	shalt  }
0x63: {  	_ =	shalt  }
0x64: {  	_ =	shalt  }
0x65: {  	_ =	shalt  }
0x66: {  	_ =	shalt  }
0x67: {  	_ =	shalt  }
0x68: {  	_ =	shalt  }
0x69: {  	_ =	shalt  }
0x6a: {  	_ =	shalt  }
0x6b: {  	_ =	shalt  }
0x6c: {  	_ =	shalt  }
0x6d: {  	_ =	shalt  }
0x6e: {  	_ =	shalt  }
0x6f: {  	_ =	shalt  }
0x70: {  	_ =	shalt  }
0x71: {  	_ =	shalt  }
0x72: {  	_ =	shalt  }
0x73: {  	_ =	shalt  }
0x74: {  	_ =	shalt  }
0x75: {  	_ =	shalt  }
0x76: {  	_ =	shalt  }
0x77: {  	_ =	shalt  }
0x78: {  	_ =	shalt  }
0x79: {  	_ =	shalt  }
0x7a: {  	_ =	shalt  }
0x7b: {  	_ =	shalt  }
0x7c: {  	_ =	shalt  }
0x7d: {  	_ =	shalt  }
0x7e: {  	_ =	shalt  }
0x7f: {  	_ =	shalt  }
0x80: {  	_ =	shalt  }
0x81: {  	_ =	shalt  }
0x82: {  	_ =	shalt  }
0x83: {  	_ =	shalt  }
0x84: {  	_ =	shalt  }
0x85: {  	_ =	shalt  }
0x86: {  	_ =	shalt  }
0x87: {  	_ =	shalt  }
.Lfunc_end0:
.L_simem_size_0:
called_computation.2_lowered:
.L_overlay_start_0:
0x88: {  	s2 =	sld [smem:$0x3FD9]  }
0x89: {  	s3 =	sld [smem:$0x3FFE];
	_ =	sdelay $0x1  }
0x8a: {  	s1 =	srdreg.scid  }
0x8b: {  	s0 =	sand.u32 $0x1, s1  }
0x8c: {  	s14 =	sshll.u32 s0, $0xA;
	s2 =	sadd.s32 s3, s2  }
0x8d: {  	s2 =	sadd.s32 s2, s14  }
0x8e: {  	[smem:$0x3FB9] =	sst s2  }
0x8f: {  	_ = 	snop  }
0x90: {  	s2 =	sld [smem:$0x3FD0];
	_ =	sdelay $0x2  }
0x91: {  	s15 =	simm.s32 $0xB;
	s4 =	simm.s32 $0x10  }
0x92: {  	[smem:s4], [sflag:s15] =	dma.local [hbm:s2], $0x1  }
0x93: {  	_ =	swait.eq [sflag:s15], $0x1  }
0x94: {  	[sflag:s15] =	ssyncset.done $0x0  }
0x95: {  	[sflag:s15] =	ssyncadd.s32 $0xFFFFFFFF  }
0x96: {  	s16 =	sld [smem:$0x11];
	(tm) =	ssettm $0x1  }
0x97: {  	s17 =	sld [smem:$0x3FFB];
	_ =	sdelay $0x3  }
0x98: {  	_ =	strace s17  }
0x99: {  	s3 =	sld [smem:$0x3FFC];
	_ =	sdelay $0x3  }
0x9a: {  	_ =	strace s3  }
0x9b: {  	s3 =	sld [smem:$0x3FFD];
	_ =	sdelay $0x3  }
0x9c: {  	_ =	strace s3  }
0x9d: {  	_ =	strace $0x8FFFFFFF  }
0x9e: {  	s18 =	sld [smem:$0x3FDB];
	_ =	sdelay $0x1  }
0x9f: {  	s19 =	simm.s32 $_scs_section_size  }
0xa0: {  	s5 =	simm.s32 $_size__tile_overlayer_lowered;
	s6 =	simm.s32 $_tile_overlayer_lowered  }
0xa1: {  	s22 =	simm.s32 $0x1BFF;
	s21 =	sshll.u32 s6, $0x1;
	s3 =	sadd.s32 s19, s18  }
0xa2: {  	s7 =	simm.s32 $0x0;
	s20 =	sshll.u32 s5, $0x1;
	s5 =	sadd.s32 s21, s3  }
0xa3: {  	[timem:s7], [sflag:s22] =	dma.local [hbm:s5], s20  }
0xa4: {  	_ =	swait.ge [sflag:s22], s20  }
0xa5: {  	s4 =	ssub.s32 $0x0, s20;
	[sflag:s22] =	ssyncset.done $0x0  }
0xa6: {  	[sflag:s22] =	ssyncadd.s32 s4;
	_ =	sdelay $0x1  }
0xa7: {  	s23 =	simm.s32 $0x1B8B  }
0xa8: {  	_ =	swait.ge [sflag:s23], $0x1  }
0xa9: {  	[sflag:s23] =	ssyncset.done $0x0  }
0xaa: {  	s25 =	simm.s32 $0x1B8E;
	s24 =	sld [smem:$0x3FFE];
	[sflag:s23] =	ssyncadd.s32 $0xFFFFFFFF  }
0xab: {  	s26 =	simm.s32 $execute0_lowered;
	[smem:$0x3FD2] =	sst s25  }
0xac: {  	s5 =	sshll.u32 s26, $0x1;
	_ =	strace $0x8000004C;
	[dreg:$0x1] =	wrdreg $0xFFFFFFFF  }
0xad: {  	s28 =	simm.s32 $_size_execute0_lowered;
	s3 =	sadd.s32 s3, s5;
	[dreg:$0x0] =	wrdreg $0x0  }
0xae: {  	s5 =	sshll.u32 s28, $0x1;
	[dreg:$0x2] =	wrdreg s3  }
0xaf: {  	[dreg:$0x3] =	wrdreg s5  }
0xb0: {  	[dreg:$0x4] =	wrdreg $0xC0  }
0xb1: {  	_ =	task [dreg:s7], $0x5FFFF  }
0xb2: {  	[dreg:$0x1] =	wrdreg $0xFFFFFFFF  }
0xb3: {  	[dreg:$0x0] =	wrdreg $0x60  }
0xb4: {  	[dreg:$0x2] =	wrdreg s24  }
0xb5: {  	[dreg:$0x3] =	wrdreg s16  }
0xb6: {  	[dreg:$0x4] =	wrdreg $0x0  }
0xb7: {  	[dreg:$0x5] =	wrdreg $0x9  }
0xb8: {  	_ =	task.clear_ibuf [dreg:s7], $0x6FFFF;
	_ =	strace $0x9000004C  }
0xb9: {  	s29 =	simm.s32 $0x9;
	_ =	strace $0x8000004E  }
0xba: {  	_ =	swait.ge [sflag:s29], $0x1  }
0xbb: {  	[sflag:s29] =	ssyncadd.s32 $0xFFFFFFFF  }
0xbc: {  	_ =	strace $0x9000004E  }
0xbd: {  	_ =	sfence  }
0xbe: {  	s30 =	sld [smem:$0x0];
	_ =	sdelay $0x2  }
0xbf: {  	s31 =	sshll.u32 s1, $0xD;
	s1 =	sshrl.u32 s1, $0x2  }
0xc0: {  	s3 =	sand.u32 $0x4000, s31;
	s1 =	sadd.s32 s1, s30  }
0xc1: {  	s0 =	sor.u32 s3, s0;
	s1 =	sshll.u32 s1, $0x11  }
0xc2: {  	s0 =	sor.u32 s1, s0  }
0xc3: {  	s0 =	sadd.s32 $0x8F2B, s0  }
0xc4: {  	[sflag:s0] =	ssyncadd.remote.s32 $0x1  }
0xc5: {  	_ =	sfence.sel $0xFFFF  }
0xc6: {  	[dreg:$0x0] =	wrdreg $0xFFFFFFFF;
	(pc) =	sbr.abs _section_cstart, $3  }
0xc7: {  	[dreg:$0x1] =	wrdreg $0xFFFFFFFF  }
0xc8: {  	_ =	task.clear_ibuf [dreg:s7], $0x2FFFF;
	_ =	strace $0x9FFFFFFF  }
0xc9: {  	(tm) =	ssettm $0x7FFFFFFF  }
tec
execute0_lowered:
.L_overlay_start_1:
0x0: {  	(tag) =	ssettag $0x1  }
0x1: {  	s20 =	stileid.u32  }
0x2: {  	s1 =	srdreg.scid;
	s0 =	rddreg [dreg:$0x0]  }
0x3: {  	s9 =	rddreg [dreg:$0x1];
	s8 =	smul.u32 $0x280, s20  }
0x4: {  	s29 =	rddreg [dreg:$0x2];
	s4 =	smul.u32 $0x2710, s20  }
0x5: {  	s31 =	simm.s32 $0x14080;
	s2 =	sand.u32 $0x1, s1;
	s7 =	smul.u32 $0x138800, s20  }
0x6: {  	s1 =	simm.s32 $0x0;
	s16 =	smul.u32 $0x2800, s20;
	s30 =	sadd.s32 $0x2961800, s0  }
0x7: {  	s5 =	smul.u32 $0x2710000, s2;
	[smem:$0x7FF] =	sst s1;
	s3 =	ssub.s32 $0x2, s2  }
0x8: {  	s11 =	smul.u32 $0x280000, s2;
	s10 =	sshllo.u32 s2, $0x1;
	s6 =	sshrl.u32 s3, $0x1  }
0x9: {  	s15 =	smul.u32 $0x1388000, s10;
	s12 =	sor.u32 $0x50, s8;
	s28 =	sadd.s32 s9, s16  }
0xa: {  	s19 =	sadd.s32 $0xA0, s8;
	s13 =	sadd.s32 $0xF0, s8;
	s23 =	sadd.s32 $0x140, s8  }
0xb: {  	s25 =	sadd.s32 $0x1E0, s8;
	s26 =	sadd.s32 $0x230, s8;
	s3 =	ssub.s32 s3, s6  }
0xc: {  	s6 =	sshrl.u32 s4, $0x3;
	s2 =	sadd.s32 s7, s5;
	s17 =	sshll.u32 s12, $0x4  }
0xd: {  	s5 =	sshll.u32 s12, $0x7;
	s21 =	sshll.u32 s19, $0x4;
	s22 =	sshll.u32 s13, $0x4  }
0xe: {  	s13 =	sshll.u32 s13, $0x7;
	s14 =	sshll.u32 s23, $0x4;
	s4 =	sadd.s32 s7, s15  }
0xf: {  	s7 =	smul.u32 $0x140000, s10;
	s18 =	sadd.s32 s9, s17;
	s12 =	sadd.s32 s9, s21  }
0x10: {  	s10 =	sshll.u32 s19, $0x7;
	s15 =	sadd.s32 $0x190, s8;
	s14 =	sadd.s32 s9, s14  }
0x11: {  	s19 =	sshll.u32 s25, $0x4;
	s17 =	sshll.u32 s26, $0x4;
	[dreg:$0x4] =	wrdreg s18  }
0x12: {  	[dreg:$0x5] =	wrdreg s12;
	s12 =	sadd.s32 s9, s22;
	s16 =	sshll.u32 s15, $0x4  }
0x13: {  	[dreg:$0x7] =	wrdreg s14;
	s14 =	sshll.u32 s23, $0x7;
	s18 =	smul.u32 $0x14000, s20  }
0x14: {  	s15 =	sshll.u32 s15, $0x7;
	s8 =	sadd.s32 s9, s19;
	s21 =	sadd.s32 s9, s17  }
0x15: {  	s17 =	sshll.u32 s26, $0x7;
	s23 =	sadd.s32 s11, s5;
	[dreg:$0x6] =	wrdreg s12  }
0x16: {  	s19 =	sadd.s32 s11, s10;
	s24 =	sadd.s32 s9, s16;
	[dreg:$0x9] =	wrdreg s8  }
0x17: {  	[dreg:$0xa] =	wrdreg s21;
	s8 =	sshll.u32 s25, $0x7;
	s12 =	sadd.s32 $0x7800, s0  }
0x18: {  	s25 =	sshrl.u32 s19, $0x3;
	s16 =	sadd.s32 s11, s13;
	s19 =	sadd.s32 s11, s14  }
0x19: {  	s21 =	sadd.s32 s11, s15;
	[dreg:$0x8] =	wrdreg s24;
	s22 =	sadd.s32 s11, s18  }
0x1a: {  	s24 =	sshrl.u32 s23, $0x3;
	s26 =	sadd.s32 s12, s25;
	s23 =	sshrl.u32 s21, $0x3  }
0x1b: {  	s25 =	sadd.s32 s11, s8;
	s11 =	sadd.s32 s11, s17;
	s9 =	sshrl.u32 s22, $0x3  }
0x1c: {  	[dreg:$0xd] =	wrdreg s26;
	s22 =	sshrl.u32 s19, $0x3;
	s26 =	sadd.s32 s7, s18  }
0x1d: {  	s18 =	sshrl.u32 s11, $0x3;
	s9 =	sadd.s32 s12, s9;
	s19 =	sshrl.u32 s26, $0x3  }
0x1e: {  	[dreg:$0xb] =	wrdreg s9;
	s9 =	sadd.s32 s12, s24;
	s24 =	sadd.s32 s12, s23  }
0x1f: {  	s21 =	sadd.s32 s12, s19;
	s23 =	sadd.s32 s7, s10;
	[dreg:$0xc] =	wrdreg s9  }
0x20: {  	s19 =	sadd.s32 s7, s15;
	s15 =	sadd.s32 s15, s29;
	[dreg:$0x10] =	wrdreg s24  }
0x21: {  	s9 =	sshrl.u32 s16, $0x3;
	[dreg:$0x13] =	wrdreg s21;
	s24 =	sadd.s32 s7, s13  }
0x22: {  	s21 =	sadd.s32 s7, s8;
	s13 =	sadd.s32 s13, s29;
	s9 =	sadd.s32 s12, s9  }
0x23: {  	s26 =	sshrl.u32 s24, $0x3;
	[dreg:$0xe] =	wrdreg s9;
	s9 =	sadd.s32 s12, s22  }
0x24: {  	s22 =	sadd.s32 s7, s5;
	s16 =	sadd.s32 s12, s26;
	s26 =	smul.u32 $0x4E2, s20  }
0x25: {  	[dreg:$0xf] =	wrdreg s9;
	s9 =	sshrl.u32 s25, $0x3;
	s25 =	sshrl.u32 s23, $0x3  }
0x26: {  	[dreg:$0x16] =	wrdreg s16;
	s23 =	sshrl.u32 s21, $0x3;
	s21 =	sshrl.u32 s4, $0x3  }
0x27: {  	s16 =	sadd.s32 s8, s29;
	s9 =	sadd.s32 s12, s9;
	s24 =	sadd.s32 s12, s23  }
0x28: {  	s23 =	smax.u32 s3, $0x1;
	[dreg:$0x11] =	wrdreg s9;
	s9 =	sadd.s32 s12, s18  }
0x29: {  	s18 =	sadd.s32 s7, s14;
	[dreg:$0x19] =	wrdreg s24;
	s7 =	sadd.s32 s7, s17  }
0x2a: {  	s14 =	sadd.s32 s14, s29;
	[dreg:$0x12] =	wrdreg s9;
	s9 =	sshrl.u32 s22, $0x3  }
0x2b: {  	s17 =	sadd.s32 s17, s29;
	s7 =	sshrl.u32 s7, $0x3;
	s9 =	sadd.s32 s12, s9  }
0x2c: {  	s24 =	sadd.s32 $0x5000, s2;
	s7 =	sadd.s32 s12, s7;
	[dreg:$0x14] =	wrdreg s9  }
0x2d: {  	s22 =	sshrl.u32 s19, $0x3;
	s9 =	sadd.s32 s12, s25;
	[dreg:$0x1a] =	wrdreg s7  }
0x2e: {  	s25 =	sadd.s32 $0x2800, s0;
	[dreg:$0x15] =	wrdreg s9;
	s9 =	sshrl.u32 s18, $0x3  }
0x2f: {  	s19 =	sadd.s32 s25, s6;
	s11 =	sadd.s32 s26, s25;
	s18 =	smul.u32 $0x50000, s20  }
0x30: {  	s20 =	sshrl.u32 s2, $0x3;
	s25 =	sadd.s32 $0x2800, s2;
	s26 =	sadd.s32 $0x138D000, s2  }
0x31: {  	s2 =	sadd.s32 $0x138A800, s2;
	s9 =	sadd.s32 s12, s9;
	s0 =	sadd.s32 s30, s20  }
0x32: {  	s3 =	sshrl.u32 s25, $0x3;
	s4 =	sshrl.u32 s26, $0x3;
	s2 =	sshrl.u32 s2, $0x3  }
0x33: {  	s26 =	simm.s32 $0x14000;
	s25 =	simm.s32 $0x16900;
	[dreg:$0x17] =	wrdreg s9  }
0x34: {  	s9 =	sadd.s32 s12, s22;
	s22 =	sshrl.u32 s18, $0x2;
	s12 =	sadd.s32 s10, s29  }
0x35: {  	s18 =	sadd.s32 $0x14, s11;
	s20 =	sadd.s32 s3, s30;
	[dreg:$0x18] =	wrdreg s9  }
0x36: {  	s10 =	simm.s32 $0x1;
	_ =	strace $0x8000004D;
	[dreg:$0x1b] =	wrdreg s0  }
0x37: {  	s3 =	simm.s32 $0x2;
	s7 =	sadd.s32 s22, s29;
	[dreg:$0x1e] =	wrdreg s23  }
0x38: {  	s9 =	sadd.s32 s5, s29;
	s22 =	sadd.s32 s2, s30;
	[smem:$0x7FD] =	sst s24  }
0x39: {  	s2 =	simm.s32 $0x50;
	s0 =	sadd.s32 s30, s21;
	[dreg:$0x1d] =	wrdreg s7  }
0x3a: {  	s21 =	sadd.s32 s4, s30;
	s23 =	simm.s32 $0x14100;
	[dreg:$0x1f] =	wrdreg s9  }
0x3b: {  	s24 =	simm.s32 $0x3;
	s4 =	simm.s32 $0x0;
	[dreg:$0x1c] =	wrdreg s0  }
.LBB2_1:
0x3c: {  	[tilespmem:s23], [sflag:$0x3] =	stream.linear.gather [hbm4b:s28+s1], $0x2800, $0x38;
	[tilespmem:$0x19100] =	vst v63  }
0x3d: {  	_ =	swait.ge [sflag:s24], $0x2800  }
0x3e: {  	[sflag:s24] =	ssyncset.done $0x0  }
0x3f: {  	[sflag:s24] =	ssyncadd.s32 $0xFFFFD800  }
0x40: {  	[spmem:s7] =	stream.linear.scatter [tilespmem:s23], [sflag:$0x3], $0x2800, $0x38;
	[tilespmem:$0x19100] =	vst v63  }
0x41: {  	_ =	swait.ge [sflag:s24], $0x2800  }
0x42: {  	[sflag:s24] =	ssyncset.done $0x0  }
0x43: {  	s5 =	rddreg [dreg:$0x4];
	[sflag:s24] =	ssyncadd.s32 $0xFFFFD800  }
0x44: {  	[tilespmem:s23], [sflag:$0x3] =	stream.linear.gather [hbm4b:s5+s1], $0x2800, $0x38;
	[tilespmem:$0x19100] =	vst v63  }
0x45: {  	_ =	swait.ge [sflag:s24], $0x2800  }
0x46: {  	[sflag:s24] =	ssyncset.done $0x0  }
0x47: {  	[sflag:s24] =	ssyncadd.s32 $0xFFFFD800  }
0x48: {  	[spmem:s9] =	stream.linear.scatter [tilespmem:s23], [sflag:$0x3], $0x2800, $0x38;
	[tilespmem:$0x19100] =	vst v63  }
0x49: {  	_ =	swait.ge [sflag:s24], $0x2800  }
0x4a: {  	[sflag:s24] =	ssyncset.done $0x0  }
0x4b: {  	s0 =	smov.u32 s28;
	s28 =	rddreg [dreg:$0x5];
	[sflag:s24] =	ssyncadd.s32 $0xFFFFD800  }
0x4c: {  	[tilespmem:s23], [sflag:$0x3] =	stream.linear.gather [hbm4b:s28+s1], $0x2800, $0x38;
	[tilespmem:$0x19100] =	vst v63  }
0x4d: {  	_ =	swait.ge [sflag:s24], $0x2800  }
0x4e: {  	[sflag:s24] =	ssyncset.done $0x0  }
0x4f: {  	[sflag:s24] =	ssyncadd.s32 $0xFFFFD800  }
0x50: {  	[spmem:s12] =	stream.linear.scatter [tilespmem:s23], [sflag:$0x3], $0x2800, $0x38;
	[tilespmem:$0x19100] =	vst v63  }
0x51: {  	_ =	swait.ge [sflag:s24], $0x2800  }
0x52: {  	[sflag:s24] =	ssyncset.done $0x0  }
0x53: {  	s6 =	rddreg [dreg:$0x6];
	[sflag:s24] =	ssyncadd.s32 $0xFFFFD800  }
0x54: {  	[tilespmem:s23], [sflag:$0x3] =	stream.linear.gather [hbm4b:s6+s1], $0x2800, $0x38;
	[tilespmem:$0x19100] =	vst v63  }
0x55: {  	_ =	swait.ge [sflag:s24], $0x2800  }
0x56: {  	[sflag:s24] =	ssyncset.done $0x0  }
0x57: {  	[sflag:s24] =	ssyncadd.s32 $0xFFFFD800  }
0x58: {  	[spmem:s13] =	stream.linear.scatter [tilespmem:s23], [sflag:$0x3], $0x2800, $0x38;
	[tilespmem:$0x19100] =	vst v63  }
0x59: {  	_ =	swait.ge [sflag:s24], $0x2800  }
0x5a: {  	[sflag:s24] =	ssyncset.done $0x0  }
0x5b: {  	s7 =	rddreg [dreg:$0x7];
	[sflag:s24] =	ssyncadd.s32 $0xFFFFD800  }
0x5c: {  	[tilespmem:s23], [sflag:$0x3] =	stream.linear.gather [hbm4b:s7+s1], $0x2800, $0x38;
	[tilespmem:$0x19100] =	vst v63  }
0x5d: {  	_ =	swait.ge [sflag:s24], $0x2800  }
0x5e: {  	[sflag:s24] =	ssyncset.done $0x0  }
0x5f: {  	[sflag:s24] =	ssyncadd.s32 $0xFFFFD800  }
0x60: {  	[spmem:s14] =	stream.linear.scatter [tilespmem:s23], [sflag:$0x3], $0x2800, $0x38;
	[tilespmem:$0x19100] =	vst v63  }
0x61: {  	_ =	swait.ge [sflag:s24], $0x2800  }
0x62: {  	[sflag:s24] =	ssyncset.done $0x0  }
0x63: {  	s8 =	rddreg [dreg:$0x8];
	[sflag:s24] =	ssyncadd.s32 $0xFFFFD800  }
0x64: {  	[tilespmem:s23], [sflag:$0x3] =	stream.linear.gather [hbm4b:s8+s1], $0x2800, $0x38;
	[tilespmem:$0x19100] =	vst v63  }
0x65: {  	_ =	swait.ge [sflag:s24], $0x2800  }
0x66: {  	[sflag:s24] =	ssyncset.done $0x0  }
0x67: {  	[sflag:s24] =	ssyncadd.s32 $0xFFFFD800  }
0x68: {  	[spmem:s15] =	stream.linear.scatter [tilespmem:s23], [sflag:$0x3], $0x2800, $0x38;
	[tilespmem:$0x19100] =	vst v63  }
0x69: {  	_ =	swait.ge [sflag:s24], $0x2800  }
0x6a: {  	[sflag:s24] =	ssyncset.done $0x0  }
0x6b: {  	s9 =	rddreg [dreg:$0x9];
	[sflag:s24] =	ssyncadd.s32 $0xFFFFD800  }
0x6c: {  	[tilespmem:s23], [sflag:$0x3] =	stream.linear.gather [hbm4b:s9+s1], $0x2800, $0x38;
	[tilespmem:$0x19100] =	vst v63  }
0x6d: {  	_ =	swait.ge [sflag:s24], $0x2800  }
0x6e: {  	[sflag:s24] =	ssyncset.done $0x0  }
0x6f: {  	[sflag:s24] =	ssyncadd.s32 $0xFFFFD800  }
0x70: {  	[spmem:s16] =	stream.linear.scatter [tilespmem:s23], [sflag:$0x3], $0x2800, $0x38;
	[tilespmem:$0x19100] =	vst v63  }
0x71: {  	_ =	swait.ge [sflag:s24], $0x2800  }
0x72: {  	[sflag:s24] =	ssyncset.done $0x0  }
0x73: {  	s11 =	rddreg [dreg:$0xa];
	[sflag:s24] =	ssyncadd.s32 $0xFFFFD800  }
0x74: {  	[tilespmem:s23], [sflag:$0x3] =	stream.linear.gather [hbm4b:s11+s1], $0x2800, $0x38;
	[tilespmem:$0x19100] =	vst v63  }
0x75: {  	_ =	swait.ge [sflag:s24], $0x2800  }
0x76: {  	[sflag:s24] =	ssyncset.done $0x0  }
0x77: {  	[sflag:s24] =	ssyncadd.s32 $0xFFFFD800  }
0x78: {  	[spmem:s17] =	stream.linear.scatter [tilespmem:s23], [sflag:$0x3], $0x2800, $0x38;
	[tilespmem:$0x19100] =	vst v63  }
0x79: {  	_ =	swait.ge [sflag:s24], $0x2800  }
0x7a: {  	[sflag:s24] =	ssyncset.done $0x0  }
0x7b: {  	[sflag:s24] =	ssyncadd.s32 $0xFFFFD800  }
0x7c: {  	[bflag:$0x0] =	sbarrier.arrive $0xFFFF  }
0x7d: {  	[tilespmem:s26], [sflag:$0x3] =	stream.linear.gather [hbm4b:s19+s1], $0x50, $0x38;
	[tilespmem:$0x19100] =	vst v63  }
0x7e: {  	_ =	swait.ge [sflag:s24], $0x50  }
0x7f: {  	[sflag:s24] =	ssyncset.done $0x0  }
0x80: {  	s11 =	smov.u32 s19;
	s19 =	rddreg [dreg:$0x1b];
	[sflag:s24] =	ssyncadd.s32 $0xFFFFFFB0  }
0x81: {  	[tilespmem:s23], [sflag:$0x1] =	stream.linear.gather [hbm4b:s19+s1], $0x2800, $0x38;
	[tilespmem:$0x19100] =	vst v63  }
0x82: {  	s5 =	sadd.s32 $0xFFFFFFF6, s18  }
0x83: {  	[tilespmem:s31], [sflag:$0x3] =	stream.linear.gather [hbm4b:s5+s1], $0x50, $0x38;
	[tilespmem:$0x19100] =	vst v63  }
0x84: {  	_ =	swait.ge [sflag:s24], $0x50  }
0x85: {  	[sflag:s24] =	ssyncset.done $0x0  }
0x86: {  	s6 =	sadd.s32 $0x0, s20;
	[sflag:s24] =	ssyncadd.s32 $0xFFFFFFB0  }
0x87: {  	[tilespmem:s25], [sflag:$0x2] =	stream.linear.gather [hbm4b:s6+s1], $0x2800, $0x38;
	[tilespmem:$0x19100] =	vst v63  }
0x88: {  	_ =	swait.ge [sflag:s10], $0x2800  }
0x89: {  	[sflag:s10] =	ssyncset.done $0x0  }
0x8a: {  	[sflag:s10] =	ssyncadd.s32 $0xFFFFD800  }
0x8b: {  	[spmem:s29] =	stream.indirect.scatter.add.f32 [tilespmem:s23], [sflag:$0x3], $0x80, s26, s2, $0xb8;
	[tilespmem:$0x19100] =	vst v63  }
0x8c: {  	_ =	swait.ge [sflag:s24], $0x2800  }
0x8d: {  	[sflag:s24] =	ssyncset.done $0x0  }
0x8e: {  	[sflag:s24] =	ssyncadd.s32 $0xFFFFD800  }
0x8f: {  	[tilespmem:s26], [sflag:$0x3] =	stream.linear.gather [hbm4b:s18+s1], $0x50, $0x38;
	[tilespmem:$0x19100] =	vst v63  }
0x90: {  	_ =	swait.ge [sflag:s24], $0x50  }
0x91: {  	s19 =	sld [smem:$0x7FD];
	_ =	sdelay $0x2  }
0x92: {  	[sflag:s24] =	ssyncset.done $0x0;
	s28 =	sshrl.u32 s19, $0x3  }
0x93: {  	[sflag:s24] =	ssyncadd.s32 $0xFFFFFFB0;
	s6 =	sadd.s32 s30, s28  }
0x94: {  	[tilespmem:s23], [sflag:$0x1] =	stream.linear.gather [hbm4b:s6+s1], $0x2800, $0x38;
	[tilespmem:$0x19100] =	vst v63  }
0x95: {  	_ =	swait.ge [sflag:s3], $0x2800  }
0x96: {  	[sflag:s3] =	ssyncset.done $0x0  }
0x97: {  	[sflag:s3] =	ssyncadd.s32 $0xFFFFD800  }
0x98: {  	[spmem:s29] =	stream.indirect.scatter.add.f32 [tilespmem:s25], [sflag:$0x3], $0x80, s31, s2, $0xb8;
	[tilespmem:$0x19100] =	vst v63  }
0x99: {  	s8 =	simm.s32 $0xA00;
	_ =	swait.ge [sflag:s24], $0x2800  }
0x9a: {  	s9 =	simm.s32 $0x1400;
	s6 =	sadd.s32 $0x14, s18;
	[sflag:s24] =	ssyncset.done $0x0  }
.LBB2_2:
0x9b: {  	s28 =	sadd.s32 $0xFFFFFFF6, s6  }
0x9c: {  	[sflag:s24] =	ssyncadd.s32 $0xFFFFD800;
	s19 =	sadd.s32 $0x5000, s19;
	s7 =	smov.u32 s9  }
0x9d: {  	[tilespmem:s31], [sflag:$0x3] =	stream.linear.gather [hbm4b:s28+s1], $0x50, $0x38;
	[tilespmem:$0x19100] =	vst v63  }
0x9e: {  	p0 =	sne.s32 s9, $0x26200;
	s9 =	sadd.s32 $0xA00, s9;
	_ =	swait.ge [sflag:s24], $0x50  }
0x9f: {  	[sflag:s24] =	ssyncset.done $0x0  }
0xa0: {  	s28 =	sadd.s32 s8, s20;
	s8 =	smov.u32 s7;
	[sflag:s24] =	ssyncadd.s32 $0xFFFFFFB0  }
0xa1: {  	[tilespmem:s25], [sflag:$0x2] =	stream.linear.gather [hbm4b:s28+s1], $0x2800, $0x38;
	[tilespmem:$0x19100] =	vst v63  }
0xa2: {  	_ =	swait.ge [sflag:s10], $0x2800  }
0xa3: {  	[sflag:s10] =	ssyncset.done $0x0  }
0xa4: {  	[sflag:s10] =	ssyncadd.s32 $0xFFFFD800  }
0xa5: {  	[spmem:s29] =	stream.indirect.scatter.add.f32 [tilespmem:s23], [sflag:$0x3], $0x80, s26, s2, $0xb8;
	[tilespmem:$0x19100] =	vst v63  }
0xa6: {  	_ =	swait.ge [sflag:s24], $0x2800  }
0xa7: {  	[sflag:s24] =	ssyncset.done $0x0  }
0xa8: {  	[sflag:s24] =	ssyncadd.s32 $0xFFFFD800  }
0xa9: {  	[tilespmem:s26], [sflag:$0x3] =	stream.linear.gather [hbm4b:s6+s1], $0x50, $0x38;
	[tilespmem:$0x19100] =	vst v63  }
0xaa: {  	_ =	swait.ge [sflag:s24], $0x50  }
0xab: {  	s7 =	sshrl.u32 s19, $0x3;
	[sflag:s24] =	ssyncset.done $0x0  }
0xac: {  	s7 =	sadd.s32 s30, s7;
	[sflag:s24] =	ssyncadd.s32 $0xFFFFFFB0  }
0xad: {  	[tilespmem:s23], [sflag:$0x1] =	stream.linear.gather [hbm4b:s7+s1], $0x2800, $0x38;
	[tilespmem:$0x19100] =	vst v63  }
0xae: {  	_ =	swait.ge [sflag:s3], $0x2800  }
.Ltmp0:
0xaf: {  	[sflag:s3] =	ssyncset.done $0x0;
	(pc) =	sbr.rel @p0 .LBB2_2-.Ltmp0, $4  }
0xb0: {  	[sflag:s3] =	ssyncadd.s32 $0xFFFFD800  }
0xb1: {  	[spmem:s29] =	stream.indirect.scatter.add.f32 [tilespmem:s25], [sflag:$0x3], $0x80, s31, s2, $0xb8;
	[tilespmem:$0x19100] =	vst v63  }
0xb2: {  	_ =	swait.ge [sflag:s24], $0x2800  }
0xb3: {  	s6 =	sadd.s32 $0x14, s6;
	[sflag:s24] =	ssyncset.done $0x0  }
0xb4: {  	s7 =	sadd.s32 $0xFFFFFFF6, s6;
	[sflag:s24] =	ssyncadd.s32 $0xFFFFD800  }
0xb5: {  	[tilespmem:s31], [sflag:$0x3] =	stream.linear.gather [hbm4b:s7+s1], $0x50, $0x38;
	[tilespmem:$0x19100] =	vst v63  }
0xb6: {  	_ =	swait.ge [sflag:s24], $0x50  }
0xb7: {  	[sflag:s24] =	ssyncset.done $0x0  }
0xb8: {  	s9 =	sadd.s32 s8, s20;
	[sflag:s24] =	ssyncadd.s32 $0xFFFFFFB0  }
0xb9: {  	[tilespmem:s25], [sflag:$0x2] =	stream.linear.gather [hbm4b:s9+s1], $0x2800, $0x38;
	[tilespmem:$0x19100] =	vst v63  }
0xba: {  	_ =	swait.ge [sflag:s10], $0x2800  }
0xbb: {  	[sflag:s10] =	ssyncset.done $0x0  }
0xbc: {  	[sflag:s10] =	ssyncadd.s32 $0xFFFFD800  }
0xbd: {  	[spmem:s29] =	stream.indirect.scatter.add.f32 [tilespmem:s23], [sflag:$0x3], $0x80, s26, s2, $0xb8;
	[tilespmem:$0x19100] =	vst v63  }
0xbe: {  	_ =	swait.ge [sflag:s24], $0x2800  }
0xbf: {  	[sflag:s24] =	ssyncset.done $0x0  }
0xc0: {  	[sflag:s24] =	ssyncadd.s32 $0xFFFFD800  }
0xc1: {  	[tilespmem:s26], [sflag:$0x3] =	stream.linear.gather [hbm4b:s6+s1], $0x50, $0x38;
	[tilespmem:$0x19100] =	vst v63  }
0xc2: {  	s8 =	sadd.s32 $0x5000, s19;
	_ =	swait.ge [sflag:s24], $0x50  }
0xc3: {  	s6 =	sshrl.u32 s8, $0x3;
	[sflag:s24] =	ssyncset.done $0x0  }
0xc4: {  	s6 =	sadd.s32 s30, s6;
	[sflag:s24] =	ssyncadd.s32 $0xFFFFFFB0  }
0xc5: {  	[tilespmem:s23], [sflag:$0x1] =	stream.linear.gather [hbm4b:s6+s1], $0x2800, $0x38;
	[tilespmem:$0x19100] =	vst v63  }
0xc6: {  	_ =	swait.ge [sflag:s3], $0x2800  }
0xc7: {  	[sflag:s3] =	ssyncset.done $0x0  }
0xc8: {  	[sflag:s3] =	ssyncadd.s32 $0xFFFFD800  }
0xc9: {  	[spmem:s29] =	stream.indirect.scatter.add.f32 [tilespmem:s25], [sflag:$0x3], $0x80, s31, s2, $0xb8;
	[tilespmem:$0x19100] =	vst v63  }
0xca: {  	_ =	swait.ge [sflag:s24], $0x2800  }
0xcb: {  	[sflag:s24] =	ssyncset.done $0x0  }
0xcc: {  	[sflag:s24] =	ssyncadd.s32 $0xFFFFD800  }
0xcd: {  	_ =	swait.ge [sflag:s10], $0x2800  }
0xce: {  	[sflag:s10] =	ssyncset.done $0x0  }
0xcf: {  	[sflag:s10] =	ssyncadd.s32 $0xFFFFD800  }
0xd0: {  	[spmem:s29] =	stream.indirect.scatter.add.f32 [tilespmem:s23], [sflag:$0x3], $0x80, s26, s2, $0xb8;
	[tilespmem:$0x19100] =	vst v63  }
0xd1: {  	_ =	swait.ge [sflag:s24], $0x2800  }
0xd2: {  	[sflag:s24] =	ssyncset.done $0x0  }
0xd3: {  	[sflag:s24] =	ssyncadd.s32 $0xFFFFD800  }
0xd4: {  	[bflag:$0x0] =	sbarrier.arrive $0xFFFF  }
0xd5: {  	s8 =	rddreg [dreg:$0x1d]  }
0xd6: {  	[tilespmem:s23], [sflag:$0x3] =	stream.linear.gather [spmem:s8], $0x2800, $0x38;
	[tilespmem:$0x19100] =	vst v63  }
0xd7: {  	_ =	swait.ge [sflag:s24], $0x2800  }
0xd8: {  	[sflag:s24] =	ssyncset.done $0x0  }
0xd9: {  	s6 =	simm.s32 $0x0;
	s9 =	rddreg [dreg:$0xb];
	[sflag:s24] =	ssyncadd.s32 $0xFFFFD800  }
0xda: {  	[hbm4b:s9+s6] =	stream.linear.scatter [tilespmem:s23], [sflag:$0x3], $0x2800, $0x38;
	[tilespmem:$0x19100] =	vst v63  }
0xdb: {  	_ =	swait.ge [sflag:s24], $0x2800  }
0xdc: {  	[sflag:s24] =	ssyncset.done $0x0  }
0xdd: {  	s9 =	rddreg [dreg:$0x1f];
	[sflag:s24] =	ssyncadd.s32 $0xFFFFD800  }
0xde: {  	[tilespmem:s23], [sflag:$0x3] =	stream.linear.gather [spmem:s9], $0x2800, $0x38;
	[tilespmem:$0x19100] =	vst v63  }
0xdf: {  	_ =	swait.ge [sflag:s24], $0x2800  }
0xe0: {  	[sflag:s24] =	ssyncset.done $0x0  }
0xe1: {  	s19 =	rddreg [dreg:$0xc];
	[sflag:s24] =	ssyncadd.s32 $0xFFFFD800  }
0xe2: {  	[hbm4b:s19+s6] =	stream.linear.scatter [tilespmem:s23], [sflag:$0x3], $0x2800, $0x38;
	[tilespmem:$0x19100] =	vst v63  }
0xe3: {  	_ =	swait.ge [sflag:s24], $0x2800  }
0xe4: {  	[sflag:s24] =	ssyncset.done $0x0  }
0xe5: {  	[sflag:s24] =	ssyncadd.s32 $0xFFFFD800  }
0xe6: {  	[tilespmem:s23], [sflag:$0x3] =	stream.linear.gather [spmem:s12], $0x2800, $0x38;
	[tilespmem:$0x19100] =	vst v63  }
0xe7: {  	_ =	swait.ge [sflag:s24], $0x2800  }
0xe8: {  	[sflag:s24] =	ssyncset.done $0x0  }
0xe9: {  	s19 =	rddreg [dreg:$0xd];
	[sflag:s24] =	ssyncadd.s32 $0xFFFFD800  }
0xea: {  	[hbm4b:s19+s6] =	stream.linear.scatter [tilespmem:s23], [sflag:$0x3], $0x2800, $0x38;
	[tilespmem:$0x19100] =	vst v63  }
0xeb: {  	_ =	swait.ge [sflag:s24], $0x2800  }
0xec: {  	[sflag:s24] =	ssyncset.done $0x0  }
0xed: {  	[sflag:s24] =	ssyncadd.s32 $0xFFFFD800  }
0xee: {  	[tilespmem:s23], [sflag:$0x3] =	stream.linear.gather [spmem:s13], $0x2800, $0x38;
	[tilespmem:$0x19100] =	vst v63  }
0xef: {  	_ =	swait.ge [sflag:s24], $0x2800  }
0xf0: {  	[sflag:s24] =	ssyncset.done $0x0  }
0xf1: {  	s19 =	rddreg [dreg:$0xe];
	[sflag:s24] =	ssyncadd.s32 $0xFFFFD800  }
0xf2: {  	[hbm4b:s19+s6] =	stream.linear.scatter [tilespmem:s23], [sflag:$0x3], $0x2800, $0x38;
	[tilespmem:$0x19100] =	vst v63  }
0xf3: {  	_ =	swait.ge [sflag:s24], $0x2800  }
0xf4: {  	[sflag:s24] =	ssyncset.done $0x0  }
0xf5: {  	[sflag:s24] =	ssyncadd.s32 $0xFFFFD800  }
0xf6: {  	[tilespmem:s23], [sflag:$0x3] =	stream.linear.gather [spmem:s14], $0x2800, $0x38;
	[tilespmem:$0x19100] =	vst v63  }
0xf7: {  	_ =	swait.ge [sflag:s24], $0x2800  }
0xf8: {  	[sflag:s24] =	ssyncset.done $0x0  }
0xf9: {  	s19 =	rddreg [dreg:$0xf];
	[sflag:s24] =	ssyncadd.s32 $0xFFFFD800  }
0xfa: {  	[hbm4b:s19+s6] =	stream.linear.scatter [tilespmem:s23], [sflag:$0x3], $0x2800, $0x38;
	[tilespmem:$0x19100] =	vst v63  }
0xfb: {  	_ =	swait.ge [sflag:s24], $0x2800  }
0xfc: {  	[sflag:s24] =	ssyncset.done $0x0  }
0xfd: {  	[sflag:s24] =	ssyncadd.s32 $0xFFFFD800  }
0xfe: {  	[tilespmem:s23], [sflag:$0x3] =	stream.linear.gather [spmem:s15], $0x2800, $0x38;
	[tilespmem:$0x19100] =	vst v63  }
0xff: {  	_ =	swait.ge [sflag:s24], $0x2800  }
0x100: {  	[sflag:s24] =	ssyncset.done $0x0  }
0x101: {  	s19 =	rddreg [dreg:$0x10];
	[sflag:s24] =	ssyncadd.s32 $0xFFFFD800  }
0x102: {  	[hbm4b:s19+s6] =	stream.linear.scatter [tilespmem:s23], [sflag:$0x3], $0x2800, $0x38;
	[tilespmem:$0x19100] =	vst v63  }
0x103: {  	_ =	swait.ge [sflag:s24], $0x2800  }
0x104: {  	[sflag:s24] =	ssyncset.done $0x0  }
0x105: {  	[sflag:s24] =	ssyncadd.s32 $0xFFFFD800  }
0x106: {  	[tilespmem:s23], [sflag:$0x3] =	stream.linear.gather [spmem:s16], $0x2800, $0x38;
	[tilespmem:$0x19100] =	vst v63  }
0x107: {  	_ =	swait.ge [sflag:s24], $0x2800  }
0x108: {  	[sflag:s24] =	ssyncset.done $0x0  }
0x109: {  	s19 =	rddreg [dreg:$0x11];
	[sflag:s24] =	ssyncadd.s32 $0xFFFFD800  }
0x10a: {  	[hbm4b:s19+s6] =	stream.linear.scatter [tilespmem:s23], [sflag:$0x3], $0x2800, $0x38;
	[tilespmem:$0x19100] =	vst v63  }
0x10b: {  	_ =	swait.ge [sflag:s24], $0x2800  }
0x10c: {  	[sflag:s24] =	ssyncset.done $0x0  }
0x10d: {  	[sflag:s24] =	ssyncadd.s32 $0xFFFFD800  }
0x10e: {  	[tilespmem:s23], [sflag:$0x3] =	stream.linear.gather [spmem:s17], $0x2800, $0x38;
	[tilespmem:$0x19100] =	vst v63  }
0x10f: {  	_ =	swait.ge [sflag:s24], $0x2800  }
0x110: {  	[sflag:s24] =	ssyncset.done $0x0  }
0x111: {  	s19 =	rddreg [dreg:$0x12];
	[sflag:s24] =	ssyncadd.s32 $0xFFFFD800  }
0x112: {  	[hbm4b:s19+s6] =	stream.linear.scatter [tilespmem:s23], [sflag:$0x3], $0x2800, $0x38;
	[tilespmem:$0x19100] =	vst v63  }
0x113: {  	_ =	swait.ge [sflag:s24], $0x2800  }
0x114: {  	[sflag:s24] =	ssyncset.done $0x0  }
0x115: {  	[sflag:s24] =	ssyncadd.s32 $0xFFFFD800  }
0x116: {  	[bflag:$0x0] =	sbarrier.arrive $0xFFFF  }
0x117: {  	[tilespmem:s23], [sflag:$0x3] =	stream.linear.gather [hbm4b:s0+s6], $0x2800, $0x38;
	[tilespmem:$0x19100] =	vst v63  }
0x118: {  	_ =	swait.ge [sflag:s24], $0x2800  }
0x119: {  	[sflag:s24] =	ssyncset.done $0x0  }
0x11a: {  	[sflag:s24] =	ssyncadd.s32 $0xFFFFD800  }
0x11b: {  	[spmem:s8] =	stream.linear.scatter [tilespmem:s23], [sflag:$0x3], $0x2800, $0x38;
	[tilespmem:$0x19100] =	vst v63  }
0x11c: {  	_ =	swait.ge [sflag:s24], $0x2800  }
0x11d: {  	[sflag:s24] =	ssyncset.done $0x0  }
0x11e: {  	s8 =	rddreg [dreg:$0x4];
	[sflag:s24] =	ssyncadd.s32 $0xFFFFD800  }
0x11f: {  	[tilespmem:s23], [sflag:$0x3] =	stream.linear.gather [hbm4b:s8+s6], $0x2800, $0x38;
	[tilespmem:$0x19100] =	vst v63  }
0x120: {  	_ =	swait.ge [sflag:s24], $0x2800  }
0x121: {  	[sflag:s24] =	ssyncset.done $0x0  }
0x122: {  	[sflag:s24] =	ssyncadd.s32 $0xFFFFD800  }
0x123: {  	[spmem:s9] =	stream.linear.scatter [tilespmem:s23], [sflag:$0x3], $0x2800, $0x38;
	[tilespmem:$0x19100] =	vst v63  }
0x124: {  	_ =	swait.ge [sflag:s24], $0x2800  }
0x125: {  	[sflag:s24] =	ssyncset.done $0x0  }
0x126: {  	s19 =	rddreg [dreg:$0x5];
	[sflag:s24] =	ssyncadd.s32 $0xFFFFD800  }
0x127: {  	[tilespmem:s23], [sflag:$0x3] =	stream.linear.gather [hbm4b:s19+s6], $0x2800, $0x38;
	[tilespmem:$0x19100] =	vst v63  }
0x128: {  	_ =	swait.ge [sflag:s24], $0x2800  }
0x129: {  	[sflag:s24] =	ssyncset.done $0x0  }
0x12a: {  	[sflag:s24] =	ssyncadd.s32 $0xFFFFD800  }
0x12b: {  	[spmem:s12] =	stream.linear.scatter [tilespmem:s23], [sflag:$0x3], $0x2800, $0x38;
	[tilespmem:$0x19100] =	vst v63  }
0x12c: {  	_ =	swait.ge [sflag:s24], $0x2800  }
0x12d: {  	[sflag:s24] =	ssyncset.done $0x0  }
0x12e: {  	s7 =	rddreg [dreg:$0x6];
	[sflag:s24] =	ssyncadd.s32 $0xFFFFD800  }
0x12f: {  	[tilespmem:s23], [sflag:$0x3] =	stream.linear.gather [hbm4b:s7+s6], $0x2800, $0x38;
	[tilespmem:$0x19100] =	vst v63  }
0x130: {  	_ =	swait.ge [sflag:s24], $0x2800  }
0x131: {  	[sflag:s24] =	ssyncset.done $0x0  }
0x132: {  	[sflag:s24] =	ssyncadd.s32 $0xFFFFD800  }
0x133: {  	[spmem:s13] =	stream.linear.scatter [tilespmem:s23], [sflag:$0x3], $0x2800, $0x38;
	[tilespmem:$0x19100] =	vst v63  }
0x134: {  	_ =	swait.ge [sflag:s24], $0x2800  }
0x135: {  	[sflag:s24] =	ssyncset.done $0x0  }
0x136: {  	s8 =	rddreg [dreg:$0x7];
	[sflag:s24] =	ssyncadd.s32 $0xFFFFD800  }
0x137: {  	[tilespmem:s23], [sflag:$0x3] =	stream.linear.gather [hbm4b:s8+s6], $0x2800, $0x38;
	[tilespmem:$0x19100] =	vst v63  }
0x138: {  	_ =	swait.ge [sflag:s24], $0x2800  }
0x139: {  	[sflag:s24] =	ssyncset.done $0x0  }
0x13a: {  	[sflag:s24] =	ssyncadd.s32 $0xFFFFD800  }
0x13b: {  	[spmem:s14] =	stream.linear.scatter [tilespmem:s23], [sflag:$0x3], $0x2800, $0x38;
	[tilespmem:$0x19100] =	vst v63  }
0x13c: {  	_ =	swait.ge [sflag:s24], $0x2800  }
0x13d: {  	[sflag:s24] =	ssyncset.done $0x0  }
0x13e: {  	s9 =	rddreg [dreg:$0x8];
	[sflag:s24] =	ssyncadd.s32 $0xFFFFD800  }
0x13f: {  	[tilespmem:s23], [sflag:$0x3] =	stream.linear.gather [hbm4b:s9+s6], $0x2800, $0x38;
	[tilespmem:$0x19100] =	vst v63  }
0x140: {  	_ =	swait.ge [sflag:s24], $0x2800  }
0x141: {  	[sflag:s24] =	ssyncset.done $0x0  }
0x142: {  	[sflag:s24] =	ssyncadd.s32 $0xFFFFD800  }
0x143: {  	[spmem:s15] =	stream.linear.scatter [tilespmem:s23], [sflag:$0x3], $0x2800, $0x38;
	[tilespmem:$0x19100] =	vst v63  }
0x144: {  	_ =	swait.ge [sflag:s24], $0x2800  }
0x145: {  	[sflag:s24] =	ssyncset.done $0x0  }
0x146: {  	s19 =	rddreg [dreg:$0x9];
	[sflag:s24] =	ssyncadd.s32 $0xFFFFD800  }
0x147: {  	[tilespmem:s23], [sflag:$0x3] =	stream.linear.gather [hbm4b:s19+s6], $0x2800, $0x38;
	[tilespmem:$0x19100] =	vst v63  }
0x148: {  	_ =	swait.ge [sflag:s24], $0x2800  }
0x149: {  	[sflag:s24] =	ssyncset.done $0x0  }
0x14a: {  	[sflag:s24] =	ssyncadd.s32 $0xFFFFD800  }
0x14b: {  	[spmem:s16] =	stream.linear.scatter [tilespmem:s23], [sflag:$0x3], $0x2800, $0x38;
	[tilespmem:$0x19100] =	vst v63  }
0x14c: {  	_ =	swait.ge [sflag:s24], $0x2800  }
0x14d: {  	[sflag:s24] =	ssyncset.done $0x0  }
0x14e: {  	s7 =	rddreg [dreg:$0xa];
	[sflag:s24] =	ssyncadd.s32 $0xFFFFD800  }
0x14f: {  	[tilespmem:s23], [sflag:$0x3] =	stream.linear.gather [hbm4b:s7+s6], $0x2800, $0x38;
	[tilespmem:$0x19100] =	vst v63  }
0x150: {  	_ =	swait.ge [sflag:s24], $0x2800  }
0x151: {  	[sflag:s24] =	ssyncset.done $0x0  }
0x152: {  	[sflag:s24] =	ssyncadd.s32 $0xFFFFD800  }
0x153: {  	[spmem:s17] =	stream.linear.scatter [tilespmem:s23], [sflag:$0x3], $0x2800, $0x38;
	[tilespmem:$0x19100] =	vst v63  }
0x154: {  	_ =	swait.ge [sflag:s24], $0x2800  }
0x155: {  	[sflag:s24] =	ssyncset.done $0x0  }
0x156: {  	[sflag:s24] =	ssyncadd.s32 $0xFFFFD800  }
0x157: {  	[bflag:$0x0] =	sbarrier.arrive $0xFFFF  }
0x158: {  	[tilespmem:s26], [sflag:$0x3] =	stream.linear.gather [hbm4b:s11+s6], $0x50, $0x38;
	[tilespmem:$0x19100] =	vst v63  }
0x159: {  	_ =	swait.ge [sflag:s24], $0x50  }
0x15a: {  	[sflag:s24] =	ssyncset.done $0x0  }
0x15b: {  	s8 =	rddreg [dreg:$0x1c];
	[sflag:s24] =	ssyncadd.s32 $0xFFFFFFB0  }
0x15c: {  	[tilespmem:s23], [sflag:$0x1] =	stream.linear.gather [hbm4b:s8+s6], $0x2800, $0x38;
	[tilespmem:$0x19100] =	vst v63  }
0x15d: {  	_ = 	snop  }
0x15e: {  	[tilespmem:s31], [sflag:$0x3] =	stream.linear.gather [hbm4b:s5+s1], $0x50, $0x38;
	[tilespmem:$0x19100] =	vst v63  }
0x15f: {  	_ =	swait.ge [sflag:s24], $0x50  }
0x160: {  	[sflag:s24] =	ssyncset.done $0x0  }
0x161: {  	s9 =	sadd.s32 $0x0, s22;
	[sflag:s24] =	ssyncadd.s32 $0xFFFFFFB0  }
0x162: {  	[tilespmem:s25], [sflag:$0x2] =	stream.linear.gather [hbm4b:s9+s1], $0x2800, $0x38;
	[tilespmem:$0x19100] =	vst v63  }
0x163: {  	_ =	swait.ge [sflag:s10], $0x2800  }
0x164: {  	[sflag:s10] =	ssyncset.done $0x0  }
0x165: {  	[sflag:s10] =	ssyncadd.s32 $0xFFFFD800  }
0x166: {  	[spmem:s29] =	stream.indirect.scatter.add.f32 [tilespmem:s23], [sflag:$0x3], $0x80, s26, s2, $0xb8;
	[tilespmem:$0x19100] =	vst v63  }
0x167: {  	_ =	swait.ge [sflag:s24], $0x2800  }
0x168: {  	[sflag:s24] =	ssyncset.done $0x0  }
0x169: {  	[sflag:s24] =	ssyncadd.s32 $0xFFFFD800  }
0x16a: {  	[tilespmem:s26], [sflag:$0x3] =	stream.linear.gather [hbm4b:s18+s1], $0x50, $0x38;
	[tilespmem:$0x19100] =	vst v63  }
0x16b: {  	_ =	swait.ge [sflag:s24], $0x50  }
0x16c: {  	[sflag:s24] =	ssyncset.done $0x0  }
0x16d: {  	s19 =	smov.u32 s11;
	s11 =	sadd.s32 $0x0, s21;
	[sflag:s24] =	ssyncadd.s32 $0xFFFFFFB0  }
0x16e: {  	[tilespmem:s23], [sflag:$0x1] =	stream.linear.gather [hbm4b:s11+s1], $0x2800, $0x38;
	[tilespmem:$0x19100] =	vst v63  }
0x16f: {  	_ =	swait.ge [sflag:s3], $0x2800  }
0x170: {  	[sflag:s3] =	ssyncset.done $0x0  }
0x171: {  	[sflag:s3] =	ssyncadd.s32 $0xFFFFD800  }
0x172: {  	[spmem:s29] =	stream.indirect.scatter.add.f32 [tilespmem:s25], [sflag:$0x3], $0x80, s31, s2, $0xb8;
	[tilespmem:$0x19100] =	vst v63  }
0x173: {  	s28 =	smov.u32 s0;
	s8 =	simm.s32 $0x1400;
	_ =	swait.ge [sflag:s24], $0x2800  }
0x174: {  	s6 =	sadd.s32 $0x14, s18;
	s5 =	simm.s32 $0xA00;
	[sflag:s24] =	ssyncset.done $0x0  }
.LBB2_4:
0x175: {  	p0 =	sne.s32 s8, $0x26200;
	s7 =	sadd.s32 $0xFFFFFFF6, s6;
	[sflag:s24] =	ssyncadd.s32 $0xFFFFD800  }
0x176: {  	[tilespmem:s31], [sflag:$0x3] =	stream.linear.gather [hbm4b:s7+s1], $0x50, $0x38;
	[tilespmem:$0x19100] =	vst v63  }
0x177: {  	s7 =	smov.u32 s8;
	s8 =	sadd.s32 $0xA00, s8;
	_ =	swait.ge [sflag:s24], $0x50  }
0x178: {  	[sflag:s24] =	ssyncset.done $0x0  }
0x179: {  	s9 =	sadd.s32 s5, s22;
	[sflag:s24] =	ssyncadd.s32 $0xFFFFFFB0  }
0x17a: {  	[tilespmem:s25], [sflag:$0x2] =	stream.linear.gather [hbm4b:s9+s1], $0x2800, $0x38;
	[tilespmem:$0x19100] =	vst v63  }
0x17b: {  	_ =	swait.ge [sflag:s10], $0x2800  }
0x17c: {  	[sflag:s10] =	ssyncset.done $0x0  }
0x17d: {  	[sflag:s10] =	ssyncadd.s32 $0xFFFFD800  }
0x17e: {  	[spmem:s29] =	stream.indirect.scatter.add.f32 [tilespmem:s23], [sflag:$0x3], $0x80, s26, s2, $0xb8;
	[tilespmem:$0x19100] =	vst v63  }
0x17f: {  	_ =	swait.ge [sflag:s24], $0x2800  }
0x180: {  	[sflag:s24] =	ssyncset.done $0x0  }
0x181: {  	[sflag:s24] =	ssyncadd.s32 $0xFFFFD800  }
0x182: {  	[tilespmem:s26], [sflag:$0x3] =	stream.linear.gather [hbm4b:s6+s1], $0x50, $0x38;
	[tilespmem:$0x19100] =	vst v63  }
0x183: {  	_ =	swait.ge [sflag:s24], $0x50  }
0x184: {  	[sflag:s24] =	ssyncset.done $0x0  }
0x185: {  	s9 =	sadd.s32 s5, s21;
	s5 =	smov.u32 s7;
	[sflag:s24] =	ssyncadd.s32 $0xFFFFFFB0  }
0x186: {  	[tilespmem:s23], [sflag:$0x1] =	stream.linear.gather [hbm4b:s9+s1], $0x2800, $0x38;
	[tilespmem:$0x19100] =	vst v63  }
0x187: {  	_ =	swait.ge [sflag:s3], $0x2800  }
.Ltmp1:
0x188: {  	[sflag:s3] =	ssyncset.done $0x0;
	(pc) =	sbr.rel @p0 .LBB2_4-.Ltmp1, $4  }
0x189: {  	[sflag:s3] =	ssyncadd.s32 $0xFFFFD800  }
0x18a: {  	[spmem:s29] =	stream.indirect.scatter.add.f32 [tilespmem:s25], [sflag:$0x3], $0x80, s31, s2, $0xb8;
	[tilespmem:$0x19100] =	vst v63  }
0x18b: {  	_ =	swait.ge [sflag:s24], $0x2800  }
0x18c: {  	s6 =	sadd.s32 $0x14, s6;
	[sflag:s24] =	ssyncset.done $0x0  }
0x18d: {  	s7 =	sadd.s32 $0xFFFFFFF6, s6;
	[sflag:s24] =	ssyncadd.s32 $0xFFFFD800  }
0x18e: {  	[tilespmem:s31], [sflag:$0x3] =	stream.linear.gather [hbm4b:s7+s1], $0x50, $0x38;
	[tilespmem:$0x19100] =	vst v63  }
0x18f: {  	_ =	swait.ge [sflag:s24], $0x50  }
0x190: {  	[sflag:s24] =	ssyncset.done $0x0  }
0x191: {  	s11 =	sadd.s32 s5, s22;
	[sflag:s24] =	ssyncadd.s32 $0xFFFFFFB0  }
0x192: {  	[tilespmem:s25], [sflag:$0x2] =	stream.linear.gather [hbm4b:s11+s1], $0x2800, $0x38;
	[tilespmem:$0x19100] =	vst v63  }
0x193: {  	_ =	swait.ge [sflag:s10], $0x2800  }
0x194: {  	[sflag:s10] =	ssyncset.done $0x0  }
0x195: {  	[sflag:s10] =	ssyncadd.s32 $0xFFFFD800  }
0x196: {  	[spmem:s29] =	stream.indirect.scatter.add.f32 [tilespmem:s23], [sflag:$0x3], $0x80, s26, s2, $0xb8;
	[tilespmem:$0x19100] =	vst v63  }
0x197: {  	_ =	swait.ge [sflag:s24], $0x2800  }
0x198: {  	[sflag:s24] =	ssyncset.done $0x0  }
0x199: {  	[sflag:s24] =	ssyncadd.s32 $0xFFFFD800  }
0x19a: {  	[tilespmem:s26], [sflag:$0x3] =	stream.linear.gather [hbm4b:s6+s1], $0x50, $0x38;
	[tilespmem:$0x19100] =	vst v63  }
0x19b: {  	_ =	swait.ge [sflag:s24], $0x50  }
0x19c: {  	[sflag:s24] =	ssyncset.done $0x0  }
0x19d: {  	s0 =	sadd.s32 s5, s21;
	[sflag:s24] =	ssyncadd.s32 $0xFFFFFFB0  }
0x19e: {  	[tilespmem:s23], [sflag:$0x1] =	stream.linear.gather [hbm4b:s0+s1], $0x2800, $0x38;
	[tilespmem:$0x19100] =	vst v63  }
0x19f: {  	_ =	swait.ge [sflag:s3], $0x2800  }
0x1a0: {  	[sflag:s3] =	ssyncset.done $0x0  }
0x1a1: {  	[sflag:s3] =	ssyncadd.s32 $0xFFFFD800  }
0x1a2: {  	[spmem:s29] =	stream.indirect.scatter.add.f32 [tilespmem:s25], [sflag:$0x3], $0x80, s31, s2, $0xb8;
	[tilespmem:$0x19100] =	vst v63  }
0x1a3: {  	_ =	swait.ge [sflag:s24], $0x2800  }
0x1a4: {  	[sflag:s24] =	ssyncset.done $0x0  }
0x1a5: {  	[sflag:s24] =	ssyncadd.s32 $0xFFFFD800  }
0x1a6: {  	_ =	swait.ge [sflag:s10], $0x2800  }
0x1a7: {  	[sflag:s10] =	ssyncset.done $0x0  }
0x1a8: {  	[sflag:s10] =	ssyncadd.s32 $0xFFFFD800  }
0x1a9: {  	[spmem:s29] =	stream.indirect.scatter.add.f32 [tilespmem:s23], [sflag:$0x3], $0x80, s26, s2, $0xb8;
	[tilespmem:$0x19100] =	vst v63  }
0x1aa: {  	_ =	swait.ge [sflag:s24], $0x2800  }
0x1ab: {  	[sflag:s24] =	ssyncset.done $0x0  }
0x1ac: {  	[sflag:s24] =	ssyncadd.s32 $0xFFFFD800  }
0x1ad: {  	[bflag:$0x0] =	sbarrier.arrive $0xFFFF  }
0x1ae: {  	s7 =	rddreg [dreg:$0x1d]  }
0x1af: {  	[tilespmem:s23], [sflag:$0x3] =	stream.linear.gather [spmem:s7], $0x2800, $0x38;
	[tilespmem:$0x19100] =	vst v63  }
0x1b0: {  	_ =	swait.ge [sflag:s24], $0x2800  }
0x1b1: {  	[sflag:s24] =	ssyncset.done $0x0  }
0x1b2: {  	s0 =	rddreg [dreg:$0x13];
	[sflag:s24] =	ssyncadd.s32 $0xFFFFD800  }
0x1b3: {  	[hbm4b:s0+s1] =	stream.linear.scatter [tilespmem:s23], [sflag:$0x3], $0x2800, $0x38;
	[tilespmem:$0x19100] =	vst v63  }
0x1b4: {  	_ =	swait.ge [sflag:s24], $0x2800  }
0x1b5: {  	[sflag:s24] =	ssyncset.done $0x0  }
0x1b6: {  	s9 =	rddreg [dreg:$0x1f];
	[sflag:s24] =	ssyncadd.s32 $0xFFFFD800  }
0x1b7: {  	[tilespmem:s23], [sflag:$0x3] =	stream.linear.gather [spmem:s9], $0x2800, $0x38;
	[tilespmem:$0x19100] =	vst v63  }
0x1b8: {  	_ =	swait.ge [sflag:s24], $0x2800  }
0x1b9: {  	[sflag:s24] =	ssyncset.done $0x0  }
0x1ba: {  	s5 =	rddreg [dreg:$0x14];
	[sflag:s24] =	ssyncadd.s32 $0xFFFFD800  }
0x1bb: {  	[hbm4b:s5+s1] =	stream.linear.scatter [tilespmem:s23], [sflag:$0x3], $0x2800, $0x38;
	[tilespmem:$0x19100] =	vst v63  }
0x1bc: {  	_ =	swait.ge [sflag:s24], $0x2800  }
0x1bd: {  	[sflag:s24] =	ssyncset.done $0x0  }
0x1be: {  	[sflag:s24] =	ssyncadd.s32 $0xFFFFD800  }
0x1bf: {  	[tilespmem:s23], [sflag:$0x3] =	stream.linear.gather [spmem:s12], $0x2800, $0x38;
	[tilespmem:$0x19100] =	vst v63  }
0x1c0: {  	_ =	swait.ge [sflag:s24], $0x2800  }
0x1c1: {  	[sflag:s24] =	ssyncset.done $0x0  }
0x1c2: {  	s6 =	rddreg [dreg:$0x15];
	[sflag:s24] =	ssyncadd.s32 $0xFFFFD800  }
0x1c3: {  	[hbm4b:s6+s1] =	stream.linear.scatter [tilespmem:s23], [sflag:$0x3], $0x2800, $0x38;
	[tilespmem:$0x19100] =	vst v63  }
0x1c4: {  	_ =	swait.ge [sflag:s24], $0x2800  }
0x1c5: {  	[sflag:s24] =	ssyncset.done $0x0  }
0x1c6: {  	[sflag:s24] =	ssyncadd.s32 $0xFFFFD800  }
0x1c7: {  	[tilespmem:s23], [sflag:$0x3] =	stream.linear.gather [spmem:s13], $0x2800, $0x38;
	[tilespmem:$0x19100] =	vst v63  }
0x1c8: {  	_ =	swait.ge [sflag:s24], $0x2800  }
0x1c9: {  	[sflag:s24] =	ssyncset.done $0x0  }
0x1ca: {  	s8 =	rddreg [dreg:$0x16];
	[sflag:s24] =	ssyncadd.s32 $0xFFFFD800  }
0x1cb: {  	[hbm4b:s8+s1] =	stream.linear.scatter [tilespmem:s23], [sflag:$0x3], $0x2800, $0x38;
	[tilespmem:$0x19100] =	vst v63  }
0x1cc: {  	_ =	swait.ge [sflag:s24], $0x2800  }
0x1cd: {  	[sflag:s24] =	ssyncset.done $0x0  }
0x1ce: {  	[sflag:s24] =	ssyncadd.s32 $0xFFFFD800  }
0x1cf: {  	[tilespmem:s23], [sflag:$0x3] =	stream.linear.gather [spmem:s14], $0x2800, $0x38;
	[tilespmem:$0x19100] =	vst v63  }
0x1d0: {  	_ =	swait.ge [sflag:s24], $0x2800  }
0x1d1: {  	[sflag:s24] =	ssyncset.done $0x0  }
0x1d2: {  	s11 =	rddreg [dreg:$0x17];
	[sflag:s24] =	ssyncadd.s32 $0xFFFFD800  }
0x1d3: {  	[hbm4b:s11+s1] =	stream.linear.scatter [tilespmem:s23], [sflag:$0x3], $0x2800, $0x38;
	[tilespmem:$0x19100] =	vst v63  }
0x1d4: {  	_ =	swait.ge [sflag:s24], $0x2800  }
0x1d5: {  	[sflag:s24] =	ssyncset.done $0x0  }
0x1d6: {  	[sflag:s24] =	ssyncadd.s32 $0xFFFFD800  }
0x1d7: {  	[tilespmem:s23], [sflag:$0x3] =	stream.linear.gather [spmem:s15], $0x2800, $0x38;
	[tilespmem:$0x19100] =	vst v63  }
0x1d8: {  	_ =	swait.ge [sflag:s24], $0x2800  }
0x1d9: {  	[sflag:s24] =	ssyncset.done $0x0  }
0x1da: {  	s5 =	rddreg [dreg:$0x18];
	[sflag:s24] =	ssyncadd.s32 $0xFFFFD800  }
0x1db: {  	[hbm4b:s5+s1] =	stream.linear.scatter [tilespmem:s23], [sflag:$0x3], $0x2800, $0x38;
	[tilespmem:$0x19100] =	vst v63  }
0x1dc: {  	_ =	swait.ge [sflag:s24], $0x2800  }
0x1dd: {  	[sflag:s24] =	ssyncset.done $0x0  }
0x1de: {  	[sflag:s24] =	ssyncadd.s32 $0xFFFFD800  }
0x1df: {  	[tilespmem:s23], [sflag:$0x3] =	stream.linear.gather [spmem:s16], $0x2800, $0x38;
	[tilespmem:$0x19100] =	vst v63  }
0x1e0: {  	_ =	swait.ge [sflag:s24], $0x2800  }
0x1e1: {  	[sflag:s24] =	ssyncset.done $0x0  }
0x1e2: {  	s6 =	rddreg [dreg:$0x19];
	[sflag:s24] =	ssyncadd.s32 $0xFFFFD800  }
0x1e3: {  	[hbm4b:s6+s1] =	stream.linear.scatter [tilespmem:s23], [sflag:$0x3], $0x2800, $0x38;
	[tilespmem:$0x19100] =	vst v63  }
0x1e4: {  	_ =	swait.ge [sflag:s24], $0x2800  }
0x1e5: {  	[sflag:s24] =	ssyncset.done $0x0  }
0x1e6: {  	[sflag:s24] =	ssyncadd.s32 $0xFFFFD800  }
0x1e7: {  	[tilespmem:s23], [sflag:$0x3] =	stream.linear.gather [spmem:s17], $0x2800, $0x38;
	[tilespmem:$0x19100] =	vst v63  }
0x1e8: {  	_ =	swait.ge [sflag:s24], $0x2800  }
0x1e9: {  	[sflag:s24] =	ssyncset.done $0x0  }
0x1ea: {  	s8 =	rddreg [dreg:$0x1a];
	[sflag:s24] =	ssyncadd.s32 $0xFFFFD800  }
0x1eb: {  	[hbm4b:s8+s1] =	stream.linear.scatter [tilespmem:s23], [sflag:$0x3], $0x2800, $0x38;
	[tilespmem:$0x19100] =	vst v63  }
0x1ec: {  	_ =	swait.ge [sflag:s24], $0x2800  }
0x1ed: {  	s4 =	sadd.s32 $0x1, s4;
	s11 =	rddreg [dreg:$0x1e]  }
0x1ee: {  	p0 =	sne.s32 s4, s11  }
.Ltmp2:
0x1ef: {  	_ = 	snop;
	(pc) =	sbr.rel @p0 .LBB2_1-.Ltmp2, $3  }
0x1f0: {  	[sflag:s24] =	ssyncset.done $0x0  }
0x1f1: {  	[sflag:s24] =	ssyncadd.s32 $0xFFFFD800  }
0x1f2: {  	[bflag:$0x0] =	sbarrier.arrive $0xFFFF;
	_ =	sdelay $0x1  }
0x1f3: {  	_ =	sfence.sel $0x180000  }
0x1f4: {  	[bflag:$0x0] =	sbarrier.arrive $0xFFFF  }
0x1f5: {  	_ =	strace $0x9000004D  }
0x1f6: {  	s0 =	stileid.u32;
	[bflag:$0x2] =	sbarrier.arrive $0xFFFF  }
0x1f7: {  	p0 =	sne.s32 s0, $0x0;
	s0 =	rddreg [dreg:$0x3]  }
0x1f8: {  	s0 =	sadd.s32 @!p0 $0x100000, s0  }
0x1f9: {  	[sflag:s0] =	ssyncadd.tile.s32 @!p0 $0x1;
	_ =	shalt  }
.Lfunc_end2:
_tile_overlayer_lowered:
.L_overlay_start_2:
0x1fa: {  	(tag) =	ssettag $0x2  }
0x1fb: {  	s0 =	rddreg [dreg:$0x0];
	s2 =	stileid.u32  }
0x1fc: {  	s1 =	rddreg [dreg:$0x1];
	p0 =	sne.s32 s2, $0x0  }
0x1fd: {  	s3 =	rddreg [dreg:$0x2];
	[bflag:$0x3] =	sbarrier.arrive $0xFFFF;
	s2 =	simm.s32 @!p0 $0x1C03  }
0x1fe: {  	[timem:s3], [sflag:s2] =	dma.local @!p0 [hbm:s0], s1  }
0x1ff: {  	s0 =	simm.s32 @!p0 $0x3  }
0x200: {  	_ =	swait.ge @!p0 [sflag:s0], s1  }
0x201: {  	s1 =	ssub.s32 @!p0 $0x0, s1;
	[sflag:s0] =	ssyncset.done @!p0 $0x0  }
0x202: {  	[sflag:s0] =	ssyncadd.s32 @!p0 s1  }
0x203: {  	[bflag:$0x3] =	sbarrier.arrive $0xFFFF  }
0x204: {  	_ =	shalt  }

// kernel: kernel.7.cloned.1.call-start
scs
__scs_entry_jumppad:
0x0: {  	(pc) =	sbr.rel $0x88, $3  }
0x1: {  	(tag) =	ssettag $0x0;
	lr =	simm.s32 $0x1  }
0x2: {  	[smem:$0x3F92] =	sst lr;
	_ =	strace $0xD0000000  }
0x3: {  	_ = 	snop  }
0x4: {  	_ = 	snop  }
0x5: {  	_ = 	snop  }
0x6: {  	_ = 	snop  }
0x7: {  	_ = 	snop  }
__scs_overlays_trampoline_lowered:
0x8: {  	[smem:$0x3FA1] =	sst s0  }
0x9: {  	[smem:$0x3FA2] =	sst s1  }
0xa: {  	[smem:$0x3FA3] =	sst s2  }
0xb: {  	[smem:$0x3FA4] =	sst s3  }
0xc: {  	[smem:$0x3FA5] =	sst s4  }
0xd: {  	[smem:$0x3FA6] =	sst s5  }
0xe: {  	[smem:$0x3FA7] =	sst s6  }
0xf: {  	[smem:$0x3FA8] =	sst s7  }
0x10: {  	[smem:$0x3FA9] =	sst s8  }
0x11: {  	[smem:$0x3FAA] =	sst s9;
	s0 =	simm.s32 @!p0 $0x0  }
0x12: {  	s1 =	sld [smem:$0x3F90];
	s0 =	simm.s32 @p0 $0x1  }
0x13: {  	[smem:$0x3FAB] =	sst s0;
	s0 =	simm.s32 @!p1 $0x0  }
0x14: {  	s2 =	sld [smem:$0x3F8F];
	s0 =	simm.s32 @p1 $0x1  }
0x15: {  	[smem:$0x3FAC] =	sst s0;
	s0 =	simm.s32 @!p2 $0x0  }
0x16: {  	s3 =	sld [smem:$0x3FDB];
	s0 =	simm.s32 @p2 $0x1  }
0x17: {  	s4 =	simm.s32 $0x1BF5;
	[smem:$0x3FAE] =	sst s0  }
0x18: {  	s0 =	sld [smem:$0x3F91];
	_ =	swait.ge [sflag:s4], $0x0  }
0x19: {  	s7 =	sld [smem:$0x3F92]  }
0x1a: {  	s8 =	sadd.s32 $0xFFFFE003, lr  }
0x1b: {  	s9 =	sadd.s32 $0xFFFFFEF7, lr;
	s5 =	simm.s32 $0xFFFFFFFF;
	p2 =	slt.u32 s8, $0xFFFFF086  }
0x1c: {  	p1 =	slt.u32 s9, $0xF7A;
	s5 =	simm.s32 @!p2 $0x0  }
0x1d: {  	s5 =	simm.s32 @p1 $0x1;
	p0 =	seq.s32 s7, s2  }
0x1e: {  	s7 =	smul.u32 @!p0 $0xF7A, s2;
	p2 =	seq.s32 @!p0 s5, $0x0  }
0x1f: {  	s9 =	smul.u32 $0xF7A, s1;
	s8 =	simm.s32 @!p0 $0x1BF5;
	p2 =	por !p2, p0  }
0x20: {  	[sflag:s8] =	ssyncset.s32 @!p0 $0xFFFFF086;
	s6 =	sadd.s32 @!p0 s3, s7;
	s7 =	simm.s32 @!p0 $0x108  }
0x21: {  	s3 =	sadd.s32 s3, s9;
	s6 =	sadd.s32 @!p0 $0x88, s6;
	s7 =	simm.s32 @p2 $0x1082  }
0x22: {  	[simem:s7], [sflag:s8] =	dma.local @!p0 [hbm:s6], $0xF7A  }
0x23: {  	s9 =	sor.u32 $0xD0000000, s2;
	s6 =	simm.s32 $0x108;
	_ =	swait.ge @!p0 [sflag:s8], $0x0  }
0x24: {  	s3 =	sadd.s32 $0x88, s3;
	s6 =	simm.s32 @!p1 $0x1082;
	[sflag:s4] =	ssyncset.s32 $0xFFFFF086  }
0x25: {  	[simem:s6], [sflag:s4] =	dma.local [hbm:s3], $0xF7A  }
0x26: {  	[smem:$0x3F92] =	sst s1;
	(tag) =	ssettag s2;
	_ =	strace s9  }
0x27: {  	s1 =	sld [smem:$0x3FA2]  }
0x28: {  	s2 =	sld [smem:$0x3FA3]  }
0x29: {  	s4 =	sld [smem:$0x3FA5]  }
0x2a: {  	p0 =	seq.s32 s5, $0x0;
	s5 =	sld [smem:$0x3FA6]  }
0x2b: {  	s6 =	sld [smem:$0x3FA7]  }
0x2c: {  	s7 =	sld [smem:$0x3FA8]  }
0x2d: {  	s3 =	simm.s32 $0x108;
	s8 =	sld [smem:$0x3FA9]  }
0x2e: {  	s3 =	simm.s32 @!p0 $0x1082;
	s9 =	sld [smem:$0x3FAA]  }
0x2f: {  	lr =	sadd.s32 s0, s3;
	s0 =	sld [smem:$0x3FA1]  }
0x30: {  	s3 =	sld [smem:$0x3FA4]  }
0x31: {  	[smem:$0x3FAD] =	sst s10  }
0x32: {  	s10 =	sld [smem:$0x3FAB];
	_ =	sdelay $0x3  }
0x33: {  	p0 =	seq.s32 s10, $0x1;
	s10 =	sld [smem:$0x3FAD];
	_ =	sdelay $0x3  }
0x34: {  	[smem:$0x3FAD] =	sst s10  }
0x35: {  	s10 =	sld [smem:$0x3FAC];
	_ =	sdelay $0x3  }
0x36: {  	p1 =	seq.s32 s10, $0x1;
	s10 =	sld [smem:$0x3FAD];
	_ =	sdelay $0x3  }
0x37: {  	[smem:$0x3FAD] =	sst s10  }
0x38: {  	s10 =	sld [smem:$0x3FAE]  }
0x39: {  	_ = 	snop;
	(pc) =	sbr.ind lr, $3  }
0x3a: {  	_ = 	snop  }
0x3b: {  	_ = 	snop  }
0x3c: {  	p2 =	seq.s32 s10, $0x1;
	s10 =	sld [smem:$0x3FAD]  }
0x3d: {  	_ =	shalt  }
0x3e: {  	_ =	shalt  }
0x3f: {  	_ =	shalt  }
0x40: {  	_ =	shalt  }
0x41: {  	_ =	shalt  }
0x42: {  	_ =	shalt  }
0x43: {  	_ =	shalt  }
0x44: {  	_ =	shalt  }
0x45: {  	_ =	shalt  }
0x46: {  	_ =	shalt  }
0x47: {  	_ =	shalt  }
0x48: {  	_ =	shalt  }
0x49: {  	_ =	shalt  }
0x4a: {  	_ =	shalt  }
0x4b: {  	_ =	shalt  }
0x4c: {  	_ =	shalt  }
0x4d: {  	_ =	shalt  }
0x4e: {  	_ =	shalt  }
0x4f: {  	_ =	shalt  }
0x50: {  	_ =	shalt  }
0x51: {  	_ =	shalt  }
0x52: {  	_ =	shalt  }
0x53: {  	_ =	shalt  }
0x54: {  	_ =	shalt  }
0x55: {  	_ =	shalt  }
0x56: {  	_ =	shalt  }
0x57: {  	_ =	shalt  }
0x58: {  	_ =	shalt  }
0x59: {  	_ =	shalt  }
0x5a: {  	_ =	shalt  }
0x5b: {  	_ =	shalt  }
0x5c: {  	_ =	shalt  }
0x5d: {  	_ =	shalt  }
0x5e: {  	_ =	shalt  }
0x5f: {  	_ =	shalt  }
0x60: {  	_ =	shalt  }
0x61: {  	_ =	shalt  }
0x62: {  	_ =	shalt  }
0x63: {  	_ =	shalt  }
0x64: {  	_ =	shalt  }
0x65: {  	_ =	shalt  }
0x66: {  	_ =	shalt  }
0x67: {  	_ =	shalt  }
0x68: {  	_ =	shalt  }
0x69: {  	_ =	shalt  }
0x6a: {  	_ =	shalt  }
0x6b: {  	_ =	shalt  }
0x6c: {  	_ =	shalt  }
0x6d: {  	_ =	shalt  }
0x6e: {  	_ =	shalt  }
0x6f: {  	_ =	shalt  }
0x70: {  	_ =	shalt  }
0x71: {  	_ =	shalt  }
0x72: {  	_ =	shalt  }
0x73: {  	_ =	shalt  }
0x74: {  	_ =	shalt  }
0x75: {  	_ =	shalt  }
0x76: {  	_ =	shalt  }
0x77: {  	_ =	shalt  }
0x78: {  	_ =	shalt  }
0x79: {  	_ =	shalt  }
0x7a: {  	_ =	shalt  }
0x7b: {  	_ =	shalt  }
0x7c: {  	_ =	shalt  }
0x7d: {  	_ =	shalt  }
0x7e: {  	_ =	shalt  }
0x7f: {  	_ =	shalt  }
0x80: {  	_ =	shalt  }
0x81: {  	_ =	shalt  }
0x82: {  	_ =	shalt  }
0x83: {  	_ =	shalt  }
0x84: {  	_ =	shalt  }
0x85: {  	_ =	shalt  }
0x86: {  	_ =	shalt  }
0x87: {  	_ =	shalt  }
.Lfunc_end0:
.L_simem_size_0:
called_computation_lowered:
.L_overlay_start_0:
0x88: {  	s2 =	sld [smem:$0x3FD9]  }
0x89: {  	s3 =	sld [smem:$0x3FFE];
	_ =	sdelay $0x1  }
0x8a: {  	s1 =	srdreg.scid  }
0x8b: {  	s0 =	sand.u32 $0x1, s1  }
0x8c: {  	s16 =	sshll.u32 s0, $0xA;
	s2 =	sadd.s32 s3, s2  }
0x8d: {  	s2 =	sadd.s32 s2, s16  }
0x8e: {  	[smem:$0x3FB9] =	sst s2  }
0x8f: {  	_ = 	snop  }
0x90: {  	(tm) =	ssettm $0x1  }
0x91: {  	s17 =	sld [smem:$0x3FFB];
	_ =	sdelay $0x3  }
0x92: {  	_ =	strace s17  }
0x93: {  	s2 =	sld [smem:$0x3FFC];
	_ =	sdelay $0x3  }
0x94: {  	_ =	strace s2  }
0x95: {  	s2 =	sld [smem:$0x3FFD];
	_ =	sdelay $0x3  }
0x96: {  	_ =	strace s2  }
0x97: {  	_ =	strace $0x8FFFFFFF  }
0x98: {  	s18 =	sld [smem:$0x3FDB];
	_ =	sdelay $0x1  }
0x99: {  	s19 =	simm.s32 $_scs_section_size  }
0x9a: {  	s4 =	simm.s32 $_size__tile_overlayer_lowered;
	s5 =	simm.s32 $_tile_overlayer_lowered  }
0x9b: {  	s22 =	simm.s32 $0x1BFF;
	s21 =	sshll.u32 s5, $0x1;
	s2 =	sadd.s32 s19, s18  }
0x9c: {  	s6 =	simm.s32 $0x0;
	s20 =	sshll.u32 s4, $0x1;
	s4 =	sadd.s32 s21, s2  }
0x9d: {  	[timem:s6], [sflag:s22] =	dma.local [hbm:s4], s20  }
0x9e: {  	_ =	swait.ge [sflag:s22], s20  }
0x9f: {  	s3 =	ssub.s32 $0x0, s20;
	[sflag:s22] =	ssyncset.done $0x0  }
0xa0: {  	[sflag:s22] =	ssyncadd.s32 s3;
	_ =	sdelay $0x1  }
0xa1: {  	s23 =	simm.s32 $0x1B8B  }
0xa2: {  	_ =	swait.ge [sflag:s23], $0x1  }
0xa3: {  	[sflag:s23] =	ssyncset.done $0x0  }
0xa4: {  	s25 =	simm.s32 $0x1B8E;
	s24 =	sld [smem:$0x3FFE];
	[sflag:s23] =	ssyncadd.s32 $0xFFFFFFFF  }
0xa5: {  	s26 =	simm.s32 $execute0_lowered;
	[smem:$0x3FD2] =	sst s25  }
0xa6: {  	s4 =	sshll.u32 s26, $0x1;
	_ =	strace $0x80000046;
	[dreg:$0x1] =	wrdreg $0xFFFFFFFF  }
0xa7: {  	s28 =	simm.s32 $_size_execute0_lowered;
	s2 =	sadd.s32 s2, s4;
	[dreg:$0x0] =	wrdreg $0x0  }
0xa8: {  	s4 =	sshll.u32 s28, $0x1;
	[dreg:$0x2] =	wrdreg s2  }
0xa9: {  	[dreg:$0x3] =	wrdreg s4  }
0xaa: {  	[dreg:$0x4] =	wrdreg $0xC0  }
0xab: {  	_ =	task [dreg:s6], $0x5FFFF  }
0xac: {  	[dreg:$0x1] =	wrdreg $0xFFFFFFFF  }
0xad: {  	[dreg:$0x0] =	wrdreg $0x60  }
0xae: {  	[dreg:$0x2] =	wrdreg s24  }
0xaf: {  	[dreg:$0x3] =	wrdreg $0x9  }
0xb0: {  	_ =	task.clear_ibuf [dreg:s6], $0x4FFFF;
	_ =	strace $0x90000046  }
0xb1: {  	s29 =	simm.s32 $0x9;
	_ =	strace $0x80000048  }
0xb2: {  	_ =	swait.ge [sflag:s29], $0x1  }
0xb3: {  	[sflag:s29] =	ssyncadd.s32 $0xFFFFFFFF  }
0xb4: {  	_ =	strace $0x90000048  }
0xb5: {  	_ =	sfence  }
0xb6: {  	s30 =	sld [smem:$0x0];
	_ =	sdelay $0x2  }
0xb7: {  	s31 =	sshll.u32 s1, $0xD;
	s1 =	sshrl.u32 s1, $0x2  }
0xb8: {  	s3 =	sand.u32 $0x4000, s31;
	s1 =	sadd.s32 s1, s30  }
0xb9: {  	s0 =	sor.u32 s3, s0;
	s1 =	sshll.u32 s1, $0x11  }
0xba: {  	s0 =	sor.u32 s1, s0  }
0xbb: {  	s0 =	sadd.s32 $0x8F2B, s0  }
0xbc: {  	[sflag:s0] =	ssyncadd.remote.s32 $0x1  }
0xbd: {  	_ =	sfence.sel $0xFFFF  }
0xbe: {  	[dreg:$0x0] =	wrdreg $0xFFFFFFFF;
	(pc) =	sbr.abs _section_cstart, $3  }
0xbf: {  	[dreg:$0x1] =	wrdreg $0xFFFFFFFF  }
0xc0: {  	_ =	task.clear_ibuf [dreg:s6], $0x2FFFF;
	_ =	strace $0x9FFFFFFF  }
0xc1: {  	(tm) =	ssettm $0x7FFFFFFF  }
tec
execute0_lowered:
.L_overlay_start_1:
0x0: {  	(tag) =	ssettag $0x1  }
0x1: {  	s0 =	srdreg.scid  }
0x2: {  	s9 =	stileid.u32;
	s5 =	rddreg [dreg:$0x0];
	s2 =	simm.s32 $0x0  }
0x3: {  	s10 =	simm.s32 $0x1C00;
	s11 =	simm.s32 $0x2400;
	s12 =	simm.s32 $0x2C00  }
0x4: {  	s13 =	simm.s32 $0x3400;
	s14 =	simm.s32 $0x3C00;
	s15 =	simm.s32 $0x4400  }
0x5: {  	s16 =	simm.s32 $0x4C00;
	s17 =	simm.s32 $0x5400;
	s18 =	simm.s32 $0x5C00  }
0x6: {  	s19 =	simm.s32 $0x6400;
	s26 =	simm.s32 $0x6C00;
	s20 =	simm.s32 $0x7400  }
0x7: {  	s21 =	simm.s32 $0x7C00;
	s22 =	simm.s32 $0x8400;
	s23 =	simm.s32 $0x8C00  }
0x8: {  	s24 =	simm.s32 $0x9400;
	s25 =	simm.s32 $0x9C00;
	s28 =	simm.s32 $0xAC00  }
0x9: {  	s29 =	simm.s32 $0x1;
	s30 =	simm.s32 $0x2;
	s31 =	simm.s32 $0x0  }
0xa: {  	s0 =	sand.u32 $0x1, s0;
	s1 =	sshll.u32 s9, $0x1;
	s9 =	smul.u32 $0x9C400, s9  }
0xb: {  	s1 =	sor.u32 s0, s1;
	s6 =	ssub.s32 $0x2, s0;
	s0 =	smul.u32 $0x4E200, s0  }
0xc: {  	[smem:$0x7FF] =	sst s2;
	s7 =	sadd.s32 $0x251800, s5;
	s4 =	smul.u32 $0x1388, s1  }
0xd: {  	s3 =	sadd.s32 $0x7800, s5;
	_ =	strace $0x80000047;
	s1 =	smul.u32 $0x271000, s1  }
0xe: {  	[dreg:$0x3] =	wrdreg s26;
	s26 =	simm.s32 $0xA400;
	s8 =	sshrl.u32 s6, $0x1  }
0xf: {  	s8 =	ssub.s32 s6, s8;
	s4 =	sshrl.u32 s4, $0x3;
	s1 =	sshrl.u32 s1, $0x3  }
0x10: {  	s4 =	sadd.s32 s4, s5;
	s1 =	sadd.s32 s7, s1;
	s7 =	sadd.s32 s9, s7  }
0x11: {  	v2 =	vlaneseq.u32;
	s5 =	sadd.s32 $0x7900, s5;
	s9 =	simm.s32 $0x1400;
	s4 =	sadd.s32 $0x2800, s4  }
0x12: {  	vm0 =	vmmov $0xffff;
	v1 =	vshrl.u32 v2, $0x3;
	s6 =	sadd.s32 $0x4D800, s1;
	s0 =	sadd.s32 s0, s7;
	[dreg:$0x4] =	wrdreg s4  }
0x13: {  	v0 =	vand.u32 $0x7, v2;
	v2 =	vor.u32 $0x8, v2;
	v1 =	vmul.u32 $0x8, v1;
	s7 =	smax.u32 s8, $0x1;
	s8 =	simm.s32 $0x3;
	[dreg:$0x2] =	wrdreg s0  }
.LBB2_1:
0x14: {  	s0 =	rddreg [dreg:$0x4]  }
0x15: {  	[tilespmem:s2], [sflag:$0x3] =	stream.linear.gather [hbm4b:s0+s2], $0x1388, $0x38;
	[tilespmem:$0xB400] =	vst v63  }
0x16: {  	_ =	swait.ge [sflag:s8], $0x1388  }
0x17: {  	[sflag:s8] =	ssyncset.done $0x0  }
0x18: {  	[sflag:s8] =	ssyncadd.s32 $0xFFFFEC78  }
0x19: {  	v3 =	vld [tilespmem:$0x0];
	_ =	sdelay $0x4  }
0x1a: {  	v4 =	vshll.u32 v3, $0x2  }
0x1b: {  	v3 =	vand.u32 $0x7, v3;
	v4 =	vand.u32 $0xFFFFFFE0, v4  }
0x1c: {  	v3 =	vor.u32 v3, v4  }
0x1d: {  	v4 =	vperm.xlane v3, v0;
	_ =	sdelay $0x1  }
0x1e: {  	v4 =	vadd.s32 v1, v4;
	_ =	sdelay $0x1  }
0x1f: {  	v3 =	vperm.xlane v3, v2;
	_ =	sdelay $0x1  }
0x20: {  	v3 =	vadd.s32 v1, v3  }
0x21: {  	[tilespmem:s9], [sflag:$0x1] =	stream.indirect_vreg.gather [hbm4b:s3+s2], $0x80, v4, vm0, $0xb8;
	[tilespmem:$0xB400] =	vst v63  }
0x22: {  	_ = 	snop  }
0x23: {  	[tilespmem:s10], [sflag:$0x1] =	stream.indirect_vreg.gather [hbm4b:s5+s2], $0x80, v4, vm0, $0xb8;
	[tilespmem:$0xB400] =	vst v63  }
0x24: {  	_ = 	snop  }
0x25: {  	[tilespmem:s11], [sflag:$0x1] =	stream.indirect_vreg.gather [hbm4b:s3+s2], $0x80, v3, vm0, $0xb8;
	[tilespmem:$0xB400] =	vst v63  }
0x26: {  	_ = 	snop  }
0x27: {  	[tilespmem:s12], [sflag:$0x1] =	stream.indirect_vreg.gather [hbm4b:s5+s2], $0x80, v3, vm0, $0xb8;
	[tilespmem:$0xB400] =	vst v63  }
0x28: {  	v3 =	vld [tilespmem:$0x10];
	_ =	sdelay $0x4  }
0x29: {  	v62 =	vshll.u32 v3, $0x2  }
0x2a: {  	v3 =	vand.u32 $0x7, v3;
	v4 =	vand.u32 $0xFFFFFFE0, v62  }
0x2b: {  	v3 =	vor.u32 v3, v4  }
0x2c: {  	v4 =	vperm.xlane v3, v0;
	_ =	sdelay $0x1  }
0x2d: {  	v4 =	vadd.s32 v1, v4;
	_ =	sdelay $0x1  }
0x2e: {  	v3 =	vperm.xlane v3, v2;
	_ =	sdelay $0x1  }
0x2f: {  	v3 =	vadd.s32 v1, v3  }
0x30: {  	[tilespmem:s13], [sflag:$0x1] =	stream.indirect_vreg.gather [hbm4b:s3+s2], $0x80, v4, vm0, $0xb8;
	[tilespmem:$0xB400] =	vst v63  }
0x31: {  	_ = 	snop  }
0x32: {  	[tilespmem:s14], [sflag:$0x1] =	stream.indirect_vreg.gather [hbm4b:s5+s2], $0x80, v4, vm0, $0xb8;
	[tilespmem:$0xB400] =	vst v63  }
0x33: {  	_ = 	snop  }
0x34: {  	[tilespmem:s15], [sflag:$0x1] =	stream.indirect_vreg.gather [hbm4b:s3+s2], $0x80, v3, vm0, $0xb8;
	[tilespmem:$0xB400] =	vst v63  }
0x35: {  	_ = 	snop  }
0x36: {  	[tilespmem:s16], [sflag:$0x1] =	stream.indirect_vreg.gather [hbm4b:s5+s2], $0x80, v3, vm0, $0xb8;
	[tilespmem:$0xB400] =	vst v63  }
0x37: {  	v3 =	vld.msk [tilespmem:$0x20], $0xff;
	_ =	sdelay $0x4  }
0x38: {  	v63 =	vshll.u32 v3, $0x2  }
0x39: {  	v3 =	vand.u32 $0x7, v3;
	v4 =	vand.u32 $0xFFFFFFE0, v63  }
0x3a: {  	v3 =	vor.u32 v3, v4  }
0x3b: {  	v3 =	vperm.xlane v3, v0;
	_ =	sdelay $0x1  }
0x3c: {  	v3 =	vadd.s32 v1, v3;
	_ =	sdelay $0x4  }
0x3d: {  	[tilespmem:s17], [sflag:$0x1] =	stream.indirect_vreg.gather [hbm4b:s3+s2], $0x80, v3, vm0, $0xb8;
	[tilespmem:$0xB400] =	vst v63  }
0x3e: {  	s1 =	simm.s32 $0x38;
	s0 =	simm.s32 $0x0  }
0x3f: {  	[tilespmem:s18], [sflag:$0x1] =	stream.indirect_vreg.gather [hbm4b:s5+s2], $0x80, v3, vm0, $0xb8;
	[tilespmem:$0xB400] =	vst v63  }
.LBB2_2:
0x40: {  	v3 =	vld [tilespmem:s1+$0xFFFFFFF0];
	_ =	sdelay $0x4  }
0x41: {  	v4 =	vshll.u32 v3, $0x2  }
0x42: {  	v3 =	vand.u32 $0x7, v3;
	v4 =	vand.u32 $0xFFFFFFE0, v4  }
0x43: {  	v3 =	vor.u32 v3, v4  }
0x44: {  	v4 =	vperm.xlane v3, v0;
	_ =	sdelay $0x1  }
0x45: {  	v4 =	vadd.s32 v1, v4;
	_ =	sdelay $0x1  }
0x46: {  	v3 =	vperm.xlane v3, v2;
	_ =	sdelay $0x1  }
0x47: {  	v3 =	vadd.s32 v1, v3  }
0x48: {  	[tilespmem:s19], [sflag:$0x2] =	stream.indirect_vreg.gather [hbm4b:s3+s2], $0x80, v4, vm0, $0xb8;
	[tilespmem:$0xB400] =	vst v63  }
0x49: {  	s4 =	rddreg [dreg:$0x3]  }
0x4a: {  	[tilespmem:s4], [sflag:$0x2] =	stream.indirect_vreg.gather [hbm4b:s5+s2], $0x80, v4, vm0, $0xb8;
	[tilespmem:$0xB400] =	vst v63  }
0x4b: {  	_ = 	snop  }
0x4c: {  	[tilespmem:s20], [sflag:$0x2] =	stream.indirect_vreg.gather [hbm4b:s3+s2], $0x80, v3, vm0, $0xb8;
	[tilespmem:$0xB400] =	vst v63  }
0x4d: {  	_ = 	snop  }
0x4e: {  	[tilespmem:s21], [sflag:$0x2] =	stream.indirect_vreg.gather [hbm4b:s5+s2], $0x80, v3, vm0, $0xb8;
	[tilespmem:$0xB400] =	vst v63  }
0x4f: {  	v3 =	vld [tilespmem:s1+$0x0];
	_ =	sdelay $0x4  }
0x50: {  	v59 =	vshll.u32 v3, $0x2  }
0x51: {  	v3 =	vand.u32 $0x7, v3;
	v4 =	vand.u32 $0xFFFFFFE0, v59  }
0x52: {  	v3 =	vor.u32 v3, v4  }
0x53: {  	v4 =	vperm.xlane v3, v0;
	_ =	sdelay $0x1  }
0x54: {  	v4 =	vadd.s32 v1, v4;
	_ =	sdelay $0x1  }
0x55: {  	v3 =	vperm.xlane v3, v2;
	_ =	sdelay $0x1  }
0x56: {  	v3 =	vadd.s32 v1, v3  }
0x57: {  	[tilespmem:s22], [sflag:$0x2] =	stream.indirect_vreg.gather [hbm4b:s3+s2], $0x80, v4, vm0, $0xb8;
	[tilespmem:$0xB400] =	vst v63  }
0x58: {  	_ = 	snop  }
0x59: {  	[tilespmem:s23], [sflag:$0x2] =	stream.indirect_vreg.gather [hbm4b:s5+s2], $0x80, v4, vm0, $0xb8;
	[tilespmem:$0xB400] =	vst v63  }
0x5a: {  	_ = 	snop  }
0x5b: {  	[tilespmem:s24], [sflag:$0x2] =	stream.indirect_vreg.gather [hbm4b:s3+s2], $0x80, v3, vm0, $0xb8;
	[tilespmem:$0xB400] =	vst v63  }
0x5c: {  	_ = 	snop  }
0x5d: {  	[tilespmem:s25], [sflag:$0x2] =	stream.indirect_vreg.gather [hbm4b:s5+s2], $0x80, v3, vm0, $0xb8;
	[tilespmem:$0xB400] =	vst v63  }
0x5e: {  	v3 =	vld.msk [tilespmem:s1+$0x10], $0xff;
	_ =	sdelay $0x4  }
0x5f: {  	v60 =	vshll.u32 v3, $0x2  }
0x60: {  	v3 =	vand.u32 $0x7, v3;
	v4 =	vand.u32 $0xFFFFFFE0, v60  }
0x61: {  	v3 =	vor.u32 v3, v4  }
0x62: {  	v3 =	vperm.xlane v3, v0;
	_ =	sdelay $0x1  }
0x63: {  	v3 =	vadd.s32 v1, v3;
	_ =	sdelay $0x4  }
0x64: {  	[tilespmem:s26], [sflag:$0x2] =	stream.indirect_vreg.gather [hbm4b:s3+s2], $0x80, v3, vm0, $0xb8;
	[tilespmem:$0xB400] =	vst v63  }
0x65: {  	_ = 	snop  }
0x66: {  	[tilespmem:s28], [sflag:$0x2] =	stream.indirect_vreg.gather [hbm4b:s5+s2], $0x80, v3, vm0, $0xb8;
	[tilespmem:$0xB400] =	vst v63  }
0x67: {  	_ =	swait.ge [sflag:s29], $0x5000  }
0x68: {  	s4 =	rddreg [dreg:$0x2];
	[sflag:s29] =	ssyncset.done $0x0  }
0x69: {  	[sflag:s29] =	ssyncadd.s32 $0xFFFFB000;
	s4 =	sadd.s32 s0, s4  }
0x6a: {  	[hbm4b:s4+s2] =	stream.linear.scatter [tilespmem:s9], [sflag:$0x3], $0x5000, $0x38;
	[tilespmem:$0xB400] =	vst v63  }
0x6b: {  	_ =	swait.ge [sflag:s8], $0x5000  }
0x6c: {  	[sflag:s8] =	ssyncset.done $0x0  }
0x6d: {  	[sflag:s8] =	ssyncadd.s32 $0xFFFFB000  }
0x6e: {  	v3 =	vld [tilespmem:s1+$0x18];
	_ =	sdelay $0x4  }
0x6f: {  	v61 =	vshll.u32 v3, $0x2  }
0x70: {  	v3 =	vand.u32 $0x7, v3;
	v4 =	vand.u32 $0xFFFFFFE0, v61  }
0x71: {  	v3 =	vor.u32 v3, v4  }
0x72: {  	v4 =	vperm.xlane v3, v0;
	_ =	sdelay $0x1  }
0x73: {  	v4 =	vadd.s32 v1, v4;
	_ =	sdelay $0x1  }
0x74: {  	v3 =	vperm.xlane v3, v2;
	_ =	sdelay $0x1  }
0x75: {  	v3 =	vadd.s32 v1, v3  }
0x76: {  	[tilespmem:s9], [sflag:$0x1] =	stream.indirect_vreg.gather [hbm4b:s3+s2], $0x80, v4, vm0, $0xb8;
	[tilespmem:$0xB400] =	vst v63  }
0x77: {  	_ = 	snop  }
0x78: {  	[tilespmem:s10], [sflag:$0x1] =	stream.indirect_vreg.gather [hbm4b:s5+s2], $0x80, v4, vm0, $0xb8;
	[tilespmem:$0xB400] =	vst v63  }
0x79: {  	_ = 	snop  }
0x7a: {  	[tilespmem:s11], [sflag:$0x1] =	stream.indirect_vreg.gather [hbm4b:s3+s2], $0x80, v3, vm0, $0xb8;
	[tilespmem:$0xB400] =	vst v63  }
0x7b: {  	_ = 	snop  }
0x7c: {  	[tilespmem:s12], [sflag:$0x1] =	stream.indirect_vreg.gather [hbm4b:s5+s2], $0x80, v3, vm0, $0xb8;
	[tilespmem:$0xB400] =	vst v63  }
0x7d: {  	v3 =	vld [tilespmem:s1+$0x28];
	_ =	sdelay $0x4  }
0x7e: {  	v62 =	vshll.u32 v3, $0x2  }
0x7f: {  	v3 =	vand.u32 $0x7, v3;
	v4 =	vand.u32 $0xFFFFFFE0, v62  }
0x80: {  	v3 =	vor.u32 v3, v4  }
0x81: {  	v4 =	vperm.xlane v3, v0;
	_ =	sdelay $0x1  }
0x82: {  	v4 =	vadd.s32 v1, v4;
	_ =	sdelay $0x1  }
0x83: {  	v3 =	vperm.xlane v3, v2;
	_ =	sdelay $0x1  }
0x84: {  	v3 =	vadd.s32 v1, v3  }
0x85: {  	[tilespmem:s13], [sflag:$0x1] =	stream.indirect_vreg.gather [hbm4b:s3+s2], $0x80, v4, vm0, $0xb8;
	[tilespmem:$0xB400] =	vst v63  }
0x86: {  	_ = 	snop  }
0x87: {  	[tilespmem:s14], [sflag:$0x1] =	stream.indirect_vreg.gather [hbm4b:s5+s2], $0x80, v4, vm0, $0xb8;
	[tilespmem:$0xB400] =	vst v63  }
0x88: {  	_ = 	snop  }
0x89: {  	[tilespmem:s15], [sflag:$0x1] =	stream.indirect_vreg.gather [hbm4b:s3+s2], $0x80, v3, vm0, $0xb8;
	[tilespmem:$0xB400] =	vst v63  }
0x8a: {  	_ = 	snop  }
0x8b: {  	[tilespmem:s16], [sflag:$0x1] =	stream.indirect_vreg.gather [hbm4b:s5+s2], $0x80, v3, vm0, $0xb8;
	[tilespmem:$0xB400] =	vst v63  }
0x8c: {  	v3 =	vld.msk [tilespmem:s1+$0x38], $0xff;
	_ =	sdelay $0x4  }
0x8d: {  	v63 =	vshll.u32 v3, $0x2  }
0x8e: {  	v3 =	vand.u32 $0x7, v3;
	v4 =	vand.u32 $0xFFFFFFE0, v63  }
0x8f: {  	v3 =	vor.u32 v3, v4  }
0x90: {  	v3 =	vperm.xlane v3, v0;
	_ =	sdelay $0x1  }
0x91: {  	v3 =	vadd.s32 v1, v3;
	_ =	sdelay $0x4  }
0x92: {  	[tilespmem:s17], [sflag:$0x1] =	stream.indirect_vreg.gather [hbm4b:s3+s2], $0x80, v3, vm0, $0xb8;
	[tilespmem:$0xB400] =	vst v63  }
0x93: {  	_ = 	snop  }
0x94: {  	[tilespmem:s18], [sflag:$0x1] =	stream.indirect_vreg.gather [hbm4b:s5+s2], $0x80, v3, vm0, $0xb8;
	[tilespmem:$0xB400] =	vst v63  }
0x95: {  	_ =	swait.ge [sflag:s30], $0x5000  }
0x96: {  	p0 =	sne.s32 s0, $0x4C400;
	[sflag:s30] =	ssyncset.done $0x0  }
.Ltmp0:
0x97: {  	s4 =	sadd.s32 $0xA00, s4;
	[sflag:s30] =	ssyncadd.s32 $0xFFFFB000;
	(pc) =	sbr.rel @p0 .LBB2_2-.Ltmp0, $4  }
0x98: {  	[hbm4b:s4+s2] =	stream.linear.scatter [tilespmem:s19], [sflag:$0x3], $0x5000, $0x38;
	[tilespmem:$0xB400] =	vst v63  }
0x99: {  	_ =	swait.ge [sflag:s8], $0x5000  }
0x9a: {  	[sflag:s8] =	ssyncset.done $0x0  }
0x9b: {  	s0 =	sadd.s32 $0x1400, s0;
	s1 =	sadd.s32 $0x50, s1;
	[sflag:s8] =	ssyncadd.s32 $0xFFFFB000  }
0x9c: {  	_ =	swait.ge [sflag:s29], $0x5000;
	s31 =	sadd.s32 $0x1, s31  }
0x9d: {  	[sflag:s29] =	ssyncset.done $0x0;
	p0 =	sne.s32 s31, s7  }
.Ltmp1:
0x9e: {  	[sflag:s29] =	ssyncadd.s32 $0xFFFFB000;
	(pc) =	sbr.rel @p0 .LBB2_1-.Ltmp1, $4  }
0x9f: {  	[hbm4b:s6+s2] =	stream.linear.scatter [tilespmem:s9], [sflag:$0x3], $0x5000, $0x38;
	[tilespmem:$0xB400] =	vst v63  }
0xa0: {  	_ =	swait.ge [sflag:s8], $0x5000  }
0xa1: {  	[sflag:s8] =	ssyncset.done $0x0  }
0xa2: {  	[sflag:s8] =	ssyncadd.s32 $0xFFFFB000  }
0xa3: {  	_ =	sfence.sel $0x180000  }
0xa4: {  	[bflag:$0x0] =	sbarrier.arrive $0xFFFF  }
0xa5: {  	_ =	strace $0x90000047  }
0xa6: {  	s0 =	stileid.u32;
	[bflag:$0x2] =	sbarrier.arrive $0xFFFF  }
0xa7: {  	p0 =	sne.s32 s0, $0x0;
	s0 =	rddreg [dreg:$0x1]  }
0xa8: {  	s0 =	sadd.s32 @!p0 $0x100000, s0  }
0xa9: {  	[sflag:s0] =	ssyncadd.tile.s32 @!p0 $0x1;
	_ =	shalt  }
.Lfunc_end2:
_tile_overlayer_lowered:
.L_overlay_start_2:
0xaa: {  	(tag) =	ssettag $0x2  }
0xab: {  	s0 =	rddreg [dreg:$0x0];
	s2 =	stileid.u32  }
0xac: {  	s1 =	rddreg [dreg:$0x1];
	p0 =	sne.s32 s2, $0x0  }
0xad: {  	s3 =	rddreg [dreg:$0x2];
	[bflag:$0x3] =	sbarrier.arrive $0xFFFF;
	s2 =	simm.s32 @!p0 $0x1C03  }
0xae: {  	[timem:s3], [sflag:s2] =	dma.local @!p0 [hbm:s0], s1  }
0xaf: {  	s0 =	simm.s32 @!p0 $0x3  }
0xb0: {  	_ =	swait.ge @!p0 [sflag:s0], s1  }
0xb1: {  	s1 =	ssub.s32 @!p0 $0x0, s1;
	[sflag:s0] =	ssyncset.done @!p0 $0x0  }
0xb2: {  	[sflag:s0] =	ssyncadd.s32 @!p0 s1  }
0xb3: {  	[bflag:$0x3] =	sbarrier.arrive $0xFFFF  }
0xb4: {  	_ =	shalt  }

</sc_bundles>
